<compile_context>
chip_gen: v7x
topology: tpu7x:2x2x1
jax: 0.10.2.dev20260603
libtpu: 0.0.44.dev20260713+nightly
codegen_flags: <defaults>
</compile_context>

<pallas_src>
import dataclasses
import functools

import jax
import jax.numpy as jnp
from jax import lax
from jax.experimental import pallas as pl
from jax.experimental.pallas import tpu as pltpu
from jax.experimental.pallas import tpu_sc as plsc

_TOP_K = 8
_N_EXP = 64
_ROWS_PER_BLOCK = 1024
_N_TILES = 32
_SC_CORES = 2
_N_CHUNKS = 2


def _matmul_block_first(hs_ref, gw_ref, logits_ref, flat_ref):
    _matmul_body(hs_ref, gw_ref, logits_ref, flat_ref)


def _matmul_block(hs_ref, gw_ref, prev_ref, logits_ref, flat_ref):
    del prev_ref
    _matmul_body(hs_ref, gw_ref, logits_ref, flat_ref)


def _matmul_body(hs_ref, gw_ref, logits_ref, flat_ref):
    hs = hs_ref[...]
    gw = gw_ref[...]
    r, dim = hs.shape
    dn = (((1,), (1,)), ((), ()))
    top = jax.lax.dot_general(
        hs[0:r // 2, :], gw, dn, preferred_element_type=jnp.float32)
    bot = jax.lax.dot_general(
        hs[r // 2:r, :], gw, dn, preferred_element_type=jnp.float32)
    logits_ref[...] = jnp.concatenate([top, bot], axis=0)
    flat_ref[...] = jnp.concatenate([top, bot], axis=1)


def _matmul_chunk(hidden_states, gate_weight, prev_logits, chunk, n_chunks):
    tokens, dim = hidden_states.shape
    n_exp = gate_weight.shape[0]
    rows_c = tokens // n_chunks
    r = min(_ROWS_PER_BLOCK, rows_c)
    blk0 = chunk * (rows_c // r)
    in_specs = [
        pl.BlockSpec((r, dim), lambda b: (b + blk0, 0)),
        pl.BlockSpec((n_exp, dim), lambda b: (0, 0)),
    ]
    operands = [hidden_states, gate_weight]
    if prev_logits is None:
        body = _matmul_block_first
        aliases = {}
    else:
        body = _matmul_block
        in_specs.append(pl.BlockSpec(memory_space=pltpu.MemorySpace.HBM))
        operands.append(prev_logits)
        aliases = {2: 0}
    return pl.pallas_call(
        body,
        grid=(rows_c // r,),
        in_specs=in_specs,
        out_specs=(
            pl.BlockSpec((r, n_exp), lambda b: (b + blk0, 0)),
            pl.BlockSpec((r // 2, 2 * n_exp), lambda b: (b, 0)),
        ),
        out_shape=(
            jax.ShapeDtypeStruct((tokens, n_exp), jnp.float32),
            jax.ShapeDtypeStruct((rows_c // 2, 2 * n_exp), jnp.float32),
        ),
        input_output_aliases=aliases,
        compiler_params=pltpu.CompilerParams(
            dimension_semantics=("arbitrary",),
        ),
    )(*operands)




def _make_topk_sc(rows_c, r_block):
    half = r_block // 2
    rows_flat = rows_c // 2
    tpw = rows_flat // _N_TILES
    mesh = plsc.VectorSubcoreMesh(core_axis_name="c", subcore_axis_name="s")
    cp = pltpu.CompilerParams()
    if "needs_layout_passes" in pltpu.CompilerParams.__dataclass_fields__:
        cp = dataclasses.replace(cp, needs_layout_passes=False)

    @functools.partial(
        pl.kernel,
        out_type=(
            jax.ShapeDtypeStruct((rows_c * _TOP_K,), jnp.float32),
            jax.ShapeDtypeStruct((rows_c * _TOP_K,), jnp.int32),
        ),
        mesh=mesh,
        scratch_types=[
            pltpu.VMEM((tpw * 128,), jnp.float32),
            pltpu.VMEM((2 * tpw * _TOP_K + 16,), jnp.float32),
            pltpu.VMEM((2 * tpw * _TOP_K + 16,), jnp.int32),
        ],
        compiler_params=cp,
    )
    def topk_kernel(flat_hbm, w_hbm, i_hbm, lv, wv, iv):
        wid = lax.axis_index("s") * _SC_CORES + lax.axis_index("c")
        fbase = wid * tpw
        pltpu.sync_copy(flat_hbm.at[pl.ds(fbase * 128, tpw * 128)], lv)

        blk = fbase // half
        tok_top = blk * r_block + (fbase - blk * half)
        tok_bot = tok_top + half

        lanes = lax.iota(jnp.int32, 16)
        low = lanes < 8

        def merge(ak, av, bk, bv):
            mk = jnp.where(low, ak, lax.rev(bk, (0,)))
            mv = jnp.where(low, av, lax.rev(bv, (0,)))
            return plsc.sort_key_val(mk, mv, descending=True)

        @plsc.parallel_loop(0, tpw, 1, unroll=2)
        def _row(r):
            rbase = r * 128
            for h in range(2):
                ks, vs = [], []
                for j in range(4):
                    c = lv[pl.ds(rbase + h * 64 + 16 * j, 16)]
                    sk, sv = plsc.sort_key_val(c, lanes + (16 * j),
                                               descending=True)
                    ks.append(sk)
                    vs.append(sv)
                abk, abv = merge(ks[0], vs[0], ks[1], vs[1])
                cdk, cdv = merge(ks[2], vs[2], ks[3], vs[3])
                k8, i8 = merge(abk, abv, cdk, cdv)

                m = jnp.max(k8)
                e = jnp.exp(k8 - m)
                den = jnp.sum(jnp.where(low, e, 0.0))
                w = e / den
                out = (h * tpw + r) * _TOP_K
                plsc.store_compressed(wv.at[pl.ds(out, 16)], w, mask=low)
                plsc.store_compressed(iv.at[pl.ds(out, 16)], i8, mask=low)

        n = tpw * _TOP_K
        pltpu.sync_copy(wv.at[pl.ds(0, n)],
                        w_hbm.at[pl.ds(tok_top * _TOP_K, n)])
        pltpu.sync_copy(iv.at[pl.ds(0, n)],
                        i_hbm.at[pl.ds(tok_top * _TOP_K, n)])
        pltpu.sync_copy(wv.at[pl.ds(n, n)],
                        w_hbm.at[pl.ds(tok_bot * _TOP_K, n)])
        pltpu.sync_copy(iv.at[pl.ds(n, n)],
                        i_hbm.at[pl.ds(tok_bot * _TOP_K, n)])

    return topk_kernel


@jax.jit
def kernel(hidden_states, gate_weight):
    tokens, dim = hidden_states.shape
    rows_c = tokens // _N_CHUNKS
    r = min(_ROWS_PER_BLOCK, rows_c)
    topk = _make_topk_sc(rows_c, r)
    w_parts, i_parts = [], []
    logits = None
    for c in range(_N_CHUNKS):
        logits, flat = _matmul_chunk(hidden_states, gate_weight, logits,
                                     c, _N_CHUNKS)
        w_f, i_f = topk(flat.reshape(-1))
        w_parts.append(w_f)
        i_parts.append(i_f)
    w2 = jnp.concatenate(
        [p.reshape(rows_c * _TOP_K // 128, 128) for p in w_parts], axis=0)
    i2 = jnp.concatenate(
        [p.reshape(rows_c * _TOP_K // 128, 128) for p in i_parts], axis=0)
    w2, i2 = jax.lax.optimization_barrier((w2, i2))
    w = w2.reshape(tokens, _TOP_K)
    i = i2.reshape(tokens, _TOP_K)
    return (w, i, logits)

# --- scband reference (transcript-rebuilt; emitter-appended) ---
"""Pipeline reference for scband-qwen3-mo-erouter-37933151158602 (READ-ONLY COPY).

The authoritative reference and input builder live on the scoring server;
editing this copy changes nothing except your own understanding.
"""

import jax, jax.numpy as jnp
import numpy as np

TOP_K = 8

def setup_inputs(seed: int = 0) -> dict:
    key = jax.random.key(seed)
    k1, k2 = jax.random.split(key)
    hidden_states = jax.random.normal(k1, (8192, 2048), dtype=jnp.float32)
    gate_weight = jax.random.normal(k2, (64, 2048), dtype=jnp.float32) * 0.02
    return {"hidden_states": hidden_states, "gate_weight": gate_weight}

def reference(hidden_states, gate_weight):
    # logits = hidden_states @ gate_weight.T  (nn.Linear with weight [out, in], no bias)
    logits = jnp.dot(hidden_states, gate_weight.T)
    scores = jax.nn.softmax(logits, axis=-1)
    topk_weights, topk_indices = jax.lax.top_k(scores, TOP_K)
    topk_weights = topk_weights / jnp.sum(topk_weights, axis=-1, keepdims=True)
    return (topk_weights, topk_indices, logits)

if __name__ == "__main__":
    import jax
    _d = setup_inputs()
    print(jax.jit(kernel)(*tuple(_d.values())))

</pallas_src>

<mosaic_0001>
#map = affine_map<(d0, d1) -> (0)>
module attributes {stable_mosaic.version = 14 : i64} {
  func.func @topk_kernel(%arg0: i32, %arg1: i32, %arg2: memref<262144xf32, #tpu.memory_space<hbm>>, %arg3: memref<32768xf32, #tpu.memory_space<hbm>>, %arg4: memref<32768xi32, #tpu.memory_space<hbm>>, %arg5: memref<8192xf32, #tpu.memory_space<vmem>>, %arg6: memref<1040xf32, #tpu.memory_space<vmem>>, %arg7: memref<1040xi32, #tpu.memory_space<vmem>>) attributes {dimension_semantics = [#tpu.dimension_semantics<core_parallel>, #tpu.dimension_semantics<subcore_parallel>], iteration_bounds = array<i64: 2, 16>, scalar_prefetch = 0 : i64, scratch_operands = 3 : i64, tpu.core_type = #tpu.core_type<sc_vector_subcore>, window_params = [{transform_indices = #map}, {transform_indices = #map}, {transform_indices = #map}]} {
    %mul3A = arith.constant 2 : i32
    %mul3A_0 = arith.muli %arg1, %mul3A : i32
    %add3A = arith.addi %mul3A_0, %arg0 : i32
    %mul3A_1 = arith.constant 64 : i32
    %mul3A_2 = arith.muli %add3A, %mul3A_1 : i32
    %mul3A_3 = arith.constant 128 : i32
    %mul3A_4 = arith.muli %mul3A_2, %mul3A_3 : i32
    "tpu.region"() ({
      %run_scoped3A = tpu.sem_alloc : memref<!tpu.dma_semaphore, #tpu.memory_space<semaphore_mem>>
      %dma_start3A = tpu.memref_slice %arg2[%mul3A_4] : memref<262144xf32, #tpu.memory_space<hbm>> -> memref<8192xf32, #tpu.memory_space<hbm>>
      %dma_start3A_41 = tpu.memref_slice %arg2[%mul3A_4] : memref<262144xf32, #tpu.memory_space<hbm>> -> memref<8192xf32, #tpu.memory_space<hbm>>
      tpu.enqueue_dma source(%dma_start3A_41 : memref<8192xf32, #tpu.memory_space<hbm>>) target(%arg5 : memref<8192xf32, #tpu.memory_space<vmem>>) target_semaphore(%run_scoped3A : memref<!tpu.dma_semaphore, #tpu.memory_space<semaphore_mem>>)
      %dma_wait3A = tpu.memref_slice %arg2[%mul3A_4] : memref<262144xf32, #tpu.memory_space<hbm>> -> memref<8192xf32, #tpu.memory_space<hbm>>
      %dma_wait3A_42 = tpu.memref_slice %arg2[%mul3A_4] : memref<262144xf32, #tpu.memory_space<hbm>> -> memref<8192xf32, #tpu.memory_space<hbm>>
      tpu.wait_dma2 semaphore(%run_scoped3A : memref<!tpu.dma_semaphore, #tpu.memory_space<semaphore_mem>>) src(%dma_wait3A_42 : memref<8192xf32, #tpu.memory_space<hbm>>) dst(%arg5 : memref<8192xf32, #tpu.memory_space<vmem>>)
      tpu.yield
    }) : () -> ()
    %jit3A = arith.constant 512 : i32
    %div3A = arith.divsi %mul3A_2, %jit3A : i32
    %sign3A = arith.constant 0 : i32
    %sign3A_5 = arith.cmpi sgt, %mul3A_2, %sign3A : i32
    %sign3A_6 = arith.extui %sign3A_5 : i1 to i32
    %sign3A_7 = arith.constant 0 : i32
    %sign3A_8 = arith.cmpi slt, %mul3A_2, %sign3A_7 : i32
    %sign3A_9 = arith.extui %sign3A_8 : i1 to i32
    %sign3A_10 = arith.subi %sign3A_6, %sign3A_9 : i32
    %sign3A_11 = arith.constant 0 : i32
    %sign3A_12 = arith.cmpi sgt, %jit3A, %sign3A_11 : i32
    %sign3A_13 = arith.extui %sign3A_12 : i1 to i32
    %sign3A_14 = arith.constant 0 : i32
    %sign3A_15 = arith.cmpi slt, %jit3A, %sign3A_14 : i32
    %sign3A_16 = arith.extui %sign3A_15 : i1 to i32
    %sign3A_17 = arith.subi %sign3A_13, %sign3A_16 : i32
    %ne3A = arith.cmpi ne, %sign3A_10, %sign3A_17 : i32
    %rem3A = arith.remsi %mul3A_2, %jit3A : i32
    %ne3A_18 = arith.constant 0 : i32
    %ne3A_19 = arith.cmpi ne, %rem3A, %ne3A_18 : i32
    %and3A = arith.andi %ne3A, %ne3A_19 : i1
    %sub3A = arith.constant 1 : i32
    %sub3A_20 = arith.subi %div3A, %sub3A : i32
    %select_n3A = arith.select %and3A, %sub3A_20, %div3A : i32
    %mul3A_21 = arith.constant 1024 : i32
    %mul3A_22 = arith.muli %select_n3A, %mul3A_21 : i32
    %mul3A_23 = arith.constant 512 : i32
    %mul3A_24 = arith.muli %select_n3A, %mul3A_23 : i32
    %sub3A_25 = arith.subi %mul3A_2, %mul3A_24 : i32
    %add3A_26 = arith.addi %mul3A_22, %sub3A_25 : i32
    %add3A_27 = arith.constant 512 : i32
    %add3A_28 = arith.addi %add3A_26, %add3A_27 : i32
    %iota3A = tpu.iota {dimensions = array<i32: 0>} : vector<16xi32>
    %lt3A = arith.constant 8 : i32
    %lt3A_29 = vector.broadcast %lt3A : i32 to vector<16xi32>
    %lt3A_30 = arith.cmpi slt, %iota3A, %lt3A_29 : vector<16xi32>
    %parallel_loop3A = arith.constant 0 : i32
    %parallel_loop3A_31 = arith.constant 64 : i32
    %parallel_loop3A_32 = arith.constant 1 : i32
    scf.for %parallel_loop3A_41 = %parallel_loop3A to %parallel_loop3A_31 step %parallel_loop3A_32  : i32 {
      %parallel_loop3A_42 = arith.constant 128 : i32
      %parallel_loop3A_43 = arith.muli %parallel_loop3A_41, %parallel_loop3A_42 : i32
      %parallel_loop3A_44 = arith.constant 0 : i32
      %parallel_loop3A_45 = arith.addi %parallel_loop3A_43, %parallel_loop3A_44 : i32
      %parallel_loop3A_46 = arith.constant 0 : i32
      %parallel_loop3A_47 = arith.addi %parallel_loop3A_45, %parallel_loop3A_46 : i32
      %parallel_loop3A_48 = arith.index_cast %parallel_loop3A_47 : i32 to index
      %parallel_loop3A_49 = tpu.vector_load %arg5[%parallel_loop3A_48] {strides = array<i32>} : memref<8192xf32, #tpu.memory_space<vmem>>, vector<16xf32>,
      %parallel_loop3A_50 = arith.constant 0 : i32
      %parallel_loop3A_51 = vector.broadcast %parallel_loop3A_50 : i32 to vector<16xi32>
      %parallel_loop3A_52 = arith.addi %iota3A, %parallel_loop3A_51 : vector<16xi32>
      %parallel_loop3A_53 = arith.constant dense<true> : vector<16xi1>
      %parallel_loop3A_54, %parallel_loop3A_55, %parallel_loop3A_56 = tpu.sort %parallel_loop3A_49, %parallel_loop3A_52 masked %parallel_loop3A_53 {descending = true} : (vector<16xf32>, vector<16xi32>, vector<16xi1>) -> (vector<16xi1>, vector<16xf32>, vector<16xi32>)
      %parallel_loop3A_57 = arith.constant 0 : i32
      %parallel_loop3A_58 = arith.addi %parallel_loop3A_43, %parallel_loop3A_57 : i32
      %parallel_loop3A_59 = arith.constant 16 : i32
      %parallel_loop3A_60 = arith.addi %parallel_loop3A_58, %parallel_loop3A_59 : i32
      %parallel_loop3A_61 = arith.index_cast %parallel_loop3A_60 : i32 to index
      %parallel_loop3A_62 = tpu.vector_load %arg5[%parallel_loop3A_61] {strides = array<i32>} : memref<8192xf32, #tpu.memory_space<vmem>>, vector<16xf32>,
      %parallel_loop3A_63 = arith.constant 16 : i32
      %parallel_loop3A_64 = vector.broadcast %parallel_loop3A_63 : i32 to vector<16xi32>
      %parallel_loop3A_65 = arith.addi %iota3A, %parallel_loop3A_64 : vector<16xi32>
      %parallel_loop3A_66 = arith.constant dense<true> : vector<16xi1>
      %parallel_loop3A_67, %parallel_loop3A_68, %parallel_loop3A_69 = tpu.sort %parallel_loop3A_62, %parallel_loop3A_65 masked %parallel_loop3A_66 {descending = true} : (vector<16xf32>, vector<16xi32>, vector<16xi1>) -> (vector<16xi1>, vector<16xf32>, vector<16xi32>)
      %parallel_loop3A_70 = arith.constant 0 : i32
      %parallel_loop3A_71 = arith.addi %parallel_loop3A_43, %parallel_loop3A_70 : i32
      %parallel_loop3A_72 = arith.constant 32 : i32
      %parallel_loop3A_73 = arith.addi %parallel_loop3A_71, %parallel_loop3A_72 : i32
      %parallel_loop3A_74 = arith.index_cast %parallel_loop3A_73 : i32 to index
      %parallel_loop3A_75 = tpu.vector_load %arg5[%parallel_loop3A_74] {strides = array<i32>} : memref<8192xf32, #tpu.memory_space<vmem>>, vector<16xf32>,
      %parallel_loop3A_76 = arith.constant 32 : i32
      %parallel_loop3A_77 = vector.broadcast %parallel_loop3A_76 : i32 to vector<16xi32>
      %parallel_loop3A_78 = arith.addi %iota3A, %parallel_loop3A_77 : vector<16xi32>
      %parallel_loop3A_79 = arith.constant dense<true> : vector<16xi1>
      %parallel_loop3A_80, %parallel_loop3A_81, %parallel_loop3A_82 = tpu.sort %parallel_loop3A_75, %parallel_loop3A_78 masked %parallel_loop3A_79 {descending = true} : (vector<16xf32>, vector<16xi32>, vector<16xi1>) -> (vector<16xi1>, vector<16xf32>, vector<16xi32>)
      %parallel_loop3A_83 = arith.constant 0 : i32
      %parallel_loop3A_84 = arith.addi %parallel_loop3A_43, %parallel_loop3A_83 : i32
      %parallel_loop3A_85 = arith.constant 48 : i32
      %parallel_loop3A_86 = arith.addi %parallel_loop3A_84, %parallel_loop3A_85 : i32
      %parallel_loop3A_87 = arith.index_cast %parallel_loop3A_86 : i32 to index
      %parallel_loop3A_88 = tpu.vector_load %arg5[%parallel_loop3A_87] {strides = array<i32>} : memref<8192xf32, #tpu.memory_space<vmem>>, vector<16xf32>,
      %parallel_loop3A_89 = arith.constant 48 : i32
      %parallel_loop3A_90 = vector.broadcast %parallel_loop3A_89 : i32 to vector<16xi32>
      %parallel_loop3A_91 = arith.addi %iota3A, %parallel_loop3A_90 : vector<16xi32>
      %parallel_loop3A_92 = arith.constant dense<true> : vector<16xi1>
      %parallel_loop3A_93, %parallel_loop3A_94, %parallel_loop3A_95 = tpu.sort %parallel_loop3A_88, %parallel_loop3A_91 masked %parallel_loop3A_92 {descending = true} : (vector<16xf32>, vector<16xi32>, vector<16xi1>) -> (vector<16xi1>, vector<16xf32>, vector<16xi32>)
      %parallel_loop3A_96 = arith.constant 15 : i32
      %parallel_loop3A_97 = vector.broadcast %parallel_loop3A_96 : i32 to vector<16xi32>
      %parallel_loop3A_98 = tpu.iota {dimensions = array<i32: 0>} : vector<16xi32>
      %parallel_loop3A_99 = arith.subi %parallel_loop3A_97, %parallel_loop3A_98 : vector<16xi32>
      %parallel_loop3A_100 = tpu.dynamic_gather %parallel_loop3A_68[%parallel_loop3A_99] in [0] : vector<16xf32>, vector<16xi32> -> vector<16xf32>
      %parallel_loop3A_101 = arith.select %lt3A_30, %parallel_loop3A_55, %parallel_loop3A_100 : vector<16xi1>, vector<16xf32>
      %parallel_loop3A_102 = arith.constant 15 : i32
      %parallel_loop3A_103 = vector.broadcast %parallel_loop3A_102 : i32 to vector<16xi32>
      %parallel_loop3A_104 = tpu.iota {dimensions = array<i32: 0>} : vector<16xi32>
      %parallel_loop3A_105 = arith.subi %parallel_loop3A_103, %parallel_loop3A_104 : vector<16xi32>
      %parallel_loop3A_106 = tpu.dynamic_gather %parallel_loop3A_69[%parallel_loop3A_105] in [0] : vector<16xi32>, vector<16xi32> -> vector<16xi32>
      %parallel_loop3A_107 = arith.select %lt3A_30, %parallel_loop3A_56, %parallel_loop3A_106 : vector<16xi1>, vector<16xi32>
      %parallel_loop3A_108 = arith.constant dense<true> : vector<16xi1>
      %parallel_loop3A_109, %parallel_loop3A_110, %parallel_loop3A_111 = tpu.sort %parallel_loop3A_101, %parallel_loop3A_107 masked %parallel_loop3A_108 {descending = true} : (vector<16xf32>, vector<16xi32>, vector<16xi1>) -> (vector<16xi1>, vector<16xf32>, vector<16xi32>)
      %parallel_loop3A_112 = arith.constant 15 : i32
      %parallel_loop3A_113 = vector.broadcast %parallel_loop3A_112 : i32 to vector<16xi32>
      %parallel_loop3A_114 = tpu.iota {dimensions = array<i32: 0>} : vector<16xi32>
      %parallel_loop3A_115 = arith.subi %parallel_loop3A_113, %parallel_loop3A_114 : vector<16xi32>
      %parallel_loop3A_116 = tpu.dynamic_gather %parallel_loop3A_94[%parallel_loop3A_115] in [0] : vector<16xf32>, vector<16xi32> -> vector<16xf32>
      %parallel_loop3A_117 = arith.select %lt3A_30, %parallel_loop3A_81, %parallel_loop3A_116 : vector<16xi1>, vector<16xf32>
      %parallel_loop3A_118 = arith.constant 15 : i32
      %parallel_loop3A_119 = vector.broadcast %parallel_loop3A_118 : i32 to vector<16xi32>
      %parallel_loop3A_120 = tpu.iota {dimensions = array<i32: 0>} : vector<16xi32>
      %parallel_loop3A_121 = arith.subi %parallel_loop3A_119, %parallel_loop3A_120 : vector<16xi32>
      %parallel_loop3A_122 = tpu.dynamic_gather %parallel_loop3A_95[%parallel_loop3A_121] in [0] : vector<16xi32>, vector<16xi32> -> vector<16xi32>
      %parallel_loop3A_123 = arith.select %lt3A_30, %parallel_loop3A_82, %parallel_loop3A_122 : vector<16xi1>, vector<16xi32>
      %parallel_loop3A_124 = arith.constant dense<true> : vector<16xi1>
      %parallel_loop3A_125, %parallel_loop3A_126, %parallel_loop3A_127 = tpu.sort %parallel_loop3A_117, %parallel_loop3A_123 masked %parallel_loop3A_124 {descending = true} : (vector<16xf32>, vector<16xi32>, vector<16xi1>) -> (vector<16xi1>, vector<16xf32>, vector<16xi32>)
      %parallel_loop3A_128 = arith.constant 15 : i32
      %parallel_loop3A_129 = vector.broadcast %parallel_loop3A_128 : i32 to vector<16xi32>
      %parallel_loop3A_130 = tpu.iota {dimensions = array<i32: 0>} : vector<16xi32>
      %parallel_loop3A_131 = arith.subi %parallel_loop3A_129, %parallel_loop3A_130 : vector<16xi32>
      %parallel_loop3A_132 = tpu.dynamic_gather %parallel_loop3A_126[%parallel_loop3A_131] in [0] : vector<16xf32>, vector<16xi32> -> vector<16xf32>
      %parallel_loop3A_133 = arith.select %lt3A_30, %parallel_loop3A_110, %parallel_loop3A_132 : vector<16xi1>, vector<16xf32>
      %parallel_loop3A_134 = arith.constant 15 : i32
      %parallel_loop3A_135 = vector.broadcast %parallel_loop3A_134 : i32 to vector<16xi32>
      %parallel_loop3A_136 = tpu.iota {dimensions = array<i32: 0>} : vector<16xi32>
      %parallel_loop3A_137 = arith.subi %parallel_loop3A_135, %parallel_loop3A_136 : vector<16xi32>
      %parallel_loop3A_138 = tpu.dynamic_gather %parallel_loop3A_127[%parallel_loop3A_137] in [0] : vector<16xi32>, vector<16xi32> -> vector<16xi32>
      %parallel_loop3A_139 = arith.select %lt3A_30, %parallel_loop3A_111, %parallel_loop3A_138 : vector<16xi1>, vector<16xi32>
      %parallel_loop3A_140 = arith.constant dense<true> : vector<16xi1>
      %parallel_loop3A_141, %parallel_loop3A_142, %parallel_loop3A_143 = tpu.sort %parallel_loop3A_133, %parallel_loop3A_139 masked %parallel_loop3A_140 {descending = true} : (vector<16xf32>, vector<16xi32>, vector<16xi1>) -> (vector<16xi1>, vector<16xf32>, vector<16xi32>)
      %parallel_loop3A_144 = arith.constant true
      %parallel_loop3A_145 = vector.broadcast %parallel_loop3A_144 : i1 to vector<16xi1>
      %parallel_loop3A_146 = tpu.scan <max>, %parallel_loop3A_142 masked %parallel_loop3A_145 : vector<16xf32>, vector<16xi1> -> vector<16xf32>
      %parallel_loop3A_147 = vector.extract %parallel_loop3A_146[15] : f32 from vector<16xf32>
      %parallel_loop3A_148 = vector.broadcast %parallel_loop3A_147 : f32 to vector<16xf32>
      %parallel_loop3A_149 = arith.subf %parallel_loop3A_142, %parallel_loop3A_148 : vector<16xf32>
      %parallel_loop3A_150 = math.exp %parallel_loop3A_149 : vector<16xf32>
      %parallel_loop3A_151 = arith.constant 0.000000e+00 : f32
      %parallel_loop3A_152 = vector.broadcast %parallel_loop3A_151 : f32 to vector<16xf32>
      %parallel_loop3A_153 = arith.select %lt3A_30, %parallel_loop3A_150, %parallel_loop3A_152 : vector<16xi1>, vector<16xf32>
      %parallel_loop3A_154 = arith.constant true
      %parallel_loop3A_155 = vector.broadcast %parallel_loop3A_154 : i1 to vector<16xi1>
      %parallel_loop3A_156 = tpu.scan <sum>, %parallel_loop3A_153 masked %parallel_loop3A_155 : vector<16xf32>, vector<16xi1> -> vector<16xf32>
      %parallel_loop3A_157 = vector.extract %parallel_loop3A_156[15] : f32 from vector<16xf32>
      %parallel_loop3A_158 = vector.broadcast %parallel_loop3A_157 : f32 to vector<16xf32>
      %parallel_loop3A_159 = arith.divf %parallel_loop3A_150, %parallel_loop3A_158 : vector<16xf32>
      %parallel_loop3A_160 = arith.constant 0 : i32
      %parallel_loop3A_161 = arith.addi %parallel_loop3A_160, %parallel_loop3A_41 : i32
      %parallel_loop3A_162 = arith.constant 8 : i32
      %parallel_loop3A_163 = arith.muli %parallel_loop3A_161, %parallel_loop3A_162 : i32
      %parallel_loop3A_164 = arith.index_cast %parallel_loop3A_163 : i32 to index
      %parallel_loop3A_165 = tpu.vector_load %arg6[%parallel_loop3A_164] masked %lt3A_30 {strides = array<i32>} : memref<1040xf32, #tpu.memory_space<vmem>>, vector<16xf32>, vector<16xi1>
      tpu.vector_store %arg6[%parallel_loop3A_164], %parallel_loop3A_159 masked %lt3A_30 {strides = array<i32>} : memref<1040xf32, #tpu.memory_space<vmem>>, vector<16xf32>, vector<16xi1>
      %parallel_loop3A_166 = arith.index_cast %parallel_loop3A_163 : i32 to index
      %parallel_loop3A_167 = tpu.vector_load %arg7[%parallel_loop3A_166] masked %lt3A_30 {strides = array<i32>} : memref<1040xi32, #tpu.memory_space<vmem>>, vector<16xi32>, vector<16xi1>
      tpu.vector_store %arg7[%parallel_loop3A_166], %parallel_loop3A_143 masked %lt3A_30 {strides = array<i32>} : memref<1040xi32, #tpu.memory_space<vmem>>, vector<16xi32>, vector<16xi1>
      %parallel_loop3A_168 = arith.constant 64 : i32
      %parallel_loop3A_169 = arith.addi %parallel_loop3A_43, %parallel_loop3A_168 : i32
      %parallel_loop3A_170 = arith.constant 0 : i32
      %parallel_loop3A_171 = arith.addi %parallel_loop3A_169, %parallel_loop3A_170 : i32
      %parallel_loop3A_172 = arith.index_cast %parallel_loop3A_171 : i32 to index
      %parallel_loop3A_173 = tpu.vector_load %arg5[%parallel_loop3A_172] {strides = array<i32>} : memref<8192xf32, #tpu.memory_space<vmem>>, vector<16xf32>,
      %parallel_loop3A_174 = arith.constant 0 : i32
      %parallel_loop3A_175 = vector.broadcast %parallel_loop3A_174 : i32 to vector<16xi32>
      %parallel_loop3A_176 = arith.addi %iota3A, %parallel_loop3A_175 : vector<16xi32>
      %parallel_loop3A_177 = arith.constant dense<true> : vector<16xi1>
      %parallel_loop3A_178, %parallel_loop3A_179, %parallel_loop3A_180 = tpu.sort %parallel_loop3A_173, %parallel_loop3A_176 masked %parallel_loop3A_177 {descending = true} : (vector<16xf32>, vector<16xi32>, vector<16xi1>) -> (vector<16xi1>, vector<16xf32>, vector<16xi32>)
      %parallel_loop3A_181 = arith.constant 64 : i32
      %parallel_loop3A_182 = arith.addi %parallel_loop3A_43, %parallel_loop3A_181 : i32
      %parallel_loop3A_183 = arith.constant 16 : i32
      %parallel_loop3A_184 = arith.addi %parallel_loop3A_182, %parallel_loop3A_183 : i32
      %parallel_loop3A_185 = arith.index_cast %parallel_loop3A_184 : i32 to index
      %parallel_loop3A_186 = tpu.vector_load %arg5[%parallel_loop3A_185] {strides = array<i32>} : memref<8192xf32, #tpu.memory_space<vmem>>, vector<16xf32>,
      %parallel_loop3A_187 = arith.constant 16 : i32
      %parallel_loop3A_188 = vector.broadcast %parallel_loop3A_187 : i32 to vector<16xi32>
      %parallel_loop3A_189 = arith.addi %iota3A, %parallel_loop3A_188 : vector<16xi32>
      %parallel_loop3A_190 = arith.constant dense<true> : vector<16xi1>
      %parallel_loop3A_191, %parallel_loop3A_192, %parallel_loop3A_193 = tpu.sort %parallel_loop3A_186, %parallel_loop3A_189 masked %parallel_loop3A_190 {descending = true} : (vector<16xf32>, vector<16xi32>, vector<16xi1>) -> (vector<16xi1>, vector<16xf32>, vector<16xi32>)
      %parallel_loop3A_194 = arith.constant 64 : i32
      %parallel_loop3A_195 = arith.addi %parallel_loop3A_43, %parallel_loop3A_194 : i32
      %parallel_loop3A_196 = arith.constant 32 : i32
      %parallel_loop3A_197 = arith.addi %parallel_loop3A_195, %parallel_loop3A_196 : i32
      %parallel_loop3A_198 = arith.index_cast %parallel_loop3A_197 : i32 to index
      %parallel_loop3A_199 = tpu.vector_load %arg5[%parallel_loop3A_198] {strides = array<i32>} : memref<8192xf32, #tpu.memory_space<vmem>>, vector<16xf32>,
      %parallel_loop3A_200 = arith.constant 32 : i32
      %parallel_loop3A_201 = vector.broadcast %parallel_loop3A_200 : i32 to vector<16xi32>
      %parallel_loop3A_202 = arith.addi %iota3A, %parallel_loop3A_201 : vector<16xi32>
      %parallel_loop3A_203 = arith.constant dense<true> : vector<16xi1>
      %parallel_loop3A_204, %parallel_loop3A_205, %parallel_loop3A_206 = tpu.sort %parallel_loop3A_199, %parallel_loop3A_202 masked %parallel_loop3A_203 {descending = true} : (vector<16xf32>, vector<16xi32>, vector<16xi1>) -> (vector<16xi1>, vector<16xf32>, vector<16xi32>)
      %parallel_loop3A_207 = arith.constant 64 : i32
      %parallel_loop3A_208 = arith.addi %parallel_loop3A_43, %parallel_loop3A_207 : i32
      %parallel_loop3A_209 = arith.constant 48 : i32
      %parallel_loop3A_210 = arith.addi %parallel_loop3A_208, %parallel_loop3A_209 : i32
      %parallel_loop3A_211 = arith.index_cast %parallel_loop3A_210 : i32 to index
      %parallel_loop3A_212 = tpu.vector_load %arg5[%parallel_loop3A_211] {strides = array<i32>} : memref<8192xf32, #tpu.memory_space<vmem>>, vector<16xf32>,
      %parallel_loop3A_213 = arith.constant 48 : i32
      %parallel_loop3A_214 = vector.broadcast %parallel_loop3A_213 : i32 to vector<16xi32>
      %parallel_loop3A_215 = arith.addi %iota3A, %parallel_loop3A_214 : vector<16xi32>
      %parallel_loop3A_216 = arith.constant dense<true> : vector<16xi1>
      %parallel_loop3A_217, %parallel_loop3A_218, %parallel_loop3A_219 = tpu.sort %parallel_loop3A_212, %parallel_loop3A_215 masked %parallel_loop3A_216 {descending = true} : (vector<16xf32>, vector<16xi32>, vector<16xi1>) -> (vector<16xi1>, vector<16xf32>, vector<16xi32>)
      %parallel_loop3A_220 = arith.constant 15 : i32
      %parallel_loop3A_221 = vector.broadcast %parallel_loop3A_220 : i32 to vector<16xi32>
      %parallel_loop3A_222 = tpu.iota {dimensions = array<i32: 0>} : vector<16xi32>
      %parallel_loop3A_223 = arith.subi %parallel_loop3A_221, %parallel_loop3A_222 : vector<16xi32>
      %parallel_loop3A_224 = tpu.dynamic_gather %parallel_loop3A_192[%parallel_loop3A_223] in [0] : vector<16xf32>, vector<16xi32> -> vector<16xf32>
      %parallel_loop3A_225 = arith.select %lt3A_30, %parallel_loop3A_179, %parallel_loop3A_224 : vector<16xi1>, vector<16xf32>
      %parallel_loop3A_226 = arith.constant 15 : i32
      %parallel_loop3A_227 = vector.broadcast %parallel_loop3A_226 : i32 to vector<16xi32>
      %parallel_loop3A_228 = tpu.iota {dimensions = array<i32: 0>} : vector<16xi32>
      %parallel_loop3A_229 = arith.subi %parallel_loop3A_227, %parallel_loop3A_228 : vector<16xi32>
      %parallel_loop3A_230 = tpu.dynamic_gather %parallel_loop3A_193[%parallel_loop3A_229] in [0] : vector<16xi32>, vector<16xi32> -> vector<16xi32>
      %parallel_loop3A_231 = arith.select %lt3A_30, %parallel_loop3A_180, %parallel_loop3A_230 : vector<16xi1>, vector<16xi32>
      %parallel_loop3A_232 = arith.constant dense<true> : vector<16xi1>
      %parallel_loop3A_233, %parallel_loop3A_234, %parallel_loop3A_235 = tpu.sort %parallel_loop3A_225, %parallel_loop3A_231 masked %parallel_loop3A_232 {descending = true} : (vector<16xf32>, vector<16xi32>, vector<16xi1>) -> (vector<16xi1>, vector<16xf32>, vector<16xi32>)
      %parallel_loop3A_236 = arith.constant 15 : i32
      %parallel_loop3A_237 = vector.broadcast %parallel_loop3A_236 : i32 to vector<16xi32>
      %parallel_loop3A_238 = tpu.iota {dimensions = array<i32: 0>} : vector<16xi32>
      %parallel_loop3A_239 = arith.subi %parallel_loop3A_237, %parallel_loop3A_238 : vector<16xi32>
      %parallel_loop3A_240 = tpu.dynamic_gather %parallel_loop3A_218[%parallel_loop3A_239] in [0] : vector<16xf32>, vector<16xi32> -> vector<16xf32>
      %parallel_loop3A_241 = arith.select %lt3A_30, %parallel_loop3A_205, %parallel_loop3A_240 : vector<16xi1>, vector<16xf32>
      %parallel_loop3A_242 = arith.constant 15 : i32
      %parallel_loop3A_243 = vector.broadcast %parallel_loop3A_242 : i32 to vector<16xi32>
      %parallel_loop3A_244 = tpu.iota {dimensions = array<i32: 0>} : vector<16xi32>
      %parallel_loop3A_245 = arith.subi %parallel_loop3A_243, %parallel_loop3A_244 : vector<16xi32>
      %parallel_loop3A_246 = tpu.dynamic_gather %parallel_loop3A_219[%parallel_loop3A_245] in [0] : vector<16xi32>, vector<16xi32> -> vector<16xi32>
      %parallel_loop3A_247 = arith.select %lt3A_30, %parallel_loop3A_206, %parallel_loop3A_246 : vector<16xi1>, vector<16xi32>
      %parallel_loop3A_248 = arith.constant dense<true> : vector<16xi1>
      %parallel_loop3A_249, %parallel_loop3A_250, %parallel_loop3A_251 = tpu.sort %parallel_loop3A_241, %parallel_loop3A_247 masked %parallel_loop3A_248 {descending = true} : (vector<16xf32>, vector<16xi32>, vector<16xi1>) -> (vector<16xi1>, vector<16xf32>, vector<16xi32>)
      %parallel_loop3A_252 = arith.constant 15 : i32
      %parallel_loop3A_253 = vector.broadcast %parallel_loop3A_252 : i32 to vector<16xi32>
      %parallel_loop3A_254 = tpu.iota {dimensions = array<i32: 0>} : vector<16xi32>
      %parallel_loop3A_255 = arith.subi %parallel_loop3A_253, %parallel_loop3A_254 : vector<16xi32>
      %parallel_loop3A_256 = tpu.dynamic_gather %parallel_loop3A_250[%parallel_loop3A_255] in [0] : vector<16xf32>, vector<16xi32> -> vector<16xf32>
      %parallel_loop3A_257 = arith.select %lt3A_30, %parallel_loop3A_234, %parallel_loop3A_256 : vector<16xi1>, vector<16xf32>
      %parallel_loop3A_258 = arith.constant 15 : i32
      %parallel_loop3A_259 = vector.broadcast %parallel_loop3A_258 : i32 to vector<16xi32>
      %parallel_loop3A_260 = tpu.iota {dimensions = array<i32: 0>} : vector<16xi32>
      %parallel_loop3A_261 = arith.subi %parallel_loop3A_259, %parallel_loop3A_260 : vector<16xi32>
      %parallel_loop3A_262 = tpu.dynamic_gather %parallel_loop3A_251[%parallel_loop3A_261] in [0] : vector<16xi32>, vector<16xi32> -> vector<16xi32>
      %parallel_loop3A_263 = arith.select %lt3A_30, %parallel_loop3A_235, %parallel_loop3A_262 : vector<16xi1>, vector<16xi32>
      %parallel_loop3A_264 = arith.constant dense<true> : vector<16xi1>
      %parallel_loop3A_265, %parallel_loop3A_266, %parallel_loop3A_267 = tpu.sort %parallel_loop3A_257, %parallel_loop3A_263 masked %parallel_loop3A_264 {descending = true} : (vector<16xf32>, vector<16xi32>, vector<16xi1>) -> (vector<16xi1>, vector<16xf32>, vector<16xi32>)
      %parallel_loop3A_268 = arith.constant true
      %parallel_loop3A_269 = vector.broadcast %parallel_loop3A_268 : i1 to vector<16xi1>
      %parallel_loop3A_270 = tpu.scan <max>, %parallel_loop3A_266 masked %parallel_loop3A_269 : vector<16xf32>, vector<16xi1> -> vector<16xf32>
      %parallel_loop3A_271 = vector.extract %parallel_loop3A_270[15] : f32 from vector<16xf32>
      %parallel_loop3A_272 = vector.broadcast %parallel_loop3A_271 : f32 to vector<16xf32>
      %parallel_loop3A_273 = arith.subf %parallel_loop3A_266, %parallel_loop3A_272 : vector<16xf32>
      %parallel_loop3A_274 = math.exp %parallel_loop3A_273 : vector<16xf32>
      %parallel_loop3A_275 = arith.constant 0.000000e+00 : f32
      %parallel_loop3A_276 = vector.broadcast %parallel_loop3A_275 : f32 to vector<16xf32>
      %parallel_loop3A_277 = arith.select %lt3A_30, %parallel_loop3A_274, %parallel_loop3A_276 : vector<16xi1>, vector<16xf32>
      %parallel_loop3A_278 = arith.constant true
      %parallel_loop3A_279 = vector.broadcast %parallel_loop3A_278 : i1 to vector<16xi1>
      %parallel_loop3A_280 = tpu.scan <sum>, %parallel_loop3A_277 masked %parallel_loop3A_279 : vector<16xf32>, vector<16xi1> -> vector<16xf32>
      %parallel_loop3A_281 = vector.extract %parallel_loop3A_280[15] : f32 from vector<16xf32>
      %parallel_loop3A_282 = vector.broadcast %parallel_loop3A_281 : f32 to vector<16xf32>
      %parallel_loop3A_283 = arith.divf %parallel_loop3A_274, %parallel_loop3A_282 : vector<16xf32>
      %parallel_loop3A_284 = arith.constant 64 : i32
      %parallel_loop3A_285 = arith.addi %parallel_loop3A_284, %parallel_loop3A_41 : i32
      %parallel_loop3A_286 = arith.constant 8 : i32
      %parallel_loop3A_287 = arith.muli %parallel_loop3A_285, %parallel_loop3A_286 : i32
      %parallel_loop3A_288 = arith.index_cast %parallel_loop3A_287 : i32 to index
      %parallel_loop3A_289 = tpu.vector_load %arg6[%parallel_loop3A_288] masked %lt3A_30 {strides = array<i32>} : memref<1040xf32, #tpu.memory_space<vmem>>, vector<16xf32>, vector<16xi1>
      tpu.vector_store %arg6[%parallel_loop3A_288], %parallel_loop3A_283 masked %lt3A_30 {strides = array<i32>} : memref<1040xf32, #tpu.memory_space<vmem>>, vector<16xf32>, vector<16xi1>
      %parallel_loop3A_290 = arith.index_cast %parallel_loop3A_287 : i32 to index
      %parallel_loop3A_291 = tpu.vector_load %arg7[%parallel_loop3A_290] masked %lt3A_30 {strides = array<i32>} : memref<1040xi32, #tpu.memory_space<vmem>>, vector<16xi32>, vector<16xi1>
      tpu.vector_store %arg7[%parallel_loop3A_290], %parallel_loop3A_267 masked %lt3A_30 {strides = array<i32>} : memref<1040xi32, #tpu.memory_space<vmem>>, vector<16xi32>, vector<16xi1>
    } {sc.loop_unroll_factor = 2 : i64, sc.parallel_access}
    %mul3A_33 = arith.constant 8 : i32
    %mul3A_34 = arith.muli %add3A_26, %mul3A_33 : i32
    "tpu.region"() ({
      %run_scoped3A = tpu.sem_alloc : memref<!tpu.dma_semaphore, #tpu.memory_space<semaphore_mem>>
      %dma_start3A = arith.constant 0 : i32
      %dma_start3A_41 = tpu.memref_slice %arg6[%dma_start3A] : memref<1040xf32, #tpu.memory_space<vmem>> -> memref<512xf32, #tpu.memory_space<vmem>>
      %dma_start3A_42 = tpu.memref_slice %arg3[%mul3A_34] : memref<32768xf32, #tpu.memory_space<hbm>> -> memref<512xf32, #tpu.memory_space<hbm>>
      %dma_start3A_43 = tpu.memref_slice %arg3[%mul3A_34] : memref<32768xf32, #tpu.memory_space<hbm>> -> memref<512xf32, #tpu.memory_space<hbm>>
      %dma_start3A_44 = arith.constant 0 : i32
      %dma_start3A_45 = tpu.memref_slice %arg6[%dma_start3A_44] : memref<1040xf32, #tpu.memory_space<vmem>> -> memref<512xf32, #tpu.memory_space<vmem>>
      tpu.enqueue_dma source(%dma_start3A_45 : memref<512xf32, #tpu.memory_space<vmem>>) target(%dma_start3A_43 : memref<512xf32, #tpu.memory_space<hbm>>) target_semaphore(%run_scoped3A : memref<!tpu.dma_semaphore, #tpu.memory_space<semaphore_mem>>)
      %dma_wait3A = arith.constant 0 : i32
      %dma_wait3A_46 = tpu.memref_slice %arg6[%dma_wait3A] : memref<1040xf32, #tpu.memory_space<vmem>> -> memref<512xf32, #tpu.memory_space<vmem>>
      %dma_wait3A_47 = tpu.memref_slice %arg3[%mul3A_34] : memref<32768xf32, #tpu.memory_space<hbm>> -> memref<512xf32, #tpu.memory_space<hbm>>
      %dma_wait3A_48 = tpu.memref_slice %arg3[%mul3A_34] : memref<32768xf32, #tpu.memory_space<hbm>> -> memref<512xf32, #tpu.memory_space<hbm>>
      %dma_wait3A_49 = arith.constant 0 : i32
      %dma_wait3A_50 = tpu.memref_slice %arg6[%dma_wait3A_49] : memref<1040xf32, #tpu.memory_space<vmem>> -> memref<512xf32, #tpu.memory_space<vmem>>
      tpu.wait_dma2 semaphore(%run_scoped3A : memref<!tpu.dma_semaphore, #tpu.memory_space<semaphore_mem>>) src(%dma_wait3A_50 : memref<512xf32, #tpu.memory_space<vmem>>) dst(%dma_wait3A_48 : memref<512xf32, #tpu.memory_space<hbm>>)
      tpu.yield
    }) : () -> ()
    %mul3A_35 = arith.constant 8 : i32
    %mul3A_36 = arith.muli %add3A_26, %mul3A_35 : i32
    "tpu.region"() ({
      %run_scoped3A = tpu.sem_alloc : memref<!tpu.dma_semaphore, #tpu.memory_space<semaphore_mem>>
      %dma_start3A = arith.constant 0 : i32
      %dma_start3A_41 = tpu.memref_slice %arg7[%dma_start3A] : memref<1040xi32, #tpu.memory_space<vmem>> -> memref<512xi32, #tpu.memory_space<vmem>>
      %dma_start3A_42 = tpu.memref_slice %arg4[%mul3A_36] : memref<32768xi32, #tpu.memory_space<hbm>> -> memref<512xi32, #tpu.memory_space<hbm>>
      %dma_start3A_43 = tpu.memref_slice %arg4[%mul3A_36] : memref<32768xi32, #tpu.memory_space<hbm>> -> memref<512xi32, #tpu.memory_space<hbm>>
      %dma_start3A_44 = arith.constant 0 : i32
      %dma_start3A_45 = tpu.memref_slice %arg7[%dma_start3A_44] : memref<1040xi32, #tpu.memory_space<vmem>> -> memref<512xi32, #tpu.memory_space<vmem>>
      tpu.enqueue_dma source(%dma_start3A_45 : memref<512xi32, #tpu.memory_space<vmem>>) target(%dma_start3A_43 : memref<512xi32, #tpu.memory_space<hbm>>) target_semaphore(%run_scoped3A : memref<!tpu.dma_semaphore, #tpu.memory_space<semaphore_mem>>)
      %dma_wait3A = arith.constant 0 : i32
      %dma_wait3A_46 = tpu.memref_slice %arg7[%dma_wait3A] : memref<1040xi32, #tpu.memory_space<vmem>> -> memref<512xi32, #tpu.memory_space<vmem>>
      %dma_wait3A_47 = tpu.memref_slice %arg4[%mul3A_36] : memref<32768xi32, #tpu.memory_space<hbm>> -> memref<512xi32, #tpu.memory_space<hbm>>
      %dma_wait3A_48 = tpu.memref_slice %arg4[%mul3A_36] : memref<32768xi32, #tpu.memory_space<hbm>> -> memref<512xi32, #tpu.memory_space<hbm>>
      %dma_wait3A_49 = arith.constant 0 : i32
      %dma_wait3A_50 = tpu.memref_slice %arg7[%dma_wait3A_49] : memref<1040xi32, #tpu.memory_space<vmem>> -> memref<512xi32, #tpu.memory_space<vmem>>
      tpu.wait_dma2 semaphore(%run_scoped3A : memref<!tpu.dma_semaphore, #tpu.memory_space<semaphore_mem>>) src(%dma_wait3A_50 : memref<512xi32, #tpu.memory_space<vmem>>) dst(%dma_wait3A_48 : memref<512xi32, #tpu.memory_space<hbm>>)
      tpu.yield
    }) : () -> ()
    %mul3A_37 = arith.constant 8 : i32
    %mul3A_38 = arith.muli %add3A_28, %mul3A_37 : i32
    "tpu.region"() ({
      %run_scoped3A = tpu.sem_alloc : memref<!tpu.dma_semaphore, #tpu.memory_space<semaphore_mem>>
      %dma_start3A = arith.constant 512 : i32
      %dma_start3A_41 = tpu.memref_slice %arg6[%dma_start3A] : memref<1040xf32, #tpu.memory_space<vmem>> -> memref<512xf32, #tpu.memory_space<vmem>>
      %dma_start3A_42 = tpu.memref_slice %arg3[%mul3A_38] : memref<32768xf32, #tpu.memory_space<hbm>> -> memref<512xf32, #tpu.memory_space<hbm>>
      %dma_start3A_43 = tpu.memref_slice %arg3[%mul3A_38] : memref<32768xf32, #tpu.memory_space<hbm>> -> memref<512xf32, #tpu.memory_space<hbm>>
      %dma_start3A_44 = arith.constant 512 : i32
      %dma_start3A_45 = tpu.memref_slice %arg6[%dma_start3A_44] : memref<1040xf32, #tpu.memory_space<vmem>> -> memref<512xf32, #tpu.memory_space<vmem>>
      tpu.enqueue_dma source(%dma_start3A_45 : memref<512xf32, #tpu.memory_space<vmem>>) target(%dma_start3A_43 : memref<512xf32, #tpu.memory_space<hbm>>) target_semaphore(%run_scoped3A : memref<!tpu.dma_semaphore, #tpu.memory_space<semaphore_mem>>)
      %dma_wait3A = arith.constant 512 : i32
      %dma_wait3A_46 = tpu.memref_slice %arg6[%dma_wait3A] : memref<1040xf32, #tpu.memory_space<vmem>> -> memref<512xf32, #tpu.memory_space<vmem>>
      %dma_wait3A_47 = tpu.memref_slice %arg3[%mul3A_38] : memref<32768xf32, #tpu.memory_space<hbm>> -> memref<512xf32, #tpu.memory_space<hbm>>
      %dma_wait3A_48 = tpu.memref_slice %arg3[%mul3A_38] : memref<32768xf32, #tpu.memory_space<hbm>> -> memref<512xf32, #tpu.memory_space<hbm>>
      %dma_wait3A_49 = arith.constant 512 : i32
      %dma_wait3A_50 = tpu.memref_slice %arg6[%dma_wait3A_49] : memref<1040xf32, #tpu.memory_space<vmem>> -> memref<512xf32, #tpu.memory_space<vmem>>
      tpu.wait_dma2 semaphore(%run_scoped3A : memref<!tpu.dma_semaphore, #tpu.memory_space<semaphore_mem>>) src(%dma_wait3A_50 : memref<512xf32, #tpu.memory_space<vmem>>) dst(%dma_wait3A_48 : memref<512xf32, #tpu.memory_space<hbm>>)
      tpu.yield
    }) : () -> ()
    %mul3A_39 = arith.constant 8 : i32
    %mul3A_40 = arith.muli %add3A_28, %mul3A_39 : i32
    "tpu.region"() ({
      %run_scoped3A = tpu.sem_alloc : memref<!tpu.dma_semaphore, #tpu.memory_space<semaphore_mem>>
      %dma_start3A = arith.constant 512 : i32
      %dma_start3A_41 = tpu.memref_slice %arg7[%dma_start3A] : memref<1040xi32, #tpu.memory_space<vmem>> -> memref<512xi32, #tpu.memory_space<vmem>>
      %dma_start3A_42 = tpu.memref_slice %arg4[%mul3A_40] : memref<32768xi32, #tpu.memory_space<hbm>> -> memref<512xi32, #tpu.memory_space<hbm>>
      %dma_start3A_43 = tpu.memref_slice %arg4[%mul3A_40] : memref<32768xi32, #tpu.memory_space<hbm>> -> memref<512xi32, #tpu.memory_space<hbm>>
      %dma_start3A_44 = arith.constant 512 : i32
      %dma_start3A_45 = tpu.memref_slice %arg7[%dma_start3A_44] : memref<1040xi32, #tpu.memory_space<vmem>> -> memref<512xi32, #tpu.memory_space<vmem>>
      tpu.enqueue_dma source(%dma_start3A_45 : memref<512xi32, #tpu.memory_space<vmem>>) target(%dma_start3A_43 : memref<512xi32, #tpu.memory_space<hbm>>) target_semaphore(%run_scoped3A : memref<!tpu.dma_semaphore, #tpu.memory_space<semaphore_mem>>)
      %dma_wait3A = arith.constant 512 : i32
      %dma_wait3A_46 = tpu.memref_slice %arg7[%dma_wait3A] : memref<1040xi32, #tpu.memory_space<vmem>> -> memref<512xi32, #tpu.memory_space<vmem>>
      %dma_wait3A_47 = tpu.memref_slice %arg4[%mul3A_40] : memref<32768xi32, #tpu.memory_space<hbm>> -> memref<512xi32, #tpu.memory_space<hbm>>
      %dma_wait3A_48 = tpu.memref_slice %arg4[%mul3A_40] : memref<32768xi32, #tpu.memory_space<hbm>> -> memref<512xi32, #tpu.memory_space<hbm>>
      %dma_wait3A_49 = arith.constant 512 : i32
      %dma_wait3A_50 = tpu.memref_slice %arg7[%dma_wait3A_49] : memref<1040xi32, #tpu.memory_space<vmem>> -> memref<512xi32, #tpu.memory_space<vmem>>
      tpu.wait_dma2 semaphore(%run_scoped3A : memref<!tpu.dma_semaphore, #tpu.memory_space<semaphore_mem>>) src(%dma_wait3A_50 : memref<512xi32, #tpu.memory_space<vmem>>) dst(%dma_wait3A_48 : memref<512xi32, #tpu.memory_space<hbm>>)
      tpu.yield
    }) : () -> ()
    return
  }
}

#map = affine_map<(d0, d1) -> (0)>
module attributes {stable_mosaic.version = 14 : i64} {
  func.func @topk_kernel(%arg0: i32, %arg1: i32, %arg2: memref<262144xf32, #tpu.memory_space<hbm>>, %arg3: memref<32768xf32, #tpu.memory_space<hbm>>, %arg4: memref<32768xi32, #tpu.memory_space<hbm>>, %arg5: memref<8192xf32, #tpu.memory_space<vmem>>, %arg6: memref<1040xf32, #tpu.memory_space<vmem>>, %arg7: memref<1040xi32, #tpu.memory_space<vmem>>) attributes {dimension_semantics = [#tpu.dimension_semantics<core_parallel>, #tpu.dimension_semantics<subcore_parallel>], iteration_bounds = array<i64: 2, 16>, scalar_prefetch = 0 : i64, scratch_operands = 3 : i64, tpu.core_type = #tpu.core_type<sc_vector_subcore>, window_params = [{transform_indices = #map}, {transform_indices = #map}, {transform_indices = #map}]} {
    %mul3A = arith.constant 2 : i32
    %mul3A_0 = arith.muli %arg1, %mul3A : i32
    %add3A = arith.addi %mul3A_0, %arg0 : i32
    %mul3A_1 = arith.constant 64 : i32
    %mul3A_2 = arith.muli %add3A, %mul3A_1 : i32
    %mul3A_3 = arith.constant 128 : i32
    %mul3A_4 = arith.muli %mul3A_2, %mul3A_3 : i32
    "tpu.region"() ({
      %run_scoped3A = tpu.sem_alloc : memref<!tpu.dma_semaphore, #tpu.memory_space<semaphore_mem>>
      %dma_start3A = tpu.memref_slice %arg2[%mul3A_4] : memref<262144xf32, #tpu.memory_space<hbm>> -> memref<8192xf32, #tpu.memory_space<hbm>>
      %dma_start3A_41 = tpu.memref_slice %arg2[%mul3A_4] : memref<262144xf32, #tpu.memory_space<hbm>> -> memref<8192xf32, #tpu.memory_space<hbm>>
      tpu.enqueue_dma source(%dma_start3A_41 : memref<8192xf32, #tpu.memory_space<hbm>>) target(%arg5 : memref<8192xf32, #tpu.memory_space<vmem>>) target_semaphore(%run_scoped3A : memref<!tpu.dma_semaphore, #tpu.memory_space<semaphore_mem>>)
      %dma_wait3A = tpu.memref_slice %arg2[%mul3A_4] : memref<262144xf32, #tpu.memory_space<hbm>> -> memref<8192xf32, #tpu.memory_space<hbm>>
      %dma_wait3A_42 = tpu.memref_slice %arg2[%mul3A_4] : memref<262144xf32, #tpu.memory_space<hbm>> -> memref<8192xf32, #tpu.memory_space<hbm>>
      tpu.wait_dma2 semaphore(%run_scoped3A : memref<!tpu.dma_semaphore, #tpu.memory_space<semaphore_mem>>) src(%dma_wait3A_42 : memref<8192xf32, #tpu.memory_space<hbm>>) dst(%arg5 : memref<8192xf32, #tpu.memory_space<vmem>>)
      tpu.yield
    }) : () -> ()
    %jit3A = arith.constant 512 : i32
    %div3A = arith.divsi %mul3A_2, %jit3A : i32
    %sign3A = arith.constant 0 : i32
    %sign3A_5 = arith.cmpi sgt, %mul3A_2, %sign3A : i32
    %sign3A_6 = arith.extui %sign3A_5 : i1 to i32
    %sign3A_7 = arith.constant 0 : i32
    %sign3A_8 = arith.cmpi slt, %mul3A_2, %sign3A_7 : i32
    %sign3A_9 = arith.extui %sign3A_8 : i1 to i32
    %sign3A_10 = arith.subi %sign3A_6, %sign3A_9 : i32
    %sign3A_11 = arith.constant 0 : i32
    %sign3A_12 = arith.cmpi sgt, %jit3A, %sign3A_11 : i32
    %sign3A_13 = arith.extui %sign3A_12 : i1 to i32
    %sign3A_14 = arith.constant 0 : i32
    %sign3A_15 = arith.cmpi slt, %jit3A, %sign3A_14 : i32
    %sign3A_16 = arith.extui %sign3A_15 : i1 to i32
    %sign3A_17 = arith.subi %sign3A_13, %sign3A_16 : i32
    %ne3A = arith.cmpi ne, %sign3A_10, %sign3A_17 : i32
    %rem3A = arith.remsi %mul3A_2, %jit3A : i32
    %ne3A_18 = arith.constant 0 : i32
    %ne3A_19 = arith.cmpi ne, %rem3A, %ne3A_18 : i32
    %and3A = arith.andi %ne3A, %ne3A_19 : i1
    %sub3A = arith.constant 1 : i32
    %sub3A_20 = arith.subi %div3A, %sub3A : i32
    %select_n3A = arith.select %and3A, %sub3A_20, %div3A : i32
    %mul3A_21 = arith.constant 1024 : i32
    %mul3A_22 = arith.muli %select_n3A, %mul3A_21 : i32
    %mul3A_23 = arith.constant 512 : i32
    %mul3A_24 = arith.muli %select_n3A, %mul3A_23 : i32
    %sub3A_25 = arith.subi %mul3A_2, %mul3A_24 : i32
    %add3A_26 = arith.addi %mul3A_22, %sub3A_25 : i32
    %add3A_27 = arith.constant 512 : i32
    %add3A_28 = arith.addi %add3A_26, %add3A_27 : i32
    %iota3A = tpu.iota {dimensions = array<i32: 0>} : vector<16xi32>
    %lt3A = arith.constant 8 : i32
    %lt3A_29 = vector.broadcast %lt3A : i32 to vector<16xi32>
    %lt3A_30 = arith.cmpi slt, %iota3A, %lt3A_29 : vector<16xi32>
    %parallel_loop3A = arith.constant 0 : i32
    %parallel_loop3A_31 = arith.constant 64 : i32
    %parallel_loop3A_32 = arith.constant 1 : i32
    scf.for %parallel_loop3A_41 = %parallel_loop3A to %parallel_loop3A_31 step %parallel_loop3A_32  : i32 {
      %parallel_loop3A_42 = arith.constant 128 : i32
      %parallel_loop3A_43 = arith.muli %parallel_loop3A_41, %parallel_loop3A_42 : i32
      %parallel_loop3A_44 = arith.constant 0 : i32
      %parallel_loop3A_45 = arith.addi %parallel_loop3A_43, %parallel_loop3A_44 : i32
      %parallel_loop3A_46 = arith.constant 0 : i32
      %parallel_loop3A_47 = arith.addi %parallel_loop3A_45, %parallel_loop3A_46 : i32
      %parallel_loop3A_48 = arith.index_cast %parallel_loop3A_47 : i32 to index
      %parallel_loop3A_49 = tpu.vector_load %arg5[%parallel_loop3A_48] {strides = array<i32>} : memref<8192xf32, #tpu.memory_space<vmem>>, vector<16xf32>,
      %parallel_loop3A_50 = arith.constant 0 : i32
      %parallel_loop3A_51 = vector.broadcast %parallel_loop3A_50 : i32 to vector<16xi32>
      %parallel_loop3A_52 = arith.addi %iota3A, %parallel_loop3A_51 : vector<16xi32>
      %parallel_loop3A_53 = arith.constant dense<true> : vector<16xi1>
      %parallel_loop3A_54, %parallel_loop3A_55, %parallel_loop3A_56 = tpu.sort %parallel_loop3A_49, %parallel_loop3A_52 masked %parallel_loop3A_53 {descending = true} : (vector<16xf32>, vector<16xi32>, vector<16xi1>) -> (vector<16xi1>, vector<16xf32>, vector<16xi32>)
      %parallel_loop3A_57 = arith.constant 0 : i32
      %parallel_loop3A_58 = arith.addi %parallel_loop3A_43, %parallel_loop3A_57 : i32
      %parallel_loop3A_59 = arith.constant 16 : i32
      %parallel_loop3A_60 = arith.addi %parallel_loop3A_58, %parallel_loop3A_59 : i32
      %parallel_loop3A_61 = arith.index_cast %parallel_loop3A_60 : i32 to index
      %parallel_loop3A_62 = tpu.vector_load %arg5[%parallel_loop3A_61] {strides = array<i32>} : memref<8192xf32, #tpu.memory_space<vmem>>, vector<16xf32>,
      %parallel_loop3A_63 = arith.constant 16 : i32
      %parallel_loop3A_64 = vector.broadcast %parallel_loop3A_63 : i32 to vector<16xi32>
      %parallel_loop3A_65 = arith.addi %iota3A, %parallel_loop3A_64 : vector<16xi32>
      %parallel_loop3A_66 = arith.constant dense<true> : vector<16xi1>
      %parallel_loop3A_67, %parallel_loop3A_68, %parallel_loop3A_69 = tpu.sort %parallel_loop3A_62, %parallel_loop3A_65 masked %parallel_loop3A_66 {descending = true} : (vector<16xf32>, vector<16xi32>, vector<16xi1>) -> (vector<16xi1>, vector<16xf32>, vector<16xi32>)
      %parallel_loop3A_70 = arith.constant 0 : i32
      %parallel_loop3A_71 = arith.addi %parallel_loop3A_43, %parallel_loop3A_70 : i32
      %parallel_loop3A_72 = arith.constant 32 : i32
      %parallel_loop3A_73 = arith.addi %parallel_loop3A_71, %parallel_loop3A_72 : i32
      %parallel_loop3A_74 = arith.index_cast %parallel_loop3A_73 : i32 to index
      %parallel_loop3A_75 = tpu.vector_load %arg5[%parallel_loop3A_74] {strides = array<i32>} : memref<8192xf32, #tpu.memory_space<vmem>>, vector<16xf32>,
      %parallel_loop3A_76 = arith.constant 32 : i32
      %parallel_loop3A_77 = vector.broadcast %parallel_loop3A_76 : i32 to vector<16xi32>
      %parallel_loop3A_78 = arith.addi %iota3A, %parallel_loop3A_77 : vector<16xi32>
      %parallel_loop3A_79 = arith.constant dense<true> : vector<16xi1>
      %parallel_loop3A_80, %parallel_loop3A_81, %parallel_loop3A_82 = tpu.sort %parallel_loop3A_75, %parallel_loop3A_78 masked %parallel_loop3A_79 {descending = true} : (vector<16xf32>, vector<16xi32>, vector<16xi1>) -> (vector<16xi1>, vector<16xf32>, vector<16xi32>)
      %parallel_loop3A_83 = arith.constant 0 : i32
      %parallel_loop3A_84 = arith.addi %parallel_loop3A_43, %parallel_loop3A_83 : i32
      %parallel_loop3A_85 = arith.constant 48 : i32
      %parallel_loop3A_86 = arith.addi %parallel_loop3A_84, %parallel_loop3A_85 : i32
      %parallel_loop3A_87 = arith.index_cast %parallel_loop3A_86 : i32 to index
      %parallel_loop3A_88 = tpu.vector_load %arg5[%parallel_loop3A_87] {strides = array<i32>} : memref<8192xf32, #tpu.memory_space<vmem>>, vector<16xf32>,
      %parallel_loop3A_89 = arith.constant 48 : i32
      %parallel_loop3A_90 = vector.broadcast %parallel_loop3A_89 : i32 to vector<16xi32>
      %parallel_loop3A_91 = arith.addi %iota3A, %parallel_loop3A_90 : vector<16xi32>
      %parallel_loop3A_92 = arith.constant dense<true> : vector<16xi1>
      %parallel_loop3A_93, %parallel_loop3A_94, %parallel_loop3A_95 = tpu.sort %parallel_loop3A_88, %parallel_loop3A_91 masked %parallel_loop3A_92 {descending = true} : (vector<16xf32>, vector<16xi32>, vector<16xi1>) -> (vector<16xi1>, vector<16xf32>, vector<16xi32>)
      %parallel_loop3A_96 = arith.constant 15 : i32
      %parallel_loop3A_97 = vector.broadcast %parallel_loop3A_96 : i32 to vector<16xi32>
      %parallel_loop3A_98 = tpu.iota {dimensions = array<i32: 0>} : vector<16xi32>
      %parallel_loop3A_99 = arith.subi %parallel_loop3A_97, %parallel_loop3A_98 : vector<16xi32>
      %parallel_loop3A_100 = tpu.dynamic_gather %parallel_loop3A_68[%parallel_loop3A_99] in [0] : vector<16xf32>, vector<16xi32> -> vector<16xf32>
      %parallel_loop3A_101 = arith.select %lt3A_30, %parallel_loop3A_55, %parallel_loop3A_100 : vector<16xi1>, vector<16xf32>
      %parallel_loop3A_102 = arith.constant 15 : i32
      %parallel_loop3A_103 = vector.broadcast %parallel_loop3A_102 : i32 to vector<16xi32>
      %parallel_loop3A_104 = tpu.iota {dimensions = array<i32: 0>} : vector<16xi32>
      %parallel_loop3A_105 = arith.subi %parallel_loop3A_103, %parallel_loop3A_104 : vector<16xi32>
      %parallel_loop3A_106 = tpu.dynamic_gather %parallel_loop3A_69[%parallel_loop3A_105] in [0] : vector<16xi32>, vector<16xi32> -> vector<16xi32>
      %parallel_loop3A_107 = arith.select %lt3A_30, %parallel_loop3A_56, %parallel_loop3A_106 : vector<16xi1>, vector<16xi32>
      %parallel_loop3A_108 = arith.constant dense<true> : vector<16xi1>
      %parallel_loop3A_109, %parallel_loop3A_110, %parallel_loop3A_111 = tpu.sort %parallel_loop3A_101, %parallel_loop3A_107 masked %parallel_loop3A_108 {descending = true} : (vector<16xf32>, vector<16xi32>, vector<16xi1>) -> (vector<16xi1>, vector<16xf32>, vector<16xi32>)
      %parallel_loop3A_112 = arith.constant 15 : i32
      %parallel_loop3A_113 = vector.broadcast %parallel_loop3A_112 : i32 to vector<16xi32>
      %parallel_loop3A_114 = tpu.iota {dimensions = array<i32: 0>} : vector<16xi32>
      %parallel_loop3A_115 = arith.subi %parallel_loop3A_113, %parallel_loop3A_114 : vector<16xi32>
      %parallel_loop3A_116 = tpu.dynamic_gather %parallel_loop3A_94[%parallel_loop3A_115] in [0] : vector<16xf32>, vector<16xi32> -> vector<16xf32>
      %parallel_loop3A_117 = arith.select %lt3A_30, %parallel_loop3A_81, %parallel_loop3A_116 : vector<16xi1>, vector<16xf32>
      %parallel_loop3A_118 = arith.constant 15 : i32
      %parallel_loop3A_119 = vector.broadcast %parallel_loop3A_118 : i32 to vector<16xi32>
      %parallel_loop3A_120 = tpu.iota {dimensions = array<i32: 0>} : vector<16xi32>
      %parallel_loop3A_121 = arith.subi %parallel_loop3A_119, %parallel_loop3A_120 : vector<16xi32>
      %parallel_loop3A_122 = tpu.dynamic_gather %parallel_loop3A_95[%parallel_loop3A_121] in [0] : vector<16xi32>, vector<16xi32> -> vector<16xi32>
      %parallel_loop3A_123 = arith.select %lt3A_30, %parallel_loop3A_82, %parallel_loop3A_122 : vector<16xi1>, vector<16xi32>
      %parallel_loop3A_124 = arith.constant dense<true> : vector<16xi1>
      %parallel_loop3A_125, %parallel_loop3A_126, %parallel_loop3A_127 = tpu.sort %parallel_loop3A_117, %parallel_loop3A_123 masked %parallel_loop3A_124 {descending = true} : (vector<16xf32>, vector<16xi32>, vector<16xi1>) -> (vector<16xi1>, vector<16xf32>, vector<16xi32>)
      %parallel_loop3A_128 = arith.constant 15 : i32
      %parallel_loop3A_129 = vector.broadcast %parallel_loop3A_128 : i32 to vector<16xi32>
      %parallel_loop3A_130 = tpu.iota {dimensions = array<i32: 0>} : vector<16xi32>
      %parallel_loop3A_131 = arith.subi %parallel_loop3A_129, %parallel_loop3A_130 : vector<16xi32>
      %parallel_loop3A_132 = tpu.dynamic_gather %parallel_loop3A_126[%parallel_loop3A_131] in [0] : vector<16xf32>, vector<16xi32> -> vector<16xf32>
      %parallel_loop3A_133 = arith.select %lt3A_30, %parallel_loop3A_110, %parallel_loop3A_132 : vector<16xi1>, vector<16xf32>
      %parallel_loop3A_134 = arith.constant 15 : i32
      %parallel_loop3A_135 = vector.broadcast %parallel_loop3A_134 : i32 to vector<16xi32>
      %parallel_loop3A_136 = tpu.iota {dimensions = array<i32: 0>} : vector<16xi32>
      %parallel_loop3A_137 = arith.subi %parallel_loop3A_135, %parallel_loop3A_136 : vector<16xi32>
      %parallel_loop3A_138 = tpu.dynamic_gather %parallel_loop3A_127[%parallel_loop3A_137] in [0] : vector<16xi32>, vector<16xi32> -> vector<16xi32>
      %parallel_loop3A_139 = arith.select %lt3A_30, %parallel_loop3A_111, %parallel_loop3A_138 : vector<16xi1>, vector<16xi32>
      %parallel_loop3A_140 = arith.constant dense<true> : vector<16xi1>
      %parallel_loop3A_141, %parallel_loop3A_142, %parallel_loop3A_143 = tpu.sort %parallel_loop3A_133, %parallel_loop3A_139 masked %parallel_loop3A_140 {descending = true} : (vector<16xf32>, vector<16xi32>, vector<16xi1>) -> (vector<16xi1>, vector<16xf32>, vector<16xi32>)
      %parallel_loop3A_144 = arith.constant true
      %parallel_loop3A_145 = vector.broadcast %parallel_loop3A_144 : i1 to vector<16xi1>
      %parallel_loop3A_146 = tpu.scan <max>, %parallel_loop3A_142 masked %parallel_loop3A_145 : vector<16xf32>, vector<16xi1> -> vector<16xf32>
      %parallel_loop3A_147 = vector.extract %parallel_loop3A_146[15] : f32 from vector<16xf32>
      %parallel_loop3A_148 = vector.broadcast %parallel_loop3A_147 : f32 to vector<16xf32>
      %parallel_loop3A_149 = arith.subf %parallel_loop3A_142, %parallel_loop3A_148 : vector<16xf32>
      %parallel_loop3A_150 = math.exp %parallel_loop3A_149 : vector<16xf32>
      %parallel_loop3A_151 = arith.constant 0.000000e+00 : f32
      %parallel_loop3A_152 = vector.broadcast %parallel_loop3A_151 : f32 to vector<16xf32>
      %parallel_loop3A_153 = arith.select %lt3A_30, %parallel_loop3A_150, %parallel_loop3A_152 : vector<16xi1>, vector<16xf32>
      %parallel_loop3A_154 = arith.constant true
      %parallel_loop3A_155 = vector.broadcast %parallel_loop3A_154 : i1 to vector<16xi1>
      %parallel_loop3A_156 = tpu.scan <sum>, %parallel_loop3A_153 masked %parallel_loop3A_155 : vector<16xf32>, vector<16xi1> -> vector<16xf32>
      %parallel_loop3A_157 = vector.extract %parallel_loop3A_156[15] : f32 from vector<16xf32>
      %parallel_loop3A_158 = vector.broadcast %parallel_loop3A_157 : f32 to vector<16xf32>
      %parallel_loop3A_159 = arith.divf %parallel_loop3A_150, %parallel_loop3A_158 : vector<16xf32>
      %parallel_loop3A_160 = arith.constant 0 : i32
      %parallel_loop3A_161 = arith.addi %parallel_loop3A_160, %parallel_loop3A_41 : i32
      %parallel_loop3A_162 = arith.constant 8 : i32
      %parallel_loop3A_163 = arith.muli %parallel_loop3A_161, %parallel_loop3A_162 : i32
      %parallel_loop3A_164 = arith.index_cast %parallel_loop3A_163 : i32 to index
      %parallel_loop3A_165 = tpu.vector_load %arg6[%parallel_loop3A_164] masked %lt3A_30 {strides = array<i32>} : memref<1040xf32, #tpu.memory_space<vmem>>, vector<16xf32>, vector<16xi1>
      tpu.vector_store %arg6[%parallel_loop3A_164], %parallel_loop3A_159 masked %lt3A_30 {strides = array<i32>} : memref<1040xf32, #tpu.memory_space<vmem>>, vector<16xf32>, vector<16xi1>
      %parallel_loop3A_166 = arith.index_cast %parallel_loop3A_163 : i32 to index
      %parallel_loop3A_167 = tpu.vector_load %arg7[%parallel_loop3A_166] masked %lt3A_30 {strides = array<i32>} : memref<1040xi32, #tpu.memory_space<vmem>>, vector<16xi32>, vector<16xi1>
      tpu.vector_store %arg7[%parallel_loop3A_166], %parallel_loop3A_143 masked %lt3A_30 {strides = array<i32>} : memref<1040xi32, #tpu.memory_space<vmem>>, vector<16xi32>, vector<16xi1>
      %parallel_loop3A_168 = arith.constant 64 : i32
      %parallel_loop3A_169 = arith.addi %parallel_loop3A_43, %parallel_loop3A_168 : i32
      %parallel_loop3A_170 = arith.constant 0 : i32
      %parallel_loop3A_171 = arith.addi %parallel_loop3A_169, %parallel_loop3A_170 : i32
      %parallel_loop3A_172 = arith.index_cast %parallel_loop3A_171 : i32 to index
      %parallel_loop3A_173 = tpu.vector_load %arg5[%parallel_loop3A_172] {strides = array<i32>} : memref<8192xf32, #tpu.memory_space<vmem>>, vector<16xf32>,
      %parallel_loop3A_174 = arith.constant 0 : i32
      %parallel_loop3A_175 = vector.broadcast %parallel_loop3A_174 : i32 to vector<16xi32>
      %parallel_loop3A_176 = arith.addi %iota3A, %parallel_loop3A_175 : vector<16xi32>
      %parallel_loop3A_177 = arith.constant dense<true> : vector<16xi1>
      %parallel_loop3A_178, %parallel_loop3A_179, %parallel_loop3A_180 = tpu.sort %parallel_loop3A_173, %parallel_loop3A_176 masked %parallel_loop3A_177 {descending = true} : (vector<16xf32>, vector<16xi32>, vector<16xi1>) -> (vector<16xi1>, vector<16xf32>, vector<16xi32>)
      %parallel_loop3A_181 = arith.constant 64 : i32
      %parallel_loop3A_182 = arith.addi %parallel_loop3A_43, %parallel_loop3A_181 : i32
      %parallel_loop3A_183 = arith.constant 16 : i32
      %parallel_loop3A_184 = arith.addi %parallel_loop3A_182, %parallel_loop3A_183 : i32
      %parallel_loop3A_185 = arith.index_cast %parallel_loop3A_184 : i32 to index
      %parallel_loop3A_186 = tpu.vector_load %arg5[%parallel_loop3A_185] {strides = array<i32>} : memref<8192xf32, #tpu.memory_space<vmem>>, vector<16xf32>,
      %parallel_loop3A_187 = arith.constant 16 : i32
      %parallel_loop3A_188 = vector.broadcast %parallel_loop3A_187 : i32 to vector<16xi32>
      %parallel_loop3A_189 = arith.addi %iota3A, %parallel_loop3A_188 : vector<16xi32>
      %parallel_loop3A_190 = arith.constant dense<true> : vector<16xi1>
      %parallel_loop3A_191, %parallel_loop3A_192, %parallel_loop3A_193 = tpu.sort %parallel_loop3A_186, %parallel_loop3A_189 masked %parallel_loop3A_190 {descending = true} : (vector<16xf32>, vector<16xi32>, vector<16xi1>) -> (vector<16xi1>, vector<16xf32>, vector<16xi32>)
      %parallel_loop3A_194 = arith.constant 64 : i32
      %parallel_loop3A_195 = arith.addi %parallel_loop3A_43, %parallel_loop3A_194 : i32
      %parallel_loop3A_196 = arith.constant 32 : i32
      %parallel_loop3A_197 = arith.addi %parallel_loop3A_195, %parallel_loop3A_196 : i32
      %parallel_loop3A_198 = arith.index_cast %parallel_loop3A_197 : i32 to index
      %parallel_loop3A_199 = tpu.vector_load %arg5[%parallel_loop3A_198] {strides = array<i32>} : memref<8192xf32, #tpu.memory_space<vmem>>, vector<16xf32>,
      %parallel_loop3A_200 = arith.constant 32 : i32
      %parallel_loop3A_201 = vector.broadcast %parallel_loop3A_200 : i32 to vector<16xi32>
      %parallel_loop3A_202 = arith.addi %iota3A, %parallel_loop3A_201 : vector<16xi32>
      %parallel_loop3A_203 = arith.constant dense<true> : vector<16xi1>
      %parallel_loop3A_204, %parallel_loop3A_205, %parallel_loop3A_206 = tpu.sort %parallel_loop3A_199, %parallel_loop3A_202 masked %parallel_loop3A_203 {descending = true} : (vector<16xf32>, vector<16xi32>, vector<16xi1>) -> (vector<16xi1>, vector<16xf32>, vector<16xi32>)
      %parallel_loop3A_207 = arith.constant 64 : i32
      %parallel_loop3A_208 = arith.addi %parallel_loop3A_43, %parallel_loop3A_207 : i32
      %parallel_loop3A_209 = arith.constant 48 : i32
      %parallel_loop3A_210 = arith.addi %parallel_loop3A_208, %parallel_loop3A_209 : i32
      %parallel_loop3A_211 = arith.index_cast %parallel_loop3A_210 : i32 to index
      %parallel_loop3A_212 = tpu.vector_load %arg5[%parallel_loop3A_211] {strides = array<i32>} : memref<8192xf32, #tpu.memory_space<vmem>>, vector<16xf32>,
      %parallel_loop3A_213 = arith.constant 48 : i32
      %parallel_loop3A_214 = vector.broadcast %parallel_loop3A_213 : i32 to vector<16xi32>
      %parallel_loop3A_215 = arith.addi %iota3A, %parallel_loop3A_214 : vector<16xi32>
      %parallel_loop3A_216 = arith.constant dense<true> : vector<16xi1>
      %parallel_loop3A_217, %parallel_loop3A_218, %parallel_loop3A_219 = tpu.sort %parallel_loop3A_212, %parallel_loop3A_215 masked %parallel_loop3A_216 {descending = true} : (vector<16xf32>, vector<16xi32>, vector<16xi1>) -> (vector<16xi1>, vector<16xf32>, vector<16xi32>)
      %parallel_loop3A_220 = arith.constant 15 : i32
      %parallel_loop3A_221 = vector.broadcast %parallel_loop3A_220 : i32 to vector<16xi32>
      %parallel_loop3A_222 = tpu.iota {dimensions = array<i32: 0>} : vector<16xi32>
      %parallel_loop3A_223 = arith.subi %parallel_loop3A_221, %parallel_loop3A_222 : vector<16xi32>
      %parallel_loop3A_224 = tpu.dynamic_gather %parallel_loop3A_192[%parallel_loop3A_223] in [0] : vector<16xf32>, vector<16xi32> -> vector<16xf32>
      %parallel_loop3A_225 = arith.select %lt3A_30, %parallel_loop3A_179, %parallel_loop3A_224 : vector<16xi1>, vector<16xf32>
      %parallel_loop3A_226 = arith.constant 15 : i32
      %parallel_loop3A_227 = vector.broadcast %parallel_loop3A_226 : i32 to vector<16xi32>
      %parallel_loop3A_228 = tpu.iota {dimensions = array<i32: 0>} : vector<16xi32>
      %parallel_loop3A_229 = arith.subi %parallel_loop3A_227, %parallel_loop3A_228 : vector<16xi32>
      %parallel_loop3A_230 = tpu.dynamic_gather %parallel_loop3A_193[%parallel_loop3A_229] in [0] : vector<16xi32>, vector<16xi32> -> vector<16xi32>
      %parallel_loop3A_231 = arith.select %lt3A_30, %parallel_loop3A_180, %parallel_loop3A_230 : vector<16xi1>, vector<16xi32>
      %parallel_loop3A_232 = arith.constant dense<true> : vector<16xi1>
      %parallel_loop3A_233, %parallel_loop3A_234, %parallel_loop3A_235 = tpu.sort %parallel_loop3A_225, %parallel_loop3A_231 masked %parallel_loop3A_232 {descending = true} : (vector<16xf32>, vector<16xi32>, vector<16xi1>) -> (vector<16xi1>, vector<16xf32>, vector<16xi32>)
      %parallel_loop3A_236 = arith.constant 15 : i32
      %parallel_loop3A_237 = vector.broadcast %parallel_loop3A_236 : i32 to vector<16xi32>
      %parallel_loop3A_238 = tpu.iota {dimensions = array<i32: 0>} : vector<16xi32>
      %parallel_loop3A_239 = arith.subi %parallel_loop3A_237, %parallel_loop3A_238 : vector<16xi32>
      %parallel_loop3A_240 = tpu.dynamic_gather %parallel_loop3A_218[%parallel_loop3A_239] in [0] : vector<16xf32>, vector<16xi32> -> vector<16xf32>
      %parallel_loop3A_241 = arith.select %lt3A_30, %parallel_loop3A_205, %parallel_loop3A_240 : vector<16xi1>, vector<16xf32>
      %parallel_loop3A_242 = arith.constant 15 : i32
      %parallel_loop3A_243 = vector.broadcast %parallel_loop3A_242 : i32 to vector<16xi32>
      %parallel_loop3A_244 = tpu.iota {dimensions = array<i32: 0>} : vector<16xi32>
      %parallel_loop3A_245 = arith.subi %parallel_loop3A_243, %parallel_loop3A_244 : vector<16xi32>
      %parallel_loop3A_246 = tpu.dynamic_gather %parallel_loop3A_219[%parallel_loop3A_245] in [0] : vector<16xi32>, vector<16xi32> -> vector<16xi32>
      %parallel_loop3A_247 = arith.select %lt3A_30, %parallel_loop3A_206, %parallel_loop3A_246 : vector<16xi1>, vector<16xi32>
      %parallel_loop3A_248 = arith.constant dense<true> : vector<16xi1>
      %parallel_loop3A_249, %parallel_loop3A_250, %parallel_loop3A_251 = tpu.sort %parallel_loop3A_241, %parallel_loop3A_247 masked %parallel_loop3A_248 {descending = true} : (vector<16xf32>, vector<16xi32>, vector<16xi1>) -> (vector<16xi1>, vector<16xf32>, vector<16xi32>)
      %parallel_loop3A_252 = arith.constant 15 : i32
      %parallel_loop3A_253 = vector.broadcast %parallel_loop3A_252 : i32 to vector<16xi32>
      %parallel_loop3A_254 = tpu.iota {dimensions = array<i32: 0>} : vector<16xi32>
      %parallel_loop3A_255 = arith.subi %parallel_loop3A_253, %parallel_loop3A_254 : vector<16xi32>
      %parallel_loop3A_256 = tpu.dynamic_gather %parallel_loop3A_250[%parallel_loop3A_255] in [0] : vector<16xf32>, vector<16xi32> -> vector<16xf32>
      %parallel_loop3A_257 = arith.select %lt3A_30, %parallel_loop3A_234, %parallel_loop3A_256 : vector<16xi1>, vector<16xf32>
      %parallel_loop3A_258 = arith.constant 15 : i32
      %parallel_loop3A_259 = vector.broadcast %parallel_loop3A_258 : i32 to vector<16xi32>
      %parallel_loop3A_260 = tpu.iota {dimensions = array<i32: 0>} : vector<16xi32>
      %parallel_loop3A_261 = arith.subi %parallel_loop3A_259, %parallel_loop3A_260 : vector<16xi32>
      %parallel_loop3A_262 = tpu.dynamic_gather %parallel_loop3A_251[%parallel_loop3A_261] in [0] : vector<16xi32>, vector<16xi32> -> vector<16xi32>
      %parallel_loop3A_263 = arith.select %lt3A_30, %parallel_loop3A_235, %parallel_loop3A_262 : vector<16xi1>, vector<16xi32>
      %parallel_loop3A_264 = arith.constant dense<true> : vector<16xi1>
      %parallel_loop3A_265, %parallel_loop3A_266, %parallel_loop3A_267 = tpu.sort %parallel_loop3A_257, %parallel_loop3A_263 masked %parallel_loop3A_264 {descending = true} : (vector<16xf32>, vector<16xi32>, vector<16xi1>) -> (vector<16xi1>, vector<16xf32>, vector<16xi32>)
      %parallel_loop3A_268 = arith.constant true
      %parallel_loop3A_269 = vector.broadcast %parallel_loop3A_268 : i1 to vector<16xi1>
      %parallel_loop3A_270 = tpu.scan <max>, %parallel_loop3A_266 masked %parallel_loop3A_269 : vector<16xf32>, vector<16xi1> -> vector<16xf32>
      %parallel_loop3A_271 = vector.extract %parallel_loop3A_270[15] : f32 from vector<16xf32>
      %parallel_loop3A_272 = vector.broadcast %parallel_loop3A_271 : f32 to vector<16xf32>
      %parallel_loop3A_273 = arith.subf %parallel_loop3A_266, %parallel_loop3A_272 : vector<16xf32>
      %parallel_loop3A_274 = math.exp %parallel_loop3A_273 : vector<16xf32>
      %parallel_loop3A_275 = arith.constant 0.000000e+00 : f32
      %parallel_loop3A_276 = vector.broadcast %parallel_loop3A_275 : f32 to vector<16xf32>
      %parallel_loop3A_277 = arith.select %lt3A_30, %parallel_loop3A_274, %parallel_loop3A_276 : vector<16xi1>, vector<16xf32>
      %parallel_loop3A_278 = arith.constant true
      %parallel_loop3A_279 = vector.broadcast %parallel_loop3A_278 : i1 to vector<16xi1>
      %parallel_loop3A_280 = tpu.scan <sum>, %parallel_loop3A_277 masked %parallel_loop3A_279 : vector<16xf32>, vector<16xi1> -> vector<16xf32>
      %parallel_loop3A_281 = vector.extract %parallel_loop3A_280[15] : f32 from vector<16xf32>
      %parallel_loop3A_282 = vector.broadcast %parallel_loop3A_281 : f32 to vector<16xf32>
      %parallel_loop3A_283 = arith.divf %parallel_loop3A_274, %parallel_loop3A_282 : vector<16xf32>
      %parallel_loop3A_284 = arith.constant 64 : i32
      %parallel_loop3A_285 = arith.addi %parallel_loop3A_284, %parallel_loop3A_41 : i32
      %parallel_loop3A_286 = arith.constant 8 : i32
      %parallel_loop3A_287 = arith.muli %parallel_loop3A_285, %parallel_loop3A_286 : i32
      %parallel_loop3A_288 = arith.index_cast %parallel_loop3A_287 : i32 to index
      %parallel_loop3A_289 = tpu.vector_load %arg6[%parallel_loop3A_288] masked %lt3A_30 {strides = array<i32>} : memref<1040xf32, #tpu.memory_space<vmem>>, vector<16xf32>, vector<16xi1>
      tpu.vector_store %arg6[%parallel_loop3A_288], %parallel_loop3A_283 masked %lt3A_30 {strides = array<i32>} : memref<1040xf32, #tpu.memory_space<vmem>>, vector<16xf32>, vector<16xi1>
      %parallel_loop3A_290 = arith.index_cast %parallel_loop3A_287 : i32 to index
      %parallel_loop3A_291 = tpu.vector_load %arg7[%parallel_loop3A_290] masked %lt3A_30 {strides = array<i32>} : memref<1040xi32, #tpu.memory_space<vmem>>, vector<16xi32>, vector<16xi1>
      tpu.vector_store %arg7[%parallel_loop3A_290], %parallel_loop3A_267 masked %lt3A_30 {strides = array<i32>} : memref<1040xi32, #tpu.memory_space<vmem>>, vector<16xi32>, vector<16xi1>
    } {sc.loop_unroll_factor = 2 : i64, sc.parallel_access}
    %mul3A_33 = arith.constant 8 : i32
    %mul3A_34 = arith.muli %add3A_26, %mul3A_33 : i32
    "tpu.region"() ({
      %run_scoped3A = tpu.sem_alloc : memref<!tpu.dma_semaphore, #tpu.memory_space<semaphore_mem>>
      %dma_start3A = arith.constant 0 : i32
      %dma_start3A_41 = tpu.memref_slice %arg6[%dma_start3A] : memref<1040xf32, #tpu.memory_space<vmem>> -> memref<512xf32, #tpu.memory_space<vmem>>
      %dma_start3A_42 = tpu.memref_slice %arg3[%mul3A_34] : memref<32768xf32, #tpu.memory_space<hbm>> -> memref<512xf32, #tpu.memory_space<hbm>>
      %dma_start3A_43 = tpu.memref_slice %arg3[%mul3A_34] : memref<32768xf32, #tpu.memory_space<hbm>> -> memref<512xf32, #tpu.memory_space<hbm>>
      %dma_start3A_44 = arith.constant 0 : i32
      %dma_start3A_45 = tpu.memref_slice %arg6[%dma_start3A_44] : memref<1040xf32, #tpu.memory_space<vmem>> -> memref<512xf32, #tpu.memory_space<vmem>>
      tpu.enqueue_dma source(%dma_start3A_45 : memref<512xf32, #tpu.memory_space<vmem>>) target(%dma_start3A_43 : memref<512xf32, #tpu.memory_space<hbm>>) target_semaphore(%run_scoped3A : memref<!tpu.dma_semaphore, #tpu.memory_space<semaphore_mem>>)
      %dma_wait3A = arith.constant 0 : i32
      %dma_wait3A_46 = tpu.memref_slice %arg6[%dma_wait3A] : memref<1040xf32, #tpu.memory_space<vmem>> -> memref<512xf32, #tpu.memory_space<vmem>>
      %dma_wait3A_47 = tpu.memref_slice %arg3[%mul3A_34] : memref<32768xf32, #tpu.memory_space<hbm>> -> memref<512xf32, #tpu.memory_space<hbm>>
      %dma_wait3A_48 = tpu.memref_slice %arg3[%mul3A_34] : memref<32768xf32, #tpu.memory_space<hbm>> -> memref<512xf32, #tpu.memory_space<hbm>>
      %dma_wait3A_49 = arith.constant 0 : i32
      %dma_wait3A_50 = tpu.memref_slice %arg6[%dma_wait3A_49] : memref<1040xf32, #tpu.memory_space<vmem>> -> memref<512xf32, #tpu.memory_space<vmem>>
      tpu.wait_dma2 semaphore(%run_scoped3A : memref<!tpu.dma_semaphore, #tpu.memory_space<semaphore_mem>>) src(%dma_wait3A_50 : memref<512xf32, #tpu.memory_space<vmem>>) dst(%dma_wait3A_48 : memref<512xf32, #tpu.memory_space<hbm>>)
      tpu.yield
    }) : () -> ()
    %mul3A_35 = arith.constant 8 : i32
    %mul3A_36 = arith.muli %add3A_26, %mul3A_35 : i32
    "tpu.region"() ({
      %run_scoped3A = tpu.sem_alloc : memref<!tpu.dma_semaphore, #tpu.memory_space<semaphore_mem>>
      %dma_start3A = arith.constant 0 : i32
      %dma_start3A_41 = tpu.memref_slice %arg7[%dma_start3A] : memref<1040xi32, #tpu.memory_space<vmem>> -> memref<512xi32, #tpu.memory_space<vmem>>
      %dma_start3A_42 = tpu.memref_slice %arg4[%mul3A_36] : memref<32768xi32, #tpu.memory_space<hbm>> -> memref<512xi32, #tpu.memory_space<hbm>>
      %dma_start3A_43 = tpu.memref_slice %arg4[%mul3A_36] : memref<32768xi32, #tpu.memory_space<hbm>> -> memref<512xi32, #tpu.memory_space<hbm>>
      %dma_start3A_44 = arith.constant 0 : i32
      %dma_start3A_45 = tpu.memref_slice %arg7[%dma_start3A_44] : memref<1040xi32, #tpu.memory_space<vmem>> -> memref<512xi32, #tpu.memory_space<vmem>>
      tpu.enqueue_dma source(%dma_start3A_45 : memref<512xi32, #tpu.memory_space<vmem>>) target(%dma_start3A_43 : memref<512xi32, #tpu.memory_space<hbm>>) target_semaphore(%run_scoped3A : memref<!tpu.dma_semaphore, #tpu.memory_space<semaphore_mem>>)
      %dma_wait3A = arith.constant 0 : i32
      %dma_wait3A_46 = tpu.memref_slice %arg7[%dma_wait3A] : memref<1040xi32, #tpu.memory_space<vmem>> -> memref<512xi32, #tpu.memory_space<vmem>>
      %dma_wait3A_47 = tpu.memref_slice %arg4[%mul3A_36] : memref<32768xi32, #tpu.memory_space<hbm>> -> memref<512xi32, #tpu.memory_space<hbm>>
      %dma_wait3A_48 = tpu.memref_slice %arg4[%mul3A_36] : memref<32768xi32, #tpu.memory_space<hbm>> -> memref<512xi32, #tpu.memory_space<hbm>>
      %dma_wait3A_49 = arith.constant 0 : i32
      %dma_wait3A_50 = tpu.memref_slice %arg7[%dma_wait3A_49] : memref<1040xi32, #tpu.memory_space<vmem>> -> memref<512xi32, #tpu.memory_space<vmem>>
      tpu.wait_dma2 semaphore(%run_scoped3A : memref<!tpu.dma_semaphore, #tpu.memory_space<semaphore_mem>>) src(%dma_wait3A_50 : memref<512xi32, #tpu.memory_space<vmem>>) dst(%dma_wait3A_48 : memref<512xi32, #tpu.memory_space<hbm>>)
      tpu.yield
    }) : () -> ()
    %mul3A_37 = arith.constant 8 : i32
    %mul3A_38 = arith.muli %add3A_28, %mul3A_37 : i32
    "tpu.region"() ({
      %run_scoped3A = tpu.sem_alloc : memref<!tpu.dma_semaphore, #tpu.memory_space<semaphore_mem>>
      %dma_start3A = arith.constant 512 : i32
      %dma_start3A_41 = tpu.memref_slice %arg6[%dma_start3A] : memref<1040xf32, #tpu.memory_space<vmem>> -> memref<512xf32, #tpu.memory_space<vmem>>
      %dma_start3A_42 = tpu.memref_slice %arg3[%mul3A_38] : memref<32768xf32, #tpu.memory_space<hbm>> -> memref<512xf32, #tpu.memory_space<hbm>>
      %dma_start3A_43 = tpu.memref_slice %arg3[%mul3A_38] : memref<32768xf32, #tpu.memory_space<hbm>> -> memref<512xf32, #tpu.memory_space<hbm>>
      %dma_start3A_44 = arith.constant 512 : i32
      %dma_start3A_45 = tpu.memref_slice %arg6[%dma_start3A_44] : memref<1040xf32, #tpu.memory_space<vmem>> -> memref<512xf32, #tpu.memory_space<vmem>>
      tpu.enqueue_dma source(%dma_start3A_45 : memref<512xf32, #tpu.memory_space<vmem>>) target(%dma_start3A_43 : memref<512xf32, #tpu.memory_space<hbm>>) target_semaphore(%run_scoped3A : memref<!tpu.dma_semaphore, #tpu.memory_space<semaphore_mem>>)
      %dma_wait3A = arith.constant 512 : i32
      %dma_wait3A_46 = tpu.memref_slice %arg6[%dma_wait3A] : memref<1040xf32, #tpu.memory_space<vmem>> -> memref<512xf32, #tpu.memory_space<vmem>>
      %dma_wait3A_47 = tpu.memref_slice %arg3[%mul3A_38] : memref<32768xf32, #tpu.memory_space<hbm>> -> memref<512xf32, #tpu.memory_space<hbm>>
      %dma_wait3A_48 = tpu.memref_slice %arg3[%mul3A_38] : memref<32768xf32, #tpu.memory_space<hbm>> -> memref<512xf32, #tpu.memory_space<hbm>>
      %dma_wait3A_49 = arith.constant 512 : i32
      %dma_wait3A_50 = tpu.memref_slice %arg6[%dma_wait3A_49] : memref<1040xf32, #tpu.memory_space<vmem>> -> memref<512xf32, #tpu.memory_space<vmem>>
      tpu.wait_dma2 semaphore(%run_scoped3A : memref<!tpu.dma_semaphore, #tpu.memory_space<semaphore_mem>>) src(%dma_wait3A_50 : memref<512xf32, #tpu.memory_space<vmem>>) dst(%dma_wait3A_48 : memref<512xf32, #tpu.memory_space<hbm>>)
      tpu.yield
    }) : () -> ()
    %mul3A_39 = arith.constant 8 : i32
    %mul3A_40 = arith.muli %add3A_28, %mul3A_39 : i32
    "tpu.region"() ({
      %run_scoped3A = tpu.sem_alloc : memref<!tpu.dma_semaphore, #tpu.memory_space<semaphore_mem>>
      %dma_start3A = arith.constant 512 : i32
      %dma_start3A_41 = tpu.memref_slice %arg7[%dma_start3A] : memref<1040xi32, #tpu.memory_space<vmem>> -> memref<512xi32, #tpu.memory_space<vmem>>
      %dma_start3A_42 = tpu.memref_slice %arg4[%mul3A_40] : memref<32768xi32, #tpu.memory_space<hbm>> -> memref<512xi32, #tpu.memory_space<hbm>>
      %dma_start3A_43 = tpu.memref_slice %arg4[%mul3A_40] : memref<32768xi32, #tpu.memory_space<hbm>> -> memref<512xi32, #tpu.memory_space<hbm>>
      %dma_start3A_44 = arith.constant 512 : i32
      %dma_start3A_45 = tpu.memref_slice %arg7[%dma_start3A_44] : memref<1040xi32, #tpu.memory_space<vmem>> -> memref<512xi32, #tpu.memory_space<vmem>>
      tpu.enqueue_dma source(%dma_start3A_45 : memref<512xi32, #tpu.memory_space<vmem>>) target(%dma_start3A_43 : memref<512xi32, #tpu.memory_space<hbm>>) target_semaphore(%run_scoped3A : memref<!tpu.dma_semaphore, #tpu.memory_space<semaphore_mem>>)
      %dma_wait3A = arith.constant 512 : i32
      %dma_wait3A_46 = tpu.memref_slice %arg7[%dma_wait3A] : memref<1040xi32, #tpu.memory_space<vmem>> -> memref<512xi32, #tpu.memory_space<vmem>>
      %dma_wait3A_47 = tpu.memref_slice %arg4[%mul3A_40] : memref<32768xi32, #tpu.memory_space<hbm>> -> memref<512xi32, #tpu.memory_space<hbm>>
      %dma_wait3A_48 = tpu.memref_slice %arg4[%mul3A_40] : memref<32768xi32, #tpu.memory_space<hbm>> -> memref<512xi32, #tpu.memory_space<hbm>>
      %dma_wait3A_49 = arith.constant 512 : i32
      %dma_wait3A_50 = tpu.memref_slice %arg7[%dma_wait3A_49] : memref<1040xi32, #tpu.memory_space<vmem>> -> memref<512xi32, #tpu.memory_space<vmem>>
      tpu.wait_dma2 semaphore(%run_scoped3A : memref<!tpu.dma_semaphore, #tpu.memory_space<semaphore_mem>>) src(%dma_wait3A_50 : memref<512xi32, #tpu.memory_space<vmem>>) dst(%dma_wait3A_48 : memref<512xi32, #tpu.memory_space<hbm>>)
      tpu.yield
    }) : () -> ()
    return
  }
}

module attributes {stable_mosaic.version = 14 : i64} {
  func.func @_matmul_block_first(%arg0: i32, %arg1: memref<1024x2048xf32, #tpu.memory_space<vmem>>, %arg2: memref<64x2048xf32, #tpu.memory_space<vmem>>, %arg3: memref<1024x64xf32, #tpu.memory_space<vmem>>, %arg4: memref<512x128xf32, #tpu.memory_space<vmem>>) attributes {dimension_semantics = [#tpu.dimension_semantics<arbitrary>], iteration_bounds = array<i64: 4>, scalar_prefetch = 0 : i64, scratch_operands = 0 : i64, tpu.core_type = #tpu.core_type<tc>, window_params = [{transform_indices = @transform_0, window_bounds = array<i64: 1024, 2048>}, {pipeline_mode = #tpu.pipeline_mode<synchronous>, transform_indices = @transform_1, window_bounds = array<i64: 64, 2048>}, {transform_indices = @transform_2, window_bounds = array<i64: 1024, 64>}, {transform_indices = @transform_3, window_bounds = array<i64: 512, 128>}]} {
    %get3A = arith.constant 0 : index
    %get3A_0 = arith.constant 0 : index
    %get3A_1 = vector.load %arg1[%get3A, %get3A_0] : memref<1024x2048xf32, #tpu.memory_space<vmem>>, vector<1024x2048xf32>
    %get3A_2 = arith.constant 0 : index
    %get3A_3 = arith.constant 0 : index
    %get3A_4 = vector.load %arg2[%get3A_2, %get3A_3] : memref<64x2048xf32, #tpu.memory_space<vmem>>, vector<64x2048xf32>
    %slice3A = vector.extract_strided_slice %get3A_1 {offsets = [0, 0], sizes = [512, 2048], strides = [1, 1]} : vector<1024x2048xf32> to vector<512x2048xf32>
    %dot_general3A = arith.constant dense<0.000000e+00> : vector<512x64xf32>
    %dot_general3A_5 = tpu.matmul %slice3A, %get3A_4, %dot_general3A {dimension_numbers = #tpu.dot_dimension_numbers<[1], [1], [0], [0], [0, 0, 1, 0], [], []>, transpose_lhs_hint = false} : vector<512x2048xf32>, vector<64x2048xf32>, vector<512x64xf32> -> vector<512x64xf32>
    %slice3A_6 = vector.extract_strided_slice %get3A_1 {offsets = [512, 0], sizes = [512, 2048], strides = [1, 1]} : vector<1024x2048xf32> to vector<512x2048xf32>
    %dot_general3A_7 = arith.constant dense<0.000000e+00> : vector<512x64xf32>
    %dot_general3A_8 = tpu.matmul %slice3A_6, %get3A_4, %dot_general3A_7 {dimension_numbers = #tpu.dot_dimension_numbers<[1], [1], [0], [0], [0, 0, 1, 0], [], []>, transpose_lhs_hint = false} : vector<512x2048xf32>, vector<64x2048xf32>, vector<512x64xf32> -> vector<512x64xf32>
    %concatenate3A = tpu.concatenate %dot_general3A_5, %dot_general3A_8 in 0 : vector<512x64xf32>, vector<512x64xf32> -> vector<1024x64xf32>
    %swap3A = arith.constant 0 : index
    %swap3A_9 = arith.constant 0 : index
    %swap3A_10 = vector.load %arg3[%swap3A, %swap3A_9] : memref<1024x64xf32, #tpu.memory_space<vmem>>, vector<1024x64xf32>
    tpu.vector_store %arg3[%swap3A, %swap3A_9], %concatenate3A {strides = array<i32>} : memref<1024x64xf32, #tpu.memory_space<vmem>>, vector<1024x64xf32>,
    %concatenate3A_11 = tpu.concatenate %dot_general3A_5, %dot_general3A_8 in 1 : vector<512x64xf32>, vector<512x64xf32> -> vector<512x128xf32>
    %swap3A_12 = arith.constant 0 : index
    %swap3A_13 = arith.constant 0 : index
    %swap3A_14 = vector.load %arg4[%swap3A_12, %swap3A_13] : memref<512x128xf32, #tpu.memory_space<vmem>>, vector<512x128xf32>
    tpu.vector_store %arg4[%swap3A_12, %swap3A_13], %concatenate3A_11 {strides = array<i32>} : memref<512x128xf32, #tpu.memory_space<vmem>>, vector<512x128xf32>,
    return
  }
  func.func @transform_0(%arg0: i32) -> (i32, i32) {
    %add3A = arith.constant 0 : i32
    %add3A_0 = arith.addi %arg0, %add3A : i32
    %c0_i32 = arith.constant 0 : i32
    %c0_i32_1 = arith.constant 0 : i32
    return %add3A_0, %c0_i32 : i32, i32
  }
  func.func @transform_1(%arg0: i32) -> (i32, i32) {
    %c0_i32 = arith.constant 0 : i32
    %c0_i32_0 = arith.constant 0 : i32
    %c0_i32_1 = arith.constant 0 : i32
    return %c0_i32, %c0_i32_0 : i32, i32
  }
  func.func @transform_2(%arg0: i32) -> (i32, i32) {
    %add3A = arith.constant 0 : i32
    %add3A_0 = arith.addi %arg0, %add3A : i32
    %c0_i32 = arith.constant 0 : i32
    %c0_i32_1 = arith.constant 0 : i32
    return %add3A_0, %c0_i32 : i32, i32
  }
  func.func @transform_3(%arg0: i32) -> (i32, i32) {
    %c0_i32 = arith.constant 0 : i32
    %c0_i32_0 = arith.constant 0 : i32
    return %arg0, %c0_i32 : i32, i32
  }
}

module attributes {stable_mosaic.version = 14 : i64} {
  func.func @_matmul_block(%arg0: i32, %arg1: memref<1024x2048xf32, #tpu.memory_space<vmem>>, %arg2: memref<64x2048xf32, #tpu.memory_space<vmem>>, %arg3: memref<8192x64xf32, #tpu.memory_space<hbm>>, %arg4: memref<1024x64xf32, #tpu.memory_space<vmem>>, %arg5: memref<512x128xf32, #tpu.memory_space<vmem>>) attributes {dimension_semantics = [#tpu.dimension_semantics<arbitrary>], iteration_bounds = array<i64: 4>, scalar_prefetch = 0 : i64, scratch_operands = 0 : i64, tpu.core_type = #tpu.core_type<tc>, window_params = [{transform_indices = @transform_0, window_bounds = array<i64: 1024, 2048>}, {pipeline_mode = #tpu.pipeline_mode<synchronous>, transform_indices = @transform_1, window_bounds = array<i64: 64, 2048>}, {}, {transform_indices = @transform_3, window_bounds = array<i64: 1024, 64>}, {transform_indices = @transform_4, window_bounds = array<i64: 512, 128>}]} {
    %get3A = arith.constant 0 : index
    %get3A_0 = arith.constant 0 : index
    %get3A_1 = vector.load %arg1[%get3A, %get3A_0] : memref<1024x2048xf32, #tpu.memory_space<vmem>>, vector<1024x2048xf32>
    %get3A_2 = arith.constant 0 : index
    %get3A_3 = arith.constant 0 : index
    %get3A_4 = vector.load %arg2[%get3A_2, %get3A_3] : memref<64x2048xf32, #tpu.memory_space<vmem>>, vector<64x2048xf32>
    %slice3A = vector.extract_strided_slice %get3A_1 {offsets = [0, 0], sizes = [512, 2048], strides = [1, 1]} : vector<1024x2048xf32> to vector<512x2048xf32>
    %dot_general3A = arith.constant dense<0.000000e+00> : vector<512x64xf32>
    %dot_general3A_5 = tpu.matmul %slice3A, %get3A_4, %dot_general3A {dimension_numbers = #tpu.dot_dimension_numbers<[1], [1], [0], [0], [0, 0, 1, 0], [], []>, transpose_lhs_hint = false} : vector<512x2048xf32>, vector<64x2048xf32>, vector<512x64xf32> -> vector<512x64xf32>
    %slice3A_6 = vector.extract_strided_slice %get3A_1 {offsets = [512, 0], sizes = [512, 2048], strides = [1, 1]} : vector<1024x2048xf32> to vector<512x2048xf32>
    %dot_general3A_7 = arith.constant dense<0.000000e+00> : vector<512x64xf32>
    %dot_general3A_8 = tpu.matmul %slice3A_6, %get3A_4, %dot_general3A_7 {dimension_numbers = #tpu.dot_dimension_numbers<[1], [1], [0], [0], [0, 0, 1, 0], [], []>, transpose_lhs_hint = false} : vector<512x2048xf32>, vector<64x2048xf32>, vector<512x64xf32> -> vector<512x64xf32>
    %concatenate3A = tpu.concatenate %dot_general3A_5, %dot_general3A_8 in 0 : vector<512x64xf32>, vector<512x64xf32> -> vector<1024x64xf32>
    %swap3A = arith.constant 0 : index
    %swap3A_9 = arith.constant 0 : index
    %swap3A_10 = vector.load %arg4[%swap3A, %swap3A_9] : memref<1024x64xf32, #tpu.memory_space<vmem>>, vector<1024x64xf32>
    tpu.vector_store %arg4[%swap3A, %swap3A_9], %concatenate3A {strides = array<i32>} : memref<1024x64xf32, #tpu.memory_space<vmem>>, vector<1024x64xf32>,
    %concatenate3A_11 = tpu.concatenate %dot_general3A_5, %dot_general3A_8 in 1 : vector<512x64xf32>, vector<512x64xf32> -> vector<512x128xf32>
    %swap3A_12 = arith.constant 0 : index
    %swap3A_13 = arith.constant 0 : index
    %swap3A_14 = vector.load %arg5[%swap3A_12, %swap3A_13] : memref<512x128xf32, #tpu.memory_space<vmem>>, vector<512x128xf32>
    tpu.vector_store %arg5[%swap3A_12, %swap3A_13], %concatenate3A_11 {strides = array<i32>} : memref<512x128xf32, #tpu.memory_space<vmem>>, vector<512x128xf32>,
    return
  }
  func.func @transform_0(%arg0: i32) -> (i32, i32) {
    %add3A = arith.constant 4 : i32
    %add3A_0 = arith.addi %arg0, %add3A : i32
    %c0_i32 = arith.constant 0 : i32
    %c0_i32_1 = arith.constant 0 : i32
    return %add3A_0, %c0_i32 : i32, i32
  }
  func.func @transform_1(%arg0: i32) -> (i32, i32) {
    %c0_i32 = arith.constant 0 : i32
    %c0_i32_0 = arith.constant 0 : i32
    %c0_i32_1 = arith.constant 0 : i32
    return %c0_i32, %c0_i32_0 : i32, i32
  }
  func.func @transform_3(%arg0: i32) -> (i32, i32) {
    %add3A = arith.constant 4 : i32
    %add3A_0 = arith.addi %arg0, %add3A : i32
    %c0_i32 = arith.constant 0 : i32
    %c0_i32_1 = arith.constant 0 : i32
    return %add3A_0, %c0_i32 : i32, i32
  }
  func.func @transform_4(%arg0: i32) -> (i32, i32) {
    %c0_i32 = arith.constant 0 : i32
    %c0_i32_0 = arith.constant 0 : i32
    return %arg0, %c0_i32 : i32, i32
  }
}

</mosaic_0001>

<sc_bundles>
// kernel: kernel.6.cloned.1.call-start
scs
__scs_entry_jumppad:
0x0: {  	(pc) =	sbr.rel $0x88, $3  }
0x1: {  	(tag) =	ssettag $0x0;
	lr =	simm.s32 $0x1  }
0x2: {  	[smem:$0x3F9F] =	sst lr;
	_ =	strace $0xD0000000  }
0x3: {  	_ = 	snop  }
0x4: {  	_ = 	snop  }
0x5: {  	_ = 	snop  }
0x6: {  	_ = 	snop  }
0x7: {  	_ = 	snop  }
__scs_overlays_trampoline_lowered:
0x8: {  	[smem:$0x3FAE] =	sst s0  }
0x9: {  	[smem:$0x3FAF] =	sst s1  }
0xa: {  	[smem:$0x3FB0] =	sst s2  }
0xb: {  	[smem:$0x3FB1] =	sst s3  }
0xc: {  	[smem:$0x3FB2] =	sst s4  }
0xd: {  	[smem:$0x3FB3] =	sst s5  }
0xe: {  	[smem:$0x3FB4] =	sst s6  }
0xf: {  	[smem:$0x3FB5] =	sst s7  }
0x10: {  	[smem:$0x3FB6] =	sst s8  }
0x11: {  	[smem:$0x3FB7] =	sst s9;
	s0 =	simm.s32 @!p0 $0x0  }
0x12: {  	s1 =	sld [smem:$0x3F9D];
	s0 =	simm.s32 @p0 $0x1  }
0x13: {  	[smem:$0x3FB8] =	sst s0;
	s0 =	simm.s32 @!p1 $0x0  }
0x14: {  	s2 =	sld [smem:$0x3F9C];
	s0 =	simm.s32 @p1 $0x1  }
0x15: {  	[smem:$0x3FB9] =	sst s0;
	s0 =	simm.s32 @!p2 $0x0  }
0x16: {  	s3 =	sld [smem:$0x3FDB];
	s0 =	simm.s32 @p2 $0x1  }
0x17: {  	s4 =	simm.s32 $0x1BF5;
	[smem:$0x3FBB] =	sst s0  }
0x18: {  	s0 =	sld [smem:$0x3F9E];
	_ =	swait.ge [sflag:s4], $0x0  }
0x19: {  	s7 =	sld [smem:$0x3F9F]  }
0x1a: {  	s8 =	sadd.s32 $0xFFFFE003, lr  }
0x1b: {  	s9 =	sadd.s32 $0xFFFFFEF7, lr;
	s5 =	simm.s32 $0xFFFFFFFF;
	p2 =	slt.u32 s8, $0xFFFFF086  }
0x1c: {  	p1 =	slt.u32 s9, $0xF7A;
	s5 =	simm.s32 @!p2 $0x0  }
0x1d: {  	s5 =	simm.s32 @p1 $0x1;
	p0 =	seq.s32 s7, s2  }
0x1e: {  	s7 =	smul.u32 @!p0 $0xF7A, s2;
	p2 =	seq.s32 @!p0 s5, $0x0  }
0x1f: {  	s9 =	smul.u32 $0xF7A, s1;
	s8 =	simm.s32 @!p0 $0x1BF5;
	p2 =	por !p2, p0  }
0x20: {  	[sflag:s8] =	ssyncset.s32 @!p0 $0xFFFFF086;
	s6 =	sadd.s32 @!p0 s3, s7;
	s7 =	simm.s32 @!p0 $0x108  }
0x21: {  	s3 =	sadd.s32 s3, s9;
	s6 =	sadd.s32 @!p0 $0x88, s6;
	s7 =	simm.s32 @p2 $0x1082  }
0x22: {  	[simem:s7], [sflag:s8] =	dma.local @!p0 [hbm:s6], $0xF7A  }
0x23: {  	s9 =	sor.u32 $0xD0000000, s2;
	s6 =	simm.s32 $0x108;
	_ =	swait.ge @!p0 [sflag:s8], $0x0  }
0x24: {  	s3 =	sadd.s32 $0x88, s3;
	s6 =	simm.s32 @!p1 $0x1082;
	[sflag:s4] =	ssyncset.s32 $0xFFFFF086  }
0x25: {  	[simem:s6], [sflag:s4] =	dma.local [hbm:s3], $0xF7A  }
0x26: {  	[smem:$0x3F9F] =	sst s1;
	(tag) =	ssettag s2;
	_ =	strace s9  }
0x27: {  	s1 =	sld [smem:$0x3FAF]  }
0x28: {  	s2 =	sld [smem:$0x3FB0]  }
0x29: {  	s4 =	sld [smem:$0x3FB2]  }
0x2a: {  	p0 =	seq.s32 s5, $0x0;
	s5 =	sld [smem:$0x3FB3]  }
0x2b: {  	s6 =	sld [smem:$0x3FB4]  }
0x2c: {  	s7 =	sld [smem:$0x3FB5]  }
0x2d: {  	s3 =	simm.s32 $0x108;
	s8 =	sld [smem:$0x3FB6]  }
0x2e: {  	s3 =	simm.s32 @!p0 $0x1082;
	s9 =	sld [smem:$0x3FB7]  }
0x2f: {  	lr =	sadd.s32 s0, s3;
	s0 =	sld [smem:$0x3FAE]  }
0x30: {  	s3 =	sld [smem:$0x3FB1]  }
0x31: {  	[smem:$0x3FBA] =	sst s10  }
0x32: {  	s10 =	sld [smem:$0x3FB8];
	_ =	sdelay $0x3  }
0x33: {  	p0 =	seq.s32 s10, $0x1;
	s10 =	sld [smem:$0x3FBA];
	_ =	sdelay $0x3  }
0x34: {  	[smem:$0x3FBA] =	sst s10  }
0x35: {  	s10 =	sld [smem:$0x3FB9];
	_ =	sdelay $0x3  }
0x36: {  	p1 =	seq.s32 s10, $0x1;
	s10 =	sld [smem:$0x3FBA];
	_ =	sdelay $0x3  }
0x37: {  	[smem:$0x3FBA] =	sst s10  }
0x38: {  	s10 =	sld [smem:$0x3FBB]  }
0x39: {  	_ = 	snop;
	(pc) =	sbr.ind lr, $3  }
0x3a: {  	_ = 	snop  }
0x3b: {  	_ = 	snop  }
0x3c: {  	p2 =	seq.s32 s10, $0x1;
	s10 =	sld [smem:$0x3FBA]  }
0x3d: {  	_ =	shalt  }
0x3e: {  	_ =	shalt  }
0x3f: {  	_ =	shalt  }
0x40: {  	_ =	shalt  }
0x41: {  	_ =	shalt  }
0x42: {  	_ =	shalt  }
0x43: {  	_ =	shalt  }
0x44: {  	_ =	shalt  }
0x45: {  	_ =	shalt  }
0x46: {  	_ =	shalt  }
0x47: {  	_ =	shalt  }
0x48: {  	_ =	shalt  }
0x49: {  	_ =	shalt  }
0x4a: {  	_ =	shalt  }
0x4b: {  	_ =	shalt  }
0x4c: {  	_ =	shalt  }
0x4d: {  	_ =	shalt  }
0x4e: {  	_ =	shalt  }
0x4f: {  	_ =	shalt  }
0x50: {  	_ =	shalt  }
0x51: {  	_ =	shalt  }
0x52: {  	_ =	shalt  }
0x53: {  	_ =	shalt  }
0x54: {  	_ =	shalt  }
0x55: {  	_ =	shalt  }
0x56: {  	_ =	shalt  }
0x57: {  	_ =	shalt  }
0x58: {  	_ =	shalt  }
0x59: {  	_ =	shalt  }
0x5a: {  	_ =	shalt  }
0x5b: {  	_ =	shalt  }
0x5c: {  	_ =	shalt  }
0x5d: {  	_ =	shalt  }
0x5e: {  	_ =	shalt  }
0x5f: {  	_ =	shalt  }
0x60: {  	_ =	shalt  }
0x61: {  	_ =	shalt  }
0x62: {  	_ =	shalt  }
0x63: {  	_ =	shalt  }
0x64: {  	_ =	shalt  }
0x65: {  	_ =	shalt  }
0x66: {  	_ =	shalt  }
0x67: {  	_ =	shalt  }
0x68: {  	_ =	shalt  }
0x69: {  	_ =	shalt  }
0x6a: {  	_ =	shalt  }
0x6b: {  	_ =	shalt  }
0x6c: {  	_ =	shalt  }
0x6d: {  	_ =	shalt  }
0x6e: {  	_ =	shalt  }
0x6f: {  	_ =	shalt  }
0x70: {  	_ =	shalt  }
0x71: {  	_ =	shalt  }
0x72: {  	_ =	shalt  }
0x73: {  	_ =	shalt  }
0x74: {  	_ =	shalt  }
0x75: {  	_ =	shalt  }
0x76: {  	_ =	shalt  }
0x77: {  	_ =	shalt  }
0x78: {  	_ =	shalt  }
0x79: {  	_ =	shalt  }
0x7a: {  	_ =	shalt  }
0x7b: {  	_ =	shalt  }
0x7c: {  	_ =	shalt  }
0x7d: {  	_ =	shalt  }
0x7e: {  	_ =	shalt  }
0x7f: {  	_ =	shalt  }
0x80: {  	_ =	shalt  }
0x81: {  	_ =	shalt  }
0x82: {  	_ =	shalt  }
0x83: {  	_ =	shalt  }
0x84: {  	_ =	shalt  }
0x85: {  	_ =	shalt  }
0x86: {  	_ =	shalt  }
0x87: {  	_ =	shalt  }
.Lfunc_end0:
.L_simem_size_0:
called_computation_lowered:
.L_overlay_start_0:
0x88: {  	s2 =	sld [smem:$0x3FD9]  }
0x89: {  	s3 =	sld [smem:$0x3FFE];
	_ =	sdelay $0x1  }
0x8a: {  	s1 =	srdreg.scid  }
0x8b: {  	s0 =	sand.u32 $0x1, s1  }
0x8c: {  	s16 =	sshll.u32 s0, $0xA;
	s2 =	sadd.s32 s3, s2  }
0x8d: {  	s2 =	sadd.s32 s2, s16  }
0x8e: {  	[smem:$0x3FC6] =	sst s2  }
0x8f: {  	_ = 	snop  }
0x90: {  	(tm) =	ssettm $0x1  }
0x91: {  	s17 =	sld [smem:$0x3FFB];
	_ =	sdelay $0x3  }
0x92: {  	_ =	strace s17  }
0x93: {  	s2 =	sld [smem:$0x3FFC];
	_ =	sdelay $0x3  }
0x94: {  	_ =	strace s2  }
0x95: {  	s2 =	sld [smem:$0x3FFD];
	_ =	sdelay $0x3  }
0x96: {  	_ =	strace s2  }
0x97: {  	_ =	strace $0x8FFFFFFF  }
0x98: {  	s18 =	sld [smem:$0x3FDB];
	_ =	sdelay $0x1  }
0x99: {  	s19 =	simm.s32 $_scs_section_size  }
0x9a: {  	s4 =	simm.s32 $_size__tile_overlayer_lowered;
	s5 =	simm.s32 $_tile_overlayer_lowered  }
0x9b: {  	s22 =	simm.s32 $0x1BFF;
	s21 =	sshll.u32 s5, $0x1;
	s2 =	sadd.s32 s19, s18  }
0x9c: {  	s6 =	simm.s32 $0x0;
	s20 =	sshll.u32 s4, $0x1;
	s4 =	sadd.s32 s21, s2  }
0x9d: {  	[timem:s6], [sflag:s22] =	dma.local [hbm:s4], s20  }
0x9e: {  	_ =	swait.ge [sflag:s22], s20  }
0x9f: {  	s3 =	ssub.s32 $0x0, s20;
	[sflag:s22] =	ssyncset.done $0x0  }
0xa0: {  	[sflag:s22] =	ssyncadd.s32 s3;
	_ =	sdelay $0x1  }
0xa1: {  	s23 =	simm.s32 $0x1B8B  }
0xa2: {  	_ =	swait.ge [sflag:s23], $0x1  }
0xa3: {  	[sflag:s23] =	ssyncset.done $0x0  }
0xa4: {  	s25 =	simm.s32 $0x1B8E;
	s24 =	sld [smem:$0x3FFE];
	[sflag:s23] =	ssyncadd.s32 $0xFFFFFFFF  }
0xa5: {  	s26 =	simm.s32 $execute0_lowered;
	[smem:$0x3FD2] =	sst s25  }
0xa6: {  	s4 =	sshll.u32 s26, $0x1;
	_ =	strace $0x80000046;
	[dreg:$0x1] =	wrdreg $0xFFFFFFFF  }
0xa7: {  	s28 =	simm.s32 $_size_execute0_lowered;
	s2 =	sadd.s32 s2, s4;
	[dreg:$0x0] =	wrdreg $0x0  }
0xa8: {  	s4 =	sshll.u32 s28, $0x1;
	[dreg:$0x2] =	wrdreg s2  }
0xa9: {  	[dreg:$0x3] =	wrdreg s4  }
0xaa: {  	[dreg:$0x4] =	wrdreg $0xC0  }
0xab: {  	_ =	task [dreg:s6], $0x5FFFF  }
0xac: {  	[dreg:$0x1] =	wrdreg $0xFFFFFFFF  }
0xad: {  	[dreg:$0x0] =	wrdreg $0x60  }
0xae: {  	[dreg:$0x2] =	wrdreg s24  }
0xaf: {  	[dreg:$0x3] =	wrdreg $0x9  }
0xb0: {  	_ =	task.clear_ibuf [dreg:s6], $0x4FFFF;
	_ =	strace $0x90000046  }
0xb1: {  	s29 =	simm.s32 $0x9;
	_ =	strace $0x80000048  }
0xb2: {  	_ =	swait.ge [sflag:s29], $0x1  }
0xb3: {  	[sflag:s29] =	ssyncadd.s32 $0xFFFFFFFF  }
0xb4: {  	_ =	strace $0x90000048  }
0xb5: {  	_ =	sfence  }
0xb6: {  	s30 =	sld [smem:$0x0];
	_ =	sdelay $0x2  }
0xb7: {  	s31 =	sshll.u32 s1, $0xD;
	s1 =	sshrl.u32 s1, $0x2  }
0xb8: {  	s3 =	sand.u32 $0x4000, s31;
	s1 =	sadd.s32 s1, s30  }
0xb9: {  	s0 =	sor.u32 s3, s0;
	s1 =	sshll.u32 s1, $0x11  }
0xba: {  	s0 =	sor.u32 s1, s0  }
0xbb: {  	s0 =	sadd.s32 $0x8F2B, s0  }
0xbc: {  	[sflag:s0] =	ssyncadd.remote.s32 $0x1  }
0xbd: {  	_ =	sfence.sel $0xFFFF  }
0xbe: {  	[dreg:$0x0] =	wrdreg $0xFFFFFFFF;
	(pc) =	sbr.abs _section_cstart, $3  }
0xbf: {  	[dreg:$0x1] =	wrdreg $0xFFFFFFFF  }
0xc0: {  	_ =	task.clear_ibuf [dreg:s6], $0x2FFFF;
	_ =	strace $0x9FFFFFFF  }
0xc1: {  	(tm) =	ssettm $0x7FFFFFFF  }
tec
execute0_lowered:
.L_overlay_start_1:
0x0: {  	(tag) =	ssettag $0x1  }
0x1: {  	s0 =	rddreg [dreg:$0x0]  }
0x2: {  	s1 =	srdreg.scid;
	s5 =	stileid.u32  }
0x3: {  	s2 =	simm.s32 $0x0;
	s9 =	simm.s32 $0x1;
	s14 =	simm.s32 $0x0  }
0x4: {  	s1 =	sand.u32 $0x1, s1;
	s3 =	sshll.u32 s5, $0x1;
	[smem:$0x7FF] =	sst s2  }
0x5: {  	s6 =	sadd.s32 $0x9A00, s0;
	s5 =	sshrl.u32 s5, $0x2;
	s3 =	sor.u32 s1, s3  }
0x6: {  	_ =	strace $0x80000047;
	s1 =	ssub.s32 $0x2, s1;
	s7 =	sshll.u32 s5, $0x9  }
0x7: {  	s5 =	sshll.u32 s5, $0xA;
	s4 =	sshll.u32 s3, $0xA;
	s3 =	sshll.u32 s3, $0x6  }
0x8: {  	s8 =	sshrl.u32 s1, $0x1;
	s4 =	sadd.s32 s4, s0;
	s3 =	ssub.s32 s3, s7  }
0x9: {  	v0 =	vlaneseq.u32;
	s0 =	sadd.s32 $0xAA00, s0;
	s1 =	ssub.s32 s1, s8;
	s5 =	sadd.s32 s5, s3  }
0xa: {  	v4 =	vmul.u32 $0xFFFFFFFF, v0;
	s3 =	sadd.s32 $0x1A00, s4;
	s29 =	sand.u32 $0x1FFFFFC0, s5;
	s30 =	sadd.s32 $0x200, s5  }
0xb: {  	vm0 =	vmmov $0xff;
	v1 =	vor.u32 $0x10, v0;
	s8 =	smax.u32 s1, $0x1;
	s4 =	sadd.s32 s6, s29;
	s31 =	sand.u32 $0x1FFFFFC0, s30  }
0xc: {  	v2 =	vor.u32 $0x20, v0;
	v3 =	vor.u32 $0x30, v0;
	v4 =	vadd.s32 $0xF, v4;
	s5 =	sadd.s32 s0, s29;
	s6 =	sadd.s32 s6, s31;
	s7 =	sadd.s32 s0, s31  }
.LBB2_1:
0xd: {  	[tilespmem:s2], [sflag:$0x1] =	stream.linear.gather [hbm4b:s3+s2], $0x2000, $0x38;
	[tilespmem:$0x2900] =	vst v63  }
0xe: {  	_ =	swait.ge [sflag:s9], $0x2000  }
0xf: {  	[sflag:s9] =	ssyncset.done $0x0  }
0x10: {  	s1 =	simm.s32 $0x80;
	[sflag:s9] =	ssyncadd.s32 $0xFFFFE000  }
0x11: {  	v5 =	vld [tilespmem:s1+$0xFFFFFF80]  }
0x12: {  	v6 =	vld [tilespmem:s1+$0xFFFFFF90];
	_ =	sdelay $0x3  }
0x13: {  	v7 =	vld [tilespmem:s1+$0xFFFFFFB0];
	(xrf1) =	vsort.dscd.msk.f32 $0xffff, v5, v0  }
0x14: {  	(xrf1) =	vsort.dscd.msk.f32 $0xffff, v6, v1  }
0x15: {  	v8 =	vld [tilespmem:s1+$0xFFFFFFA0];
	_ =	sdelay $0x2  }
0x16: {  	(xrf1) =	vsort.dscd.msk.f32 $0xffff, v7, v3;
	_ =	sdelay $0x1  }
0x17: {  	(xrf1) =	vsort.dscd.msk.f32 $0xffff, v8, v2;
	_ =	sdelay $0x6  }
0x18: {  	v5, v6, _ =	vpop (xrf1)  }
0x19: {  	v7, v8, _ =	vpop (xrf1)  }
0x1a: {  	v8 =	vperm.xlane v8, v4  }
0x1b: {  	v7 =	vperm.xlane v7, v4;
	_ =	sdelay $0x1  }
0x1c: {  	v9, v10, _ =	vpop (xrf1)  }
0x1d: {  	v9 =	vperm.xlane v9, v4;
	v10 =	vperm.xlane v10, v4  }
0x1e: {  	v5 =	vsel vm0, v5, v7;
	v6 =	vsel vm0, v6, v8;
	v7, v8, _ =	vpop (xrf1)  }
0x1f: {  	(xrf1) =	vsort.dscd.msk.f32 $0xffff, v5, v6;
	v7 =	vsel vm0, v7, v9;
	v8 =	vsel vm0, v8, v10  }
0x20: {  	(xrf1) =	vsort.dscd.msk.f32 $0xffff, v7, v8;
	_ =	sdelay $0xa  }
0x21: {  	s0 =	simm.s32 $0x180  }
0x22: {  	v5 =	vld [tilespmem:s0+$0xFFFFFF80]  }
0x23: {  	v6, v7, _ =	vpop (xrf1)  }
0x24: {  	v8, v9, _ =	vpop (xrf1)  }
0x25: {  	v8 =	vperm.xlane v8, v4;
	v9 =	vperm.xlane v9, v4;
	_ =	sdelay $0x1  }
0x26: {  	(xrf1) =	vsort.dscd.msk.f32 $0xffff, v5, v0;
	v5 =	vsel vm0, v6, v8;
	v6 =	vsel vm0, v7, v9  }
0x27: {  	(xrf1) =	vsort.dscd.msk.f32 $0xffff, v5, v6;
	_ =	sdelay $0x6  }
0x28: {  	v5 =	vld [tilespmem:s0+$0xFFFFFF90];
	_ =	sdelay $0x1  }
0x29: {  	v6 =	vld [tilespmem:s0+$0xFFFFFFB0];
	_ =	sdelay $0x2  }
0x2a: {  	(xrf1) =	vsort.dscd.msk.f32 $0xffff, v5, v1  }
0x2b: {  	v7 =	vld [tilespmem:s0+$0xFFFFFFA0];
	v5, v8, _ =	vpop (xrf1)  }
0x2c: {  	(xrf1) =	vsort.dscd.msk.f32 $0xffff, v6, v3;
	v6, v9, _ =	vpop (xrf1)  }
0x2d: {  	(xrf0) =	vmax.scan.msk.f32 $0xffff, v6;
	_ =	sdelay $0x2  }
0x2e: {  	(xrf1) =	vsort.dscd.msk.f32 $0xffff, v7, v2;
	_ =	sdelay $0x2  }
0x2f: {  	v7, _, _ =	vpop (xrf0)  }
0x30: {  	v7 =	vbroadcast v7, $0xF;
	_ =	sdelay $0x2  }
0x31: {  	v6 =	vsub.f32 v6, v7  }
0x32: {  	v7, v10, _ =	vpop (xrf1)  }
0x33: {  	v6 =	vmul.f32 $1.442695020e+00, v6;
	v10 =	vperm.xlane v10, v4;
	_ =	sdelay $0x1  }
0x34: {  	(erf) = vpow2.f32 v6  }
0x35: {  	v7 =	vperm.xlane v7, v4;
	v11, v12, _ =	vpop (xrf1)  }
0x36: {  	v6 =	vperm.xlane v11, v4;
	v11 =	vperm.xlane v12, v4  }
0x37: {  	v5 =	vsel vm0, v5, v7;
	v7 =	vsel vm0, v8, v10;
	v8, v10, _ =	vpop (xrf1)  }
0x38: {  	(xrf1) =	vsort.dscd.msk.f32 $0xffff, v5, v7;
	v6 =	vsel vm0, v8, v6;
	v8 =	vsel vm0, v10, v11  }
0x39: {  	(xrf1) =	vsort.dscd.msk.f32 $0xffff, v6, v8;
	_ =	sdelay $0x3  }
0x3a: {  	v5 =	vpop (erf)  }
0x3b: {  	v6 =	vnsel vm0, $0x0, v5  }
0x3c: {  	(xrf2) =	vadd.scan.msk.f32 $0xffff, v6;
	_ =	sdelay $0x3  }
0x3d: {  	s30 =	simm.s32 $0x280  }
0x3e: {  	v6 =	vld [tilespmem:s30+$0xFFFFFF80];
	_ =	sdelay $0x1  }
0x3f: {  	v7, v8, _ =	vpop (xrf1)  }
0x40: {  	v12 =	vld [tilespmem:s30+$0xFFFFFF90];
	v10, v11, _ =	vpop (xrf1)  }
0x41: {  	v10 =	vperm.xlane v10, v4;
	v11 =	vperm.xlane v11, v4  }
0x42: {  	(xrf1) =	vsort.dscd.msk.f32 $0xffff, v6, v0;
	v6, _, _ =	vpop (xrf2)  }
0x43: {  	v6 =	vbroadcast v6, $0xF;
	v7 =	vsel vm0, v7, v10;
	v8 =	vsel vm0, v8, v11  }
0x44: {  	v13 =	vld [tilespmem:s30+$0xFFFFFFB0];
	(xrf1) =	vsort.dscd.msk.f32 $0xffff, v7, v8  }
0x45: {  	(erf) = vrcp.f32 v6;
	(xrf1) =	vsort.dscd.msk.f32 $0xffff, v12, v1  }
0x46: {  	v10 =	vld [tilespmem:s30+$0xFFFFFFA0];
	_ =	sdelay $0x2  }
0x47: {  	(xrf1) =	vsort.dscd.msk.f32 $0xffff, v13, v3;
	_ =	sdelay $0x1  }
0x48: {  	(xrf1) =	vsort.dscd.msk.f32 $0xffff, v10, v2;
	_ =	sdelay $0x2  }
0x49: {  	v6 =	vpop (erf)  }
0x4a: {  	v5 =	vmul.f32 v6, v5;
	_ =	sdelay $0x1  }
0x4b: {  	v6, v7, _ =	vpop (xrf1)  }
0x4c: {  	s15 =	simm.s32 $0x2208;
	v8, v10, _ =	vpop (xrf1)  }
0x4d: {  	s16 =	simm.s32 $0x2688;
	[tilespmem:s15+$0xFFFFFDF8] =	vst.msk $0xff, v5;
	v5, v11, _ =	vpop (xrf1)  }
0x4e: {  	[tilespmem:s16+$0xFFFFFDF8] =	vst.msk $0xff, v9;
	(xrf0) =	vmax.scan.msk.f32 $0xffff, v8;
	v9 =	vperm.xlane v11, v4  }
0x4f: {  	v5 =	vperm.xlane v5, v4;
	_ =	sdelay $0x1  }
0x50: {  	v11, v12, _ =	vpop (xrf1);
	v5 =	vsel vm0, v6, v5;
	v6 =	vsel vm0, v7, v9  }
0x51: {  	v13 =	vld [tilespmem:s1+$0xFFFFFFD0];
	v11 =	vperm.xlane v11, v4;
	v12 =	vperm.xlane v12, v4  }
0x52: {  	v14 =	vld [tilespmem:s1+$0xFFFFFFF0];
	v7, v9, _ =	vpop (xrf1)  }
0x53: {  	(xrf1) =	vsort.dscd.msk.f32 $0xffff, v5, v6;
	v5 =	vld [tilespmem:s1+$0xFFFFFFE0];
	v6, _, _ =	vpop (xrf0);
	v7 =	vsel vm0, v7, v11;
	v9 =	vsel vm0, v9, v12  }
0x54: {  	v6 =	vbroadcast v6, $0xF;
	(xrf1) =	vsort.dscd.msk.f32 $0xffff, v7, v9;
	_ =	sdelay $0x1  }
0x55: {  	v7 =	vld [tilespmem:s1+$0xFFFFFFC0];
	(xrf1) =	vsort.dscd.msk.f32 $0xffff, v13, v1;
	v6 =	vsub.f32 v8, v6  }
0x56: {  	(xrf1) =	vsort.dscd.msk.f32 $0xffff, v14, v3  }
0x57: {  	(xrf1) =	vsort.dscd.msk.f32 $0xffff, v5, v2;
	v5 =	vmul.f32 $1.442695020e+00, v6;
	_ =	sdelay $0x1  }
0x58: {  	(erf) = vpow2.f32 v5  }
0x59: {  	(xrf1) =	vsort.dscd.msk.f32 $0xffff, v7, v0;
	_ =	sdelay $0x5  }
0x5a: {  	v5, v6, _ =	vpop (xrf1)  }
0x5b: {  	v7, v8, _ =	vpop (xrf1)  }
0x5c: {  	v14 =	vpop (erf)  }
0x5d: {  	v9, v11, _ =	vpop (xrf1)  }
0x5e: {  	v12, v13, _ =	vpop (xrf1)  }
0x5f: {  	v15 =	vnsel vm0, $0x0, v14;
	v12 =	vperm.xlane v12, v4;
	v13 =	vperm.xlane v13, v4  }
0x60: {  	v9 =	vperm.xlane v9, v4;
	(xrf2) =	vadd.scan.msk.f32 $0xffff, v15;
	v16, v17, _ =	vpop (xrf1)  }
0x61: {  	v11 =	vperm.xlane v11, v4;
	v12 =	vsel vm0, v16, v12;
	v13 =	vsel vm0, v17, v13  }
0x62: {  	v15, v16, _ =	vpop (xrf1);
	(xrf1) =	vsort.dscd.msk.f32 $0xffff, v12, v13  }
0x63: {  	v9 =	vsel vm0, v15, v9;
	v11 =	vsel vm0, v16, v11  }
0x64: {  	s28 =	simm.s32 $0x380;
	(xrf1) =	vsort.dscd.msk.f32 $0xffff, v9, v11  }
0x65: {  	v9 =	vld [tilespmem:s28+$0xFFFFFF80];
	_ =	sdelay $0x2  }
0x66: {  	v7 =	vperm.xlane v7, v4;
	v8 =	vperm.xlane v8, v4;
	v11 =	vld [tilespmem:s28+$0xFFFFFF90];
	_ =	sdelay $0x1  }
0x67: {  	v5 =	vsel vm0, v5, v7;
	v6 =	vsel vm0, v6, v8;
	(xrf1) =	vsort.dscd.msk.f32 $0xffff, v9, v0;
	v9, _, _ =	vpop (xrf2)  }
0x68: {  	(xrf1) =	vsort.dscd.msk.f32 $0xffff, v5, v6;
	v5 =	vbroadcast v9, $0xF  }
0x69: {  	v12 =	vld [tilespmem:s28+$0xFFFFFFB0]  }
0x6a: {  	v7 =	vld [tilespmem:s28+$0xFFFFFFA0];
	(xrf1) =	vsort.dscd.msk.f32 $0xffff, v11, v1;
	(erf) = vrcp.f32 v5;
	_ =	sdelay $0x2  }
0x6b: {  	v5, v6, _ =	vpop (xrf1)  }
0x6c: {  	(xrf1) =	vsort.dscd.msk.f32 $0xffff, v12, v3;
	v5 =	vperm.xlane v5, v4  }
0x6d: {  	(xrf1) =	vsort.dscd.msk.f32 $0xffff, v7, v2;
	v7, v8, _ =	vpop (xrf1)  }
0x6e: {  	v6 =	vperm.xlane v6, v4;
	v5 =	vsel vm0, v7, v5;
	_ =	sdelay $0x1  }
0x6f: {  	v6 =	vsel vm0, v8, v6  }
0x70: {  	(xrf1) =	vsort.dscd.msk.f32 $0xffff, v5, v6;
	v5 =	vpop (erf)  }
0x71: {  	v5 =	vmul.f32 v5, v14;
	_ =	sdelay $0x1  }
0x72: {  	v6, v7, _ =	vpop (xrf1)  }
0x73: {  	s17 =	simm.s32 $0x2218;
	v8, v9, _ =	vpop (xrf1)  }
0x74: {  	s18 =	simm.s32 $0x2698;
	[tilespmem:s17+$0xFFFFFDF8] =	vst.msk $0xff, v5;
	v5, v11, _ =	vpop (xrf1)  }
0x75: {  	[tilespmem:s18+$0xFFFFFDF8] =	vst.msk $0xff, v10;
	v10 =	vperm.xlane v11, v4;
	_ =	sdelay $0x2  }
0x76: {  	(xrf0) =	vmax.scan.msk.f32 $0xffff, v8;
	v5 =	vperm.xlane v5, v4;
	v11, v12, _ =	vpop (xrf1)  }
0x77: {  	v11 =	vperm.xlane v11, v4;
	v12 =	vperm.xlane v12, v4  }
0x78: {  	v5 =	vsel vm0, v6, v5;
	v6 =	vsel vm0, v7, v10;
	v7, v10, _ =	vpop (xrf1)  }
0x79: {  	v7 =	vsel vm0, v7, v11;
	v10 =	vsel vm0, v10, v12  }
0x7a: {  	v13 =	vld [tilespmem:s0+$0xFFFFFFD0]  }
0x7b: {  	v14 =	vld [tilespmem:s0+$0xFFFFFFF0];
	(xrf1) =	vsort.dscd.msk.f32 $0xffff, v5, v6  }
0x7c: {  	v5 =	vld [tilespmem:s0+$0xFFFFFFE0];
	(xrf1) =	vsort.dscd.msk.f32 $0xffff, v7, v10;
	v10, _, _ =	vpop (xrf0)  }
0x7d: {  	v6, v7, _ =	vpop (xrf1);
	v10 =	vbroadcast v10, $0xF  }
0x7e: {  	(xrf0) =	vmax.scan.msk.f32 $0xffff, v6  }
0x7f: {  	v11 =	vld [tilespmem:s0+$0xFFFFFFC0];
	(xrf1) =	vsort.dscd.msk.f32 $0xffff, v13, v1;
	v8 =	vsub.f32 v8, v10  }
0x80: {  	(xrf1) =	vsort.dscd.msk.f32 $0xffff, v14, v3  }
0x81: {  	(xrf1) =	vsort.dscd.msk.f32 $0xffff, v5, v2;
	v5 =	vmul.f32 $1.442695020e+00, v8;
	_ =	sdelay $0x1  }
0x82: {  	(erf) = vpow2.f32 v5  }
0x83: {  	(xrf1) =	vsort.dscd.msk.f32 $0xffff, v11, v0;
	v8, _, _ =	vpop (xrf0)  }
0x84: {  	v5 =	vbroadcast v8, $0xF;
	_ =	sdelay $0x1  }
0x85: {  	v5 =	vsub.f32 v6, v5;
	_ =	sdelay $0x1  }
0x86: {  	v5 =	vmul.f32 $1.442695020e+00, v5  }
0x87: {  	v6, v8, _ =	vpop (xrf1)  }
0x88: {  	v10, v11, _ =	vpop (xrf1)  }
0x89: {  	v15 =	vpop (erf)  }
0x8a: {  	(erf) = vpow2.f32 v5;
	v5, v12, _ =	vpop (xrf1)  }
0x8b: {  	v13, v14, _ =	vpop (xrf1)  }
0x8c: {  	v16 =	vnsel vm0, $0x0, v15;
	v13 =	vperm.xlane v13, v4;
	v14 =	vperm.xlane v14, v4  }
0x8d: {  	v5 =	vperm.xlane v5, v4;
	(xrf2) =	vadd.scan.msk.f32 $0xffff, v16;
	v17, v18, _ =	vpop (xrf1)  }
0x8e: {  	v12 =	vperm.xlane v12, v4;
	v13 =	vsel vm0, v17, v13;
	v14 =	vsel vm0, v18, v14  }
0x8f: {  	v16, v17, _ =	vpop (xrf1);
	(xrf1) =	vsort.dscd.msk.f32 $0xffff, v13, v14  }
0x90: {  	v5 =	vsel vm0, v16, v5;
	v12 =	vsel vm0, v17, v12  }
0x91: {  	s25 =	simm.s32 $0x480;
	(xrf1) =	vsort.dscd.msk.f32 $0xffff, v5, v12  }
0x92: {  	v13 =	vld [tilespmem:s25+$0xFFFFFF80]  }
0x93: {  	v5 =	vpop (erf)  }
0x94: {  	v12 =	vnsel vm0, $0x0, v5  }
0x95: {  	v10 =	vperm.xlane v10, v4;
	v11 =	vperm.xlane v11, v4;
	(xrf2) =	vadd.scan.msk.f32 $0xffff, v12;
	v12 =	vld [tilespmem:s25+$0xFFFFFF90];
	_ =	sdelay $0x1  }
0x96: {  	v6 =	vsel vm0, v6, v10;
	v8 =	vsel vm0, v8, v11;
	(xrf1) =	vsort.dscd.msk.f32 $0xffff, v13, v0;
	v13, _, _ =	vpop (xrf2)  }
0x97: {  	v14 =	vld [tilespmem:s25+$0xFFFFFFB0];
	(xrf1) =	vsort.dscd.msk.f32 $0xffff, v6, v8;
	v6 =	vbroadcast v13, $0xF;
	_ =	sdelay $0x1  }
0x98: {  	v10 =	vld [tilespmem:s25+$0xFFFFFFA0];
	(erf) = vrcp.f32 v6;
	(xrf1) =	vsort.dscd.msk.f32 $0xffff, v12, v1;
	_ =	sdelay $0x2  }
0x99: {  	(xrf1) =	vsort.dscd.msk.f32 $0xffff, v14, v3;
	v6, v8, _ =	vpop (xrf1)  }
0x9a: {  	v6 =	vperm.xlane v6, v4  }
0x9b: {  	(xrf1) =	vsort.dscd.msk.f32 $0xffff, v10, v2;
	v10, v12, _ =	vpop (xrf1)  }
0x9c: {  	v11, _, _ =	vpop (xrf2);
	v8 =	vperm.xlane v8, v4;
	v6 =	vsel vm0, v10, v6  }
0x9d: {  	v10 =	vbroadcast v11, $0xF  }
0x9e: {  	v8 =	vsel vm0, v12, v8  }
0x9f: {  	(xrf1) =	vsort.dscd.msk.f32 $0xffff, v6, v8;
	(erf) = vrcp.f32 v10;
	v6 =	vpop (erf)  }
0xa0: {  	v6 =	vmul.f32 v6, v15;
	_ =	sdelay $0x1  }
0xa1: {  	v8, v10, _ =	vpop (xrf1)  }
0xa2: {  	s19 =	simm.s32 $0x2228;
	v11, v12, _ =	vpop (xrf1)  }
0xa3: {  	s20 =	simm.s32 $0x26A8;
	[tilespmem:s19+$0xFFFFFDF8] =	vst.msk $0xff, v6;
	v6, v13, _ =	vpop (xrf1)  }
0xa4: {  	[tilespmem:s20+$0xFFFFFDF8] =	vst.msk $0xff, v9;
	v9 =	vperm.xlane v13, v4;
	_ =	sdelay $0x1  }
0xa5: {  	(xrf0) =	vmax.scan.msk.f32 $0xffff, v11;
	v6 =	vperm.xlane v6, v4;
	v13, v14, _ =	vpop (xrf1)  }
0xa6: {  	v14 =	vperm.xlane v14, v4;
	v16 =	vpop (erf)  }
0xa7: {  	v6 =	vsel vm0, v8, v6;
	v8 =	vsel vm0, v10, v9;
	v9, v10, _ =	vpop (xrf1)  }
0xa8: {  	v5 =	vmul.f32 v16, v5;
	v10 =	vsel vm0, v10, v14  }
0xa9: {  	v15 =	vld [tilespmem:s30+$0xFFFFFFD0];
	v13 =	vperm.xlane v13, v4  }
0xaa: {  	v17 =	vld [tilespmem:s30+$0xFFFFFFF0];
	[tilespmem:s15+$0xFFFFFFF8] =	vst.msk $0xff, v5  }
0xab: {  	(xrf1) =	vsort.dscd.msk.f32 $0xffff, v6, v8;
	v9 =	vsel vm0, v9, v13;
	[tilespmem:s16+$0xFFFFFFF8] =	vst.msk $0xff, v7;
	v7, _, _ =	vpop (xrf0)  }
0xac: {  	v6 =	vld [tilespmem:s30+$0xFFFFFFE0];
	(xrf1) =	vsort.dscd.msk.f32 $0xffff, v9, v10;
	v8, v10, _ =	vpop (xrf1)  }
0xad: {  	v7 =	vbroadcast v7, $0xF;
	(xrf0) =	vmax.scan.msk.f32 $0xffff, v8  }
0xae: {  	v5 =	vld [tilespmem:s30+$0xFFFFFFC0];
	(xrf1) =	vsort.dscd.msk.f32 $0xffff, v15, v1  }
0xaf: {  	(xrf1) =	vsort.dscd.msk.f32 $0xffff, v17, v3;
	v7 =	vsub.f32 v11, v7  }
0xb0: {  	v9 =	vld [tilespmem:s1+$0x30]  }
0xb1: {  	v13 =	vld [tilespmem:s1+$0x10];
	(xrf1) =	vsort.dscd.msk.f32 $0xffff, v6, v2  }
0xb2: {  	v14 =	vld [tilespmem:s1+$0x20];
	v6 =	vmul.f32 $1.442695020e+00, v7  }
0xb3: {  	(xrf1) =	vsort.dscd.msk.f32 $0xffff, v5, v0;
	v5 =	vld [tilespmem:s1+$0x0];
	v7, _, _ =	vpop (xrf0)  }
0xb4: {  	(erf) = vpow2.f32 v6;
	v6 =	vbroadcast v7, $0xF  }
0xb5: {  	(xrf1) =	vsort.dscd.msk.f32 $0xffff, v9, v3  }
0xb6: {  	(xrf1) =	vsort.dscd.msk.f32 $0xffff, v13, v1;
	v6 =	vsub.f32 v8, v6  }
0xb7: {  	(xrf1) =	vsort.dscd.msk.f32 $0xffff, v14, v2  }
0xb8: {  	(xrf1) =	vsort.dscd.msk.f32 $0xffff, v5, v0;
	v5 =	vmul.f32 $1.442695020e+00, v6;
	_ =	sdelay $0x1  }
0xb9: {  	v6, v7, _ =	vpop (xrf1)  }
0xba: {  	v8, v9, _ =	vpop (xrf1)  }
0xbb: {  	(erf) = vpow2.f32 v5;
	v5, v11, _ =	vpop (xrf1)  }
0xbc: {  	v13, v14, _ =	vpop (xrf1)  }
0xbd: {  	v14 =	vperm.xlane v14, v4  }
0xbe: {  	v13 =	vperm.xlane v13, v4;
	v16, v17, _ =	vpop (xrf1)  }
0xbf: {  	v14 =	vsel vm0, v17, v14  }
0xc0: {  	v13 =	vsel vm0, v16, v13  }
0xc1: {  	v15 =	vpop (erf);
	v11 =	vperm.xlane v11, v4  }
0xc2: {  	v5 =	vperm.xlane v5, v4;
	v16, v17, _ =	vpop (xrf1)  }
0xc3: {  	v18 =	vnsel vm0, $0x0, v15;
	(xrf1) =	vsort.dscd.msk.f32 $0xffff, v13, v14;
	v11 =	vsel vm0, v17, v11;
	v13, v14, _ =	vpop (xrf1)  }
0xc4: {  	(xrf2) =	vadd.scan.msk.f32 $0xffff, v18;
	v5 =	vsel vm0, v16, v5;
	v16, v17, _ =	vpop (xrf1)  }
0xc5: {  	v13 =	vperm.xlane v13, v4;
	v14 =	vperm.xlane v14, v4  }
0xc6: {  	(xrf1) =	vsort.dscd.msk.f32 $0xffff, v5, v11;
	v5 =	vperm.xlane v16, v4;
	v17 =	vperm.xlane v17, v4;
	v11, v16, _ =	vpop (xrf1)  }
0xc7: {  	v11 =	vsel vm0, v11, v13;
	v13 =	vsel vm0, v16, v14;
	v16, v19, _ =	vpop (xrf1)  }
0xc8: {  	s26 =	simm.s32 $0x580;
	(xrf1) =	vsort.dscd.msk.f32 $0xffff, v11, v13;
	v5 =	vsel vm0, v16, v5;
	v11 =	vsel vm0, v19, v17  }
0xc9: {  	(xrf1) =	vsort.dscd.msk.f32 $0xffff, v5, v11;
	v5 =	vld [tilespmem:s26+$0xFFFFFF80];
	_ =	sdelay $0x3  }
0xca: {  	v8 =	vperm.xlane v8, v4  }
0xcb: {  	(xrf1) =	vsort.dscd.msk.f32 $0xffff, v5, v0;
	v5, _, _ =	vpop (xrf2)  }
0xcc: {  	v6 =	vsel vm0, v6, v8;
	v5 =	vbroadcast v5, $0xF  }
0xcd: {  	v9 =	vperm.xlane v9, v4;
	v18 =	vpop (erf);
	v11 =	vld [tilespmem:s26+$0xFFFFFF90]  }
0xce: {  	v14 =	vnsel vm0, $0x0, v18  }
0xcf: {  	v7 =	vsel vm0, v7, v9;
	(xrf2) =	vadd.scan.msk.f32 $0xffff, v14;
	v13 =	vld [tilespmem:s26+$0xFFFFFFB0]  }
0xd0: {  	v8 =	vld [tilespmem:s26+$0xFFFFFFA0];
	(xrf1) =	vsort.dscd.msk.f32 $0xffff, v6, v7;
	(erf) = vrcp.f32 v5;
	v5, v6, _ =	vpop (xrf1)  }
0xd1: {  	v6 =	vperm.xlane v6, v4  }
0xd2: {  	(xrf1) =	vsort.dscd.msk.f32 $0xffff, v11, v1;
	v5 =	vperm.xlane v5, v4;
	v9, v11, _ =	vpop (xrf1)  }
0xd3: {  	v6 =	vsel vm0, v11, v6  }
0xd4: {  	(xrf1) =	vsort.dscd.msk.f32 $0xffff, v13, v3;
	v5 =	vsel vm0, v9, v5  }
0xd5: {  	(xrf1) =	vsort.dscd.msk.f32 $0xffff, v8, v2;
	v8, v9, _ =	vpop (xrf1)  }
0xd6: {  	v8 =	vperm.xlane v8, v4  }
0xd7: {  	(xrf1) =	vsort.dscd.msk.f32 $0xffff, v5, v6;
	v5, v6, _ =	vpop (xrf1)  }
0xd8: {  	v9 =	vperm.xlane v9, v4;
	v5 =	vsel vm0, v5, v8  }
0xd9: {  	v7, _, _ =	vpop (xrf2)  }
0xda: {  	v7 =	vbroadcast v7, $0xF;
	v6 =	vsel vm0, v6, v9  }
0xdb: {  	(xrf1) =	vsort.dscd.msk.f32 $0xffff, v5, v6;
	v5 =	vpop (erf)  }
0xdc: {  	v5 =	vmul.f32 v5, v15;
	_ =	sdelay $0x1  }
0xdd: {  	(erf) = vrcp.f32 v7;
	v7, v8, _ =	vpop (xrf1)  }
0xde: {  	s21 =	simm.s32 $0x2238;
	v11, v6, _ =	vpop (xrf1)  }
0xdf: {  	[tilespmem:s21+$0xFFFFFDF8] =	vst.msk $0xff, v5;
	v5, v9, _ =	vpop (xrf1)  }
0xe0: {  	v9 =	vperm.xlane v9, v4;
	_ =	sdelay $0x1  }
0xe1: {  	s22 =	simm.s32 $0x26B8  }
0xe2: {  	[tilespmem:s22+$0xFFFFFDF8] =	vst.msk $0xff, v12;
	v5 =	vperm.xlane v5, v4;
	v12, v13, _ =	vpop (xrf1)  }
0xe3: {  	v13 =	vperm.xlane v13, v4  }
0xe4: {  	(xrf0) =	vmax.scan.msk.f32 $0xffff, v11;
	v5 =	vsel vm0, v7, v5;
	v7 =	vsel vm0, v8, v9;
	v8, v9, _ =	vpop (xrf1)  }
0xe5: {  	v12 =	vperm.xlane v12, v4;
	v9 =	vsel vm0, v9, v13  }
0xe6: {  	v15 =	vpop (erf);
	v14 =	vld [tilespmem:s28+$0xFFFFFFD0]  }
0xe7: {  	v15 =	vmul.f32 v15, v18;
	v16 =	vld [tilespmem:s28+$0xFFFFFFF0]  }
0xe8: {  	(xrf1) =	vsort.dscd.msk.f32 $0xffff, v5, v7;
	v5 =	vld [tilespmem:s28+$0xFFFFFFE0];
	v8 =	vsel vm0, v8, v12  }
0xe9: {  	[tilespmem:s17+$0xFFFFFFF8] =	vst.msk $0xff, v15;
	(xrf1) =	vsort.dscd.msk.f32 $0xffff, v8, v9;
	v12, v9, _ =	vpop (xrf1)  }
0xea: {  	[tilespmem:s18+$0xFFFFFFF8] =	vst.msk $0xff, v10;
	v7, _, _ =	vpop (xrf0);
	v8 =	vld [tilespmem:s28+$0xFFFFFFC0];
	(xrf0) =	vmax.scan.msk.f32 $0xffff, v12  }
0xeb: {  	v10 =	vld [tilespmem:s0+$0x30];
	v13 =	vbroadcast v7, $0xF;
	(xrf1) =	vsort.dscd.msk.f32 $0xffff, v14, v1  }
0xec: {  	(xrf1) =	vsort.dscd.msk.f32 $0xffff, v16, v3  }
0xed: {  	v11 =	vsub.f32 v11, v13;
	(xrf1) =	vsort.dscd.msk.f32 $0xffff, v5, v2;
	v15, v7, _ =	vpop (xrf1)  }
0xee: {  	(xrf0) =	vmax.scan.msk.f32 $0xffff, v15  }
0xef: {  	v14 =	vld [tilespmem:s0+$0x10];
	(xrf1) =	vsort.dscd.msk.f32 $0xffff, v8, v0;
	v8 =	vmul.f32 $1.442695020e+00, v11  }
0xf0: {  	v16 =	vld [tilespmem:s0+$0x20];
	(xrf1) =	vsort.dscd.msk.f32 $0xffff, v10, v3;
	v10, _, _ =	vpop (xrf0)  }
0xf1: {  	v5 =	vld [tilespmem:s0+$0x0];
	(erf) = vpow2.f32 v8;
	v8 =	vbroadcast v10, $0xF;
	_ =	sdelay $0x1  }
0xf2: {  	v8 =	vsub.f32 v12, v8  }
0xf3: {  	(xrf1) =	vsort.dscd.msk.f32 $0xffff, v14, v1  }
0xf4: {  	(xrf1) =	vsort.dscd.msk.f32 $0xffff, v16, v2;
	v8 =	vmul.f32 $1.442695020e+00, v8  }
0xf5: {  	(xrf1) =	vsort.dscd.msk.f32 $0xffff, v5, v0;
	v5, _, _ =	vpop (xrf0)  }
0xf6: {  	v10, v11, _ =	vpop (xrf1)  }
0xf7: {  	v12, v13, _ =	vpop (xrf1)  }
0xf8: {  	(erf) = vpow2.f32 v8;
	v8, v14, _ =	vpop (xrf1)  }
0xf9: {  	v16, v17, _ =	vpop (xrf1)  }
0xfa: {  	v5 =	vbroadcast v5, $0xF;
	v17 =	vperm.xlane v17, v4  }
0xfb: {  	v16 =	vperm.xlane v16, v4  }
0xfc: {  	v5 =	vsub.f32 v15, v5;
	v15, v19, _ =	vpop (xrf1)  }
0xfd: {  	v18 =	vpop (erf);
	v14 =	vperm.xlane v14, v4;
	v15 =	vsel vm0, v15, v16;
	v16 =	vsel vm0, v19, v17  }
0xfe: {  	v5 =	vmul.f32 $1.442695020e+00, v5;
	v8 =	vperm.xlane v8, v4;
	v17, v19, _ =	vpop (xrf1)  }
0xff: {  	v20 =	vnsel vm0, $0x0, v18;
	v14 =	vsel vm0, v19, v14  }
0x100: {  	(xrf2) =	vadd.scan.msk.f32 $0xffff, v20;
	(erf) = vpow2.f32 v5;
	v8 =	vsel vm0, v17, v8  }
0x101: {  	(xrf1) =	vsort.dscd.msk.f32 $0xffff, v15, v16;
	v15, v16, _ =	vpop (xrf1)  }
0x102: {  	v15 =	vperm.xlane v15, v4;
	v16 =	vperm.xlane v16, v4;
	v17, v19, _ =	vpop (xrf1)  }
0x103: {  	(xrf1) =	vsort.dscd.msk.f32 $0xffff, v8, v14;
	v8, v14, _ =	vpop (xrf1)  }
0x104: {  	s29 =	simm.s32 $0x680;
	v8 =	vsel vm0, v8, v15;
	v14 =	vsel vm0, v14, v16  }
0x105: {  	v5 =	vperm.xlane v17, v4;
	v17 =	vpop (erf);
	v19 =	vperm.xlane v19, v4;
	(xrf1) =	vsort.dscd.msk.f32 $0xffff, v8, v14;
	v14 =	vld [tilespmem:s29+$0xFFFFFF80]  }
0x106: {  	v15 =	vnsel vm0, $0x0, v17;
	v16, v20, _ =	vpop (xrf1)  }
0x107: {  	v5 =	vsel vm0, v16, v5;
	v8 =	vsel vm0, v20, v19  }
0x108: {  	(xrf1) =	vsort.dscd.msk.f32 $0xffff, v5, v8;
	v5 =	vperm.xlane v12, v4;
	v8 =	vperm.xlane v13, v4  }
0x109: {  	(xrf2) =	vadd.scan.msk.f32 $0xffff, v15;
	v15 =	vpop (erf)  }
0x10a: {  	v12 =	vld [tilespmem:s29+$0xFFFFFF90];
	v5 =	vsel vm0, v10, v5;
	v8 =	vsel vm0, v11, v8;
	v11, _, _ =	vpop (xrf2);
	(xrf1) =	vsort.dscd.msk.f32 $0xffff, v14, v0  }
0x10b: {  	v13 =	vld [tilespmem:s29+$0xFFFFFFB0];
	v10 =	vnsel vm0, $0x0, v15;
	(xrf1) =	vsort.dscd.msk.f32 $0xffff, v5, v8;
	v8 =	vbroadcast v11, $0xF  }
0x10c: {  	v5 =	vld [tilespmem:s29+$0xFFFFFFA0];
	_ =	sdelay $0x1  }
0x10d: {  	(xrf2) =	vadd.scan.msk.f32 $0xffff, v10  }
0x10e: {  	(xrf1) =	vsort.dscd.msk.f32 $0xffff, v12, v1;
	(erf) = vrcp.f32 v8;
	v8, v10, _ =	vpop (xrf1)  }
0x10f: {  	(xrf1) =	vsort.dscd.msk.f32 $0xffff, v13, v3;
	v8 =	vperm.xlane v8, v4  }
0x110: {  	v12, v13, _ =	vpop (xrf1);
	(xrf1) =	vsort.dscd.msk.f32 $0xffff, v5, v2;
	v5 =	vperm.xlane v10, v4  }
0x111: {  	v8 =	vsel vm0, v12, v8  }
0x112: {  	v11, _, _ =	vpop (xrf2);
	v5 =	vsel vm0, v13, v5  }
0x113: {  	v10 =	vbroadcast v11, $0xF;
	v11, v12, _ =	vpop (xrf1)  }
0x114: {  	v11 =	vperm.xlane v11, v4  }
0x115: {  	(erf) = vrcp.f32 v10;
	(xrf1) =	vsort.dscd.msk.f32 $0xffff, v8, v5;
	v5, v8, _ =	vpop (xrf1)  }
0x116: {  	v12 =	vperm.xlane v12, v4;
	v5 =	vsel vm0, v5, v11;
	_ =	sdelay $0x1  }
0x117: {  	v8 =	vsel vm0, v8, v12  }
0x118: {  	(xrf1) =	vsort.dscd.msk.f32 $0xffff, v5, v8;
	v5, _, _ =	vpop (xrf2)  }
0x119: {  	v5 =	vbroadcast v5, $0xF  }
0x11a: {  	v8 =	vpop (erf)  }
0x11b: {  	v8 =	vmul.f32 v8, v18;
	(erf) = vrcp.f32 v5  }
0x11c: {  	v10, v11, _ =	vpop (xrf1)  }
0x11d: {  	s23 =	simm.s32 $0x2248;
	v18 =	vpop (erf)  }
0x11e: {  	s24 =	simm.s32 $0x26C8;
	[tilespmem:s23+$0xFFFFFDF8] =	vst.msk $0xff, v8;
	v12, v5, _ =	vpop (xrf1)  }
0x11f: {  	v17 =	vmul.f32 v18, v17;
	[tilespmem:s24+$0xFFFFFDF8] =	vst.msk $0xff, v6;
	(xrf0) =	vmax.scan.msk.f32 $0xffff, v12;
	v8, v13, _ =	vpop (xrf1)  }
0x120: {  	v16 =	vld [tilespmem:s25+$0xFFFFFFD0];
	v6 =	vperm.xlane v8, v4;
	v8 =	vperm.xlane v13, v4;
	v13, v14, _ =	vpop (xrf1)  }
0x121: {  	v19 =	vld [tilespmem:s25+$0xFFFFFFF0];
	v13 =	vperm.xlane v13, v4;
	v14 =	vperm.xlane v14, v4  }
0x122: {  	v6 =	vsel vm0, v10, v6;
	v8 =	vsel vm0, v11, v8;
	v10, v11, _ =	vpop (xrf1)  }
0x123: {  	[tilespmem:s19+$0xFFFFFFF8] =	vst.msk $0xff, v17;
	v10 =	vsel vm0, v10, v13;
	v11 =	vsel vm0, v11, v14;
	(xrf1) =	vsort.dscd.msk.f32 $0xffff, v6, v8  }
0x124: {  	[tilespmem:s20+$0xFFFFFFF8] =	vst.msk $0xff, v9;
	(xrf1) =	vsort.dscd.msk.f32 $0xffff, v10, v11;
	v9 =	vpop (erf)  }
0x125: {  	v10 =	vld [tilespmem:s25+$0xFFFFFFE0];
	v6, _, _ =	vpop (xrf0);
	(xrf1) =	vsort.dscd.msk.f32 $0xffff, v16, v1  }
0x126: {  	v11 =	vld [tilespmem:s25+$0xFFFFFFC0];
	v13, v8, _ =	vpop (xrf1);
	(xrf1) =	vsort.dscd.msk.f32 $0xffff, v19, v3  }
0x127: {  	v14 =	vld [tilespmem:s30+$0x30];
	v16 =	vbroadcast v6, $0xF;
	(xrf0) =	vmax.scan.msk.f32 $0xffff, v13;
	v18, v6, _ =	vpop (xrf1)  }
0x128: {  	v17 =	vld [tilespmem:s30+$0x10];
	v9 =	vmul.f32 v9, v15;
	(xrf0) =	vmax.scan.msk.f32 $0xffff, v18  }
0x129: {  	v15 =	vld [tilespmem:s30+$0x20]  }
0x12a: {  	[tilespmem:s15+$0xFFFFFE00] =	vst.msk $0xff, v9;
	v9 =	vld [tilespmem:s30+$0x0];
	v12 =	vsub.f32 v12, v16;
	(xrf1) =	vsort.dscd.msk.f32 $0xffff, v10, v2  }
0x12b: {  	(xrf1) =	vsort.dscd.msk.f32 $0xffff, v11, v0  }
0x12c: {  	v10 =	vmul.f32 $1.442695020e+00, v12;
	(xrf1) =	vsort.dscd.msk.f32 $0xffff, v14, v3  }
0x12d: {  	[tilespmem:s16+$0xFFFFFE00] =	vst.msk $0xff, v7;
	(xrf1) =	vsort.dscd.msk.f32 $0xffff, v17, v1;
	v7, _, _ =	vpop (xrf0)  }
0x12e: {  	v11 =	vld [tilespmem:s1+$0x70];
	(erf) = vpow2.f32 v10;
	(xrf1) =	vsort.dscd.msk.f32 $0xffff, v15, v2;
	v12, _, _ =	vpop (xrf0)  }
0x12f: {  	v10 =	vld [tilespmem:s1+$0x50];
	v7 =	vbroadcast v7, $0xF;
	(xrf1) =	vsort.dscd.msk.f32 $0xffff, v9, v0;
	v9 =	vbroadcast v12, $0xF  }
0x130: {  	v14 =	vld [tilespmem:s1+$0x60]  }
0x131: {  	v7 =	vsub.f32 v13, v7;
	v9 =	vsub.f32 v18, v9  }
0x132: {  	v12 =	vld [tilespmem:s1+$0x40]  }
0x133: {  	(xrf1) =	vsort.dscd.msk.f32 $0xffff, v11, v3;
	v11, v13, _ =	vpop (xrf1);
	v7 =	vmul.f32 $1.442695020e+00, v7  }
0x134: {  	(xrf1) =	vsort.dscd.msk.f32 $0xffff, v10, v1;
	v10, v15, _ =	vpop (xrf1)  }
0x135: {  	(xrf1) =	vsort.dscd.msk.f32 $0xffff, v14, v2;
	(erf) = vpow2.f32 v7;
	v7 =	vmul.f32 $1.442695020e+00, v9;
	v9, v14, _ =	vpop (xrf1)  }
0x136: {  	v16, v17, _ =	vpop (xrf1)  }
0x137: {  	(xrf1) =	vsort.dscd.msk.f32 $0xffff, v12, v0;
	v12 =	vperm.xlane v16, v4;
	v16 =	vperm.xlane v17, v4  }
0x138: {  	v17, v18, _ =	vpop (xrf1)  }
0x139: {  	v16 =	vsel vm0, v18, v16  }
0x13a: {  	v12 =	vsel vm0, v17, v12  }
0x13b: {  	v14 =	vperm.xlane v14, v4  }
0x13c: {  	v9 =	vperm.xlane v9, v4;
	v17, v18, _ =	vpop (xrf1)  }
0x13d: {  	(xrf1) =	vsort.dscd.msk.f32 $0xffff, v12, v16;
	v14 =	vsel vm0, v18, v14;
	v12, v16, _ =	vpop (xrf1)  }
0x13e: {  	(erf) = vpow2.f32 v7;
	v9 =	vsel vm0, v17, v9;
	v17, v18, _ =	vpop (xrf1)  }
0x13f: {  	v7 =	vpop (erf);
	v12 =	vperm.xlane v12, v4;
	v16 =	vperm.xlane v16, v4  }
0x140: {  	v19 =	vnsel vm0, $0x0, v7;
	(xrf1) =	vsort.dscd.msk.f32 $0xffff, v9, v14;
	v9 =	vperm.xlane v17, v4;
	v18 =	vperm.xlane v18, v4;
	v14, v17, _ =	vpop (xrf1)  }
0x141: {  	(xrf2) =	vadd.scan.msk.f32 $0xffff, v19;
	v12 =	vsel vm0, v14, v12;
	v14 =	vsel vm0, v17, v16;
	v17, v21, _ =	vpop (xrf1)  }
0x142: {  	s31 =	simm.s32 $0x780;
	(xrf1) =	vsort.dscd.msk.f32 $0xffff, v12, v14;
	v12 =	vsel vm0, v21, v18  }
0x143: {  	v19 =	vld [tilespmem:s31+$0xFFFFFF80];
	v20 =	vpop (erf);
	v9 =	vsel vm0, v17, v9  }
0x144: {  	v16 =	vnsel vm0, $0x0, v20;
	_ =	sdelay $0x1  }
0x145: {  	v15 =	vperm.xlane v15, v4;
	(xrf1) =	vsort.dscd.msk.f32 $0xffff, v9, v12;
	v9, v12, _ =	vpop (xrf1)  }
0x146: {  	(xrf2) =	vadd.scan.msk.f32 $0xffff, v16;
	v9 =	vperm.xlane v9, v4;
	v16, v17, _ =	vpop (xrf1)  }
0x147: {  	v10 =	vperm.xlane v10, v4;
	(xrf1) =	vsort.dscd.msk.f32 $0xffff, v19, v0;
	v19, v21, _ =	vpop (xrf1)  }
0x148: {  	v12 =	vperm.xlane v12, v4;
	v9 =	vsel vm0, v19, v9  }
0x149: {  	v10 =	vsel vm0, v11, v10  }
0x14a: {  	v11 =	vsel vm0, v13, v15;
	v16 =	vperm.xlane v16, v4;
	v12 =	vsel vm0, v21, v12;
	v13, v15, _ =	vpop (xrf1)  }
0x14b: {  	(xrf1) =	vsort.dscd.msk.f32 $0xffff, v9, v12;
	v9, _, _ =	vpop (xrf2)  }
0x14c: {  	v14 =	vpop (erf);
	(xrf1) =	vsort.dscd.msk.f32 $0xffff, v10, v11;
	v10 =	vsel vm0, v13, v16;
	v9 =	vbroadcast v9, $0xF  }
0x14d: {  	v22 =	vld [tilespmem:s31+$0xFFFFFF90];
	v18 =	vnsel vm0, $0x0, v14;
	v17 =	vperm.xlane v17, v4  }
0x14e: {  	(xrf2) =	vadd.scan.msk.f32 $0xffff, v18;
	v18 =	vld [tilespmem:s31+$0xFFFFFFB0]  }
0x14f: {  	v12 =	vld [tilespmem:s31+$0xFFFFFFA0];
	v11 =	vsel vm0, v15, v17  }
0x150: {  	(xrf1) =	vsort.dscd.msk.f32 $0xffff, v10, v11;
	(erf) = vrcp.f32 v9;
	v9, v10, _ =	vpop (xrf1)  }
0x151: {  	v10 =	vperm.xlane v10, v4  }
0x152: {  	(xrf1) =	vsort.dscd.msk.f32 $0xffff, v22, v1;
	v9 =	vperm.xlane v9, v4;
	v13, v15, _ =	vpop (xrf1)  }
0x153: {  	(xrf1) =	vsort.dscd.msk.f32 $0xffff, v18, v3;
	v10 =	vsel vm0, v15, v10  }
0x154: {  	(xrf1) =	vsort.dscd.msk.f32 $0xffff, v12, v2;
	v9 =	vsel vm0, v13, v9;
	v12, v13, _ =	vpop (xrf1)  }
0x155: {  	v11, _, _ =	vpop (xrf2);
	v12 =	vperm.xlane v12, v4  }
0x156: {  	v11 =	vbroadcast v11, $0xF;
	v13 =	vperm.xlane v13, v4  }
0x157: {  	(xrf1) =	vsort.dscd.msk.f32 $0xffff, v9, v10;
	v9, v10, _ =	vpop (xrf1)  }
0x158: {  	v10 =	vsel vm0, v10, v13  }
0x159: {  	v15, _, _ =	vpop (xrf2);
	v9 =	vsel vm0, v9, v12  }
0x15a: {  	(erf) = vrcp.f32 v11;
	v11, v12, _ =	vpop (xrf1)  }
0x15b: {  	v15 =	vbroadcast v15, $0xF;
	(xrf1) =	vsort.dscd.msk.f32 $0xffff, v9, v10;
	v10, v13, _ =	vpop (xrf1)  }
0x15c: {  	v9 =	vpop (erf);
	v13 =	vperm.xlane v13, v4  }
0x15d: {  	v9 =	vmul.f32 v9, v7;
	v16, v7, _ =	vpop (xrf1);
	v10 =	vperm.xlane v10, v4  }
0x15e: {  	s10 =	simm.s32 $0x2258;
	v17, v18, _ =	vpop (xrf1)  }
0x15f: {  	[tilespmem:s10+$0xFFFFFDF8] =	vst.msk $0xff, v9;
	v9 =	vsel vm0, v17, v10;
	v10 =	vsel vm0, v18, v13  }
0x160: {  	(erf) = vrcp.f32 v15;
	v13, v15, _ =	vpop (xrf1)  }
0x161: {  	s11 =	simm.s32 $0x26D8  }
0x162: {  	[tilespmem:s11+$0xFFFFFDF8] =	vst.msk $0xff, v5;
	(xrf1) =	vsort.dscd.msk.f32 $0xffff, v9, v10;
	v5 =	vperm.xlane v13, v4;
	v9 =	vperm.xlane v15, v4;
	v10, v13, _ =	vpop (xrf1)  }
0x163: {  	(xrf0) =	vmax.scan.msk.f32 $0xffff, v16;
	v10 =	vperm.xlane v10, v4;
	v13 =	vperm.xlane v13, v4  }
0x164: {  	v5 =	vsel vm0, v11, v5;
	v9 =	vsel vm0, v12, v9;
	v11, v12, _ =	vpop (xrf1)  }
0x165: {  	v17 =	vpop (erf);
	v15 =	vld [tilespmem:s26+$0xFFFFFFD0];
	v10 =	vsel vm0, v11, v10;
	v11 =	vsel vm0, v12, v13  }
0x166: {  	v17 =	vmul.f32 v17, v20;
	v18 =	vld [tilespmem:s26+$0xFFFFFFF0]  }
0x167: {  	(xrf1) =	vsort.dscd.msk.f32 $0xffff, v5, v9;
	v5 =	vld [tilespmem:s26+$0xFFFFFFE0]  }
0x168: {  	[tilespmem:s21+$0xFFFFFFF8] =	vst.msk $0xff, v17;
	(xrf1) =	vsort.dscd.msk.f32 $0xffff, v10, v11;
	v11, v9, _ =	vpop (xrf1)  }
0x169: {  	[tilespmem:s22+$0xFFFFFFF8] =	vst.msk $0xff, v8;
	v8, _, _ =	vpop (xrf0);
	v10 =	vld [tilespmem:s26+$0xFFFFFFC0];
	(xrf0) =	vmax.scan.msk.f32 $0xffff, v11  }
0x16a: {  	v12 =	vld [tilespmem:s28+$0x30];
	(xrf1) =	vsort.dscd.msk.f32 $0xffff, v15, v1  }
0x16b: {  	v13 =	vbroadcast v8, $0xF;
	(xrf1) =	vsort.dscd.msk.f32 $0xffff, v18, v3;
	v17, v8, _ =	vpop (xrf1)  }
0x16c: {  	(xrf1) =	vsort.dscd.msk.f32 $0xffff, v5, v2;
	v5 =	vpop (erf)  }
0x16d: {  	v15 =	vld [tilespmem:s28+$0x10];
	v13 =	vsub.f32 v16, v13;
	(xrf0) =	vmax.scan.msk.f32 $0xffff, v17;
	v5 =	vmul.f32 v5, v14  }
0x16e: {  	(xrf1) =	vsort.dscd.msk.f32 $0xffff, v10, v0  }
0x16f: {  	v10 =	vmul.f32 $1.442695020e+00, v13;
	(xrf1) =	vsort.dscd.msk.f32 $0xffff, v12, v3;
	[tilespmem:s17+$0xFFFFFE00] =	vst.msk $0xff, v5;
	v12, _, _ =	vpop (xrf0)  }
0x170: {  	v13 =	vld [tilespmem:s28+$0x20];
	[tilespmem:s18+$0xFFFFFE00] =	vst.msk $0xff, v6;
	v6 =	vbroadcast v12, $0xF  }
0x171: {  	(erf) = vpow2.f32 v10;
	v10 =	vld [tilespmem:s28+$0x0]  }
0x172: {  	(xrf1) =	vsort.dscd.msk.f32 $0xffff, v15, v1;
	v16 =	vld [tilespmem:s0+$0x70];
	v15, v5, _ =	vpop (xrf1)  }
0x173: {  	v18 =	vld [tilespmem:s0+$0x50];
	v12, _, _ =	vpop (xrf0)  }
0x174: {  	(xrf0) =	vmax.scan.msk.f32 $0xffff, v15;
	v20 =	vbroadcast v12, $0xF;
	v14 =	vsub.f32 v11, v6  }
0x175: {  	v11, v6, _ =	vpop (xrf1);
	(xrf1) =	vsort.dscd.msk.f32 $0xffff, v13, v2  }
0x176: {  	(xrf1) =	vsort.dscd.msk.f32 $0xffff, v10, v0;
	v10 =	vsub.f32 v17, v20  }
0x177: {  	v19 =	vld [tilespmem:s0+$0x60];
	v21 =	vmul.f32 $1.442695020e+00, v14;
	(xrf1) =	vsort.dscd.msk.f32 $0xffff, v16, v3  }
0x178: {  	v13 =	vld [tilespmem:s0+$0x40];
	v14, v12, _ =	vpop (xrf1);
	(xrf1) =	vsort.dscd.msk.f32 $0xffff, v18, v1;
	v18 =	vmul.f32 $1.442695020e+00, v10  }
0x179: {  	v17, v20, _ =	vpop (xrf1)  }
0x17a: {  	v16, _, _ =	vpop (xrf0)  }
0x17b: {  	(erf) = vpow2.f32 v21;
	v21, v22, _ =	vpop (xrf1)  }
0x17c: {  	(xrf1) =	vsort.dscd.msk.f32 $0xffff, v19, v2;
	v19 =	vperm.xlane v21, v4;
	v21 =	vperm.xlane v22, v4;
	v10 =	vpop (erf)  }
0x17d: {  	(erf) = vpow2.f32 v18;
	(xrf1) =	vsort.dscd.msk.f32 $0xffff, v13, v0;
	v13 =	vperm.xlane v17, v4;
	v17, v18, _ =	vpop (xrf1)  }
0x17e: {  	v16 =	vbroadcast v16, $0xF;
	v18 =	vsel vm0, v18, v21  }
0x17f: {  	v20 =	vperm.xlane v20, v4;
	v17 =	vsel vm0, v17, v19  }
0x180: {  	v16 =	vsub.f32 v15, v16;
	v21 =	vnsel vm0, $0x0, v10  }
0x181: {  	v15, v19, _ =	vpop (xrf1);
	(xrf2) =	vadd.scan.msk.f32 $0xffff, v21  }
0x182: {  	s12 =	simm.s32 $0xE;
	v15 =	vsel vm0, v15, v13;
	(xrf1) =	vsort.dscd.msk.f32 $0xffff, v17, v18;
	v13 =	vmul.f32 $1.442695020e+00, v16;
	v17, v18, _ =	vpop (xrf1)  }
0x183: {  	s13 =	simm.s32 $0x880;
	s1 =	simm.s32 $0x2258;
	s0 =	simm.s32 $0x26D8;
	v19 =	vsel vm0, v19, v20;
	v16 =	vperm.xlane v17, v4;
	v17 =	vperm.xlane v18, v4;
	v20, v18, _ =	vpop (xrf1)  }
.LBB2_2:
0x184: {  	v21 =	vld [tilespmem:s13+$0xFFFFFF80];
	(xrf1) =	vsort.dscd.msk.f32 $0xffff, v15, v19;
	v15 =	vperm.xlane v20, v4;
	v19, v20, _ =	vpop (xrf1);
	(erf) = vpow2.f32 v13  }
0x185: {  	v23 =	vperm.xlane v18, v4;
	v22 =	vpop (erf);
	v25 =	vsel vm0, v19, v16;
	v17 =	vsel vm0, v20, v17  }
0x186: {  	v24 =	vnsel vm0, $0x0, v22;
	v19, v20, _ =	vpop (xrf1);
	(xrf1) =	vsort.dscd.msk.f32 $0xffff, v25, v17  }
0x187: {  	(xrf2) =	vadd.scan.msk.f32 $0xffff, v24;
	v24 =	vsel vm0, v19, v15;
	v19 =	vsel vm0, v20, v23;
	v13 =	vpop (erf)  }
0x188: {  	v26 =	vperm.xlane v14, v4;
	(xrf1) =	vsort.dscd.msk.f32 $0xffff, v24, v19;
	v15, v16, _ =	vpop (xrf1)  }
0x189: {  	(xrf1) =	vsort.dscd.msk.f32 $0xffff, v21, v0;
	v15 =	vperm.xlane v15, v4;
	v16 =	vperm.xlane v16, v4;
	v17, v18, _ =	vpop (xrf1)  }
0x18a: {  	v25 =	vperm.xlane v12, v4;
	v19 =	vnsel vm0, $0x0, v13;
	v17 =	vperm.xlane v17, v4;
	v20, v21, _ =	vpop (xrf1)  }
0x18b: {  	v18 =	vperm.xlane v18, v4;
	v23 =	vld [tilespmem:s13+$0xFFFFFF90];
	v24, _, _ =	vpop (xrf2);
	(xrf2) =	vadd.scan.msk.f32 $0xffff, v19;
	v15 =	vsel vm0, v20, v15;
	v16 =	vsel vm0, v21, v16  }
0x18c: {  	v11 =	vsel vm0, v11, v26;
	v6 =	vsel vm0, v6, v25;
	v19 =	vld [tilespmem:s13+$0xFFFFFFB0];
	v12, v14, _ =	vpop (xrf1);
	(xrf1) =	vsort.dscd.msk.f32 $0xffff, v15, v16  }
0x18d: {  	v20 =	vbroadcast v24, $0xF;
	(xrf1) =	vsort.dscd.msk.f32 $0xffff, v11, v6;
	v16 =	vsel vm0, v12, v17;
	v12 =	vsel vm0, v14, v18;
	v14 =	vpop (erf)  }
0x18e: {  	v15 =	vld [tilespmem:s13+$0xFFFFFFA0];
	(xrf1) =	vsort.dscd.msk.f32 $0xffff, v16, v12;
	v12 =	vnsel vm0, $0x0, v14  }
0x18f: {  	(erf) = vrcp.f32 v20;
	(xrf2) =	vadd.scan.msk.f32 $0xffff, v12  }
0x190: {  	(xrf1) =	vsort.dscd.msk.f32 $0xffff, v23, v1;
	v6, v11, _ =	vpop (xrf1)  }
0x191: {  	(xrf1) =	vsort.dscd.msk.f32 $0xffff, v19, v3;
	v12, _, _ =	vpop (xrf2)  }
0x192: {  	v6 =	vperm.xlane v6, v4;
	v16, v17, _ =	vpop (xrf1)  }
0x193: {  	v18 =	vperm.xlane v11, v4;
	(xrf1) =	vsort.dscd.msk.f32 $0xffff, v15, v2  }
0x194: {  	v12 =	vbroadcast v12, $0xF;
	v21 =	vsel vm0, v16, v6;
	v15, v16, _ =	vpop (xrf1)  }
0x195: {  	v20 =	vsel vm0, v17, v18;
	v15 =	vperm.xlane v15, v4;
	v16 =	vperm.xlane v16, v4;
	v17, _, _ =	vpop (xrf2)  }
0x196: {  	(xrf1) =	vsort.dscd.msk.f32 $0xffff, v21, v20;
	v6, v11, _ =	vpop (xrf1)  }
0x197: {  	v18, v19, _ =	vpop (xrf1);
	(erf) = vrcp.f32 v12;
	v6 =	vsel vm0, v6, v15;
	v15 =	vsel vm0, v11, v16  }
0x198: {  	v17 =	vbroadcast v17, $0xF;
	v12 =	vpop (erf);
	(xrf1) =	vsort.dscd.msk.f32 $0xffff, v6, v15  }
0x199: {  	v10 =	vmul.f32 v12, v10;
	v11, _, _ =	vpop (xrf2)  }
0x19a: {  	(erf) = vrcp.f32 v17;
	v6, v12, _ =	vpop (xrf1);
	v11 =	vbroadcast v11, $0xF  }
0x19b: {  	v15, v16, _ =	vpop (xrf1);
	v6 =	vperm.xlane v6, v4;
	v21 =	vperm.xlane v12, v4  }
0x19c: {  	s10 =	sadd.s32 $0x10, s10;
	(xrf0) =	vmax.scan.msk.f32 $0xffff, v15;
	v17, v20, _ =	vpop (xrf1);
	(erf) = vrcp.f32 v11  }
0x19d: {  	s11 =	sadd.s32 $0x10, s11;
	[tilespmem:s10+$0xFFFFFDF8] =	vst.msk $0xff, v10;
	v6 =	vsel vm0, v17, v6;
	v10 =	vsel vm0, v20, v21  }
0x19e: {  	v11, v12, _ =	vpop (xrf1);
	[tilespmem:s11+$0xFFFFFDF8] =	vst.msk $0xff, v7;
	(xrf1) =	vsort.dscd.msk.f32 $0xffff, v6, v10;
	v7 =	vmov v16  }
0x19f: {  	v23 =	vperm.xlane v11, v4;
	v10 =	vperm.xlane v12, v4;
	v11, v12, _ =	vpop (xrf1);
	v16 =	vld [tilespmem:s29+$0xFFFFFFD0]  }
0x1a0: {  	v24 =	vperm.xlane v11, v4;
	v12 =	vperm.xlane v12, v4;
	v17 =	vpop (erf)  }
0x1a1: {  	v21 =	vsel vm0, v18, v23;
	v10 =	vsel vm0, v19, v10;
	v18, v19, _ =	vpop (xrf1);
	v20 =	vld [tilespmem:s29+$0xFFFFFFF0];
	v17 =	vmul.f32 v17, v22  }
0x1a2: {  	v18 =	vsel vm0, v18, v24;
	v12 =	vsel vm0, v19, v12;
	(xrf1) =	vsort.dscd.msk.f32 $0xffff, v21, v10;
	v6, _, _ =	vpop (xrf0)  }
0x1a3: {  	(xrf1) =	vsort.dscd.msk.f32 $0xffff, v18, v12;
	v10 =	vld [tilespmem:s29+$0xFFFFFFE0];
	[tilespmem:s23+$0xFFFFFFF8] =	vst.msk $0xff, v17;
	v11 =	vpop (erf)  }
0x1a4: {  	v12 =	vld [tilespmem:s29+$0xFFFFFFC0];
	(xrf1) =	vsort.dscd.msk.f32 $0xffff, v16, v1;
	[tilespmem:s24+$0xFFFFFFF8] =	vst.msk $0xff, v9;
	v16, v9, _ =	vpop (xrf1)  }
0x1a5: {  	v11 =	vmul.f32 v11, v13;
	(xrf0) =	vmax.scan.msk.f32 $0xffff, v16;
	v17 =	vld [tilespmem:s25+$0x30];
	v13 =	vpop (erf)  }
0x1a6: {  	v6 =	vbroadcast v6, $0xF;
	(xrf1) =	vsort.dscd.msk.f32 $0xffff, v20, v3;
	v18 =	vld [tilespmem:s25+$0x10];
	v19, v20, _ =	vpop (xrf1);
	v13 =	vmul.f32 v13, v14  }
0x1a7: {  	v14 =	vld [tilespmem:s25+$0x20];
	(xrf0) =	vmax.scan.msk.f32 $0xffff, v19;
	[tilespmem:s19+$0xFFFFFE00] =	vst.msk $0xff, v11  }
0x1a8: {  	v11 =	vsub.f32 v15, v6;
	(xrf1) =	vsort.dscd.msk.f32 $0xffff, v10, v2;
	[tilespmem:s15+$0x0] =	vst.msk $0xff, v13;
	s15 =	smov.u32 s17;
	s17 =	smov.u32 s19;
	s19 =	smov.u32 s21  }
0x1a9: {  	s21 =	smov.u32 s23;
	s23 =	smov.u32 s1;
	s1 =	smov.u32 s10;
	(xrf1) =	vsort.dscd.msk.f32 $0xffff, v12, v0;
	v10 =	vld [tilespmem:s25+$0x0];
	[tilespmem:s16+$0x0] =	vst.msk $0xff, v5  }
0x1aa: {  	v21 =	vmul.f32 $1.442695020e+00, v11;
	s16 =	smov.u32 s18;
	s18 =	smov.u32 s20;
	(xrf1) =	vsort.dscd.msk.f32 $0xffff, v17, v3;
	[tilespmem:s20+$0xFFFFFE00] =	vst.msk $0xff, v8;
	v8 =	vmov v20;
	s20 =	smov.u32 s22  }
0x1ab: {  	s22 =	smov.u32 s24;
	s24 =	smov.u32 s0;
	s0 =	smov.u32 s11;
	v6, _, _ =	vpop (xrf0);
	(xrf1) =	vsort.dscd.msk.f32 $0xffff, v18, v1;
	v12 =	vld [tilespmem:s30+$0x70]  }
0x1ac: {  	(erf) = vpow2.f32 v21;
	v18 =	vbroadcast v6, $0xF;
	(xrf1) =	vsort.dscd.msk.f32 $0xffff, v14, v2;
	v13 =	vld [tilespmem:s30+$0x50];
	v15, v5, _ =	vpop (xrf1)  }
0x1ad: {  	v11, _, _ =	vpop (xrf0);
	v17 =	vld [tilespmem:s30+$0x60];
	(xrf0) =	vmax.scan.msk.f32 $0xffff, v15  }
0x1ae: {  	v20 =	vsub.f32 v16, v18;
	(xrf1) =	vsort.dscd.msk.f32 $0xffff, v10, v0;
	v10 =	vbroadcast v11, $0xF  }
0x1af: {  	v16 =	vld [tilespmem:s30+$0x40];
	s30 =	smov.u32 s28;
	s28 =	smov.u32 s25;
	s25 =	smov.u32 s26  }
0x1b0: {  	s26 =	smov.u32 s29;
	s29 =	smov.u32 s31;
	s31 =	smov.u32 s13;
	v11, v6, _ =	vpop (xrf1);
	v18 =	vmul.f32 $1.442695020e+00, v20;
	v10 =	vsub.f32 v19, v10;
	(xrf1) =	vsort.dscd.msk.f32 $0xffff, v12, v3  }
0x1b1: {  	v14, v12, _ =	vpop (xrf1);
	(xrf1) =	vsort.dscd.msk.f32 $0xffff, v13, v1  }
0x1b2: {  	s12 =	sadd.s32 $0x2, s12;
	v13, v19, _ =	vpop (xrf1);
	(erf) = vpow2.f32 v18;
	v21 =	vmul.f32 $1.442695020e+00, v10;
	(xrf1) =	vsort.dscd.msk.f32 $0xffff, v17, v2  }
0x1b3: {  	p0 =	slt.u32 s12, $0x3E;
	v17, _, _ =	vpop (xrf0)  }
0x1b4: {  	v18, v20, _ =	vpop (xrf1);
	(erf) = vpow2.f32 v21;
	(xrf1) =	vsort.dscd.msk.f32 $0xffff, v16, v0;
	v16 =	vbroadcast v17, $0xF  }
.Ltmp0:
0x1b5: {  	v10 =	vpop (erf);
	v25 =	vperm.xlane v18, v4;
	v24 =	vperm.xlane v20, v4;
	(pc) =	sbr.rel @p0 .LBB2_2-.Ltmp0, $4  }
0x1b6: {  	v13 =	vperm.xlane v13, v4;
	v23 =	vnsel vm0, $0x0, v10;
	v21, v22, _ =	vpop (xrf1);
	v16 =	vsub.f32 v15, v16  }
0x1b7: {  	v19 =	vperm.xlane v19, v4;
	(xrf2) =	vadd.scan.msk.f32 $0xffff, v23;
	v23 =	vsel vm0, v21, v25;
	v21 =	vsel vm0, v22, v24;
	v15, v20, _ =	vpop (xrf1)  }
0x1b8: {  	v15 =	vsel vm0, v15, v13;
	(xrf1) =	vsort.dscd.msk.f32 $0xffff, v23, v21;
	v17, v18, _ =	vpop (xrf1);
	v13 =	vmul.f32 $1.442695020e+00, v16  }
0x1b9: {  	s13 =	sadd.s32 $0x100, s13;
	v19 =	vsel vm0, v20, v19;
	v16 =	vperm.xlane v17, v4;
	v17 =	vperm.xlane v18, v4;
	v20, v18, _ =	vpop (xrf1)  }
0x1ba: {  	v21, v22, _ =	vpop (xrf1)  }
0x1bb: {  	v16 =	vsel vm0, v21, v16  }
0x1bc: {  	(xrf1) =	vsort.dscd.msk.f32 $0xffff, v15, v19;
	v52 =	vpop (erf);
	v17 =	vsel vm0, v22, v17  }
0x1bd: {  	v53 =	vperm.xlane v20, v4;
	v18 =	vperm.xlane v18, v4;
	v54, v55, _ =	vpop (xrf1);
	v56 =	vnsel vm0, $0x0, v52;
	(xrf1) =	vsort.dscd.msk.f32 $0xffff, v16, v17  }
0x1be: {  	(xrf2) =	vadd.scan.msk.f32 $0xffff, v56;
	v16 =	vpop (erf)  }
0x1bf: {  	v14 =	vperm.xlane v14, v4;
	v57 =	vsel vm0, v54, v53;
	v18 =	vsel vm0, v55, v18;
	v19, v20, _ =	vpop (xrf1)  }
0x1c0: {  	v19 =	vperm.xlane v19, v4;
	v20 =	vperm.xlane v20, v4;
	v59, v58, _ =	vpop (xrf1);
	(xrf1) =	vsort.dscd.msk.f32 $0xffff, v57, v18  }
0x1c1: {  	v12 =	vperm.xlane v12, v4;
	(erf) = vpow2.f32 v13;
	v60 =	vnsel vm0, $0x0, v16;
	v61, v23, _ =	vpop (xrf1)  }
0x1c2: {  	v11 =	vsel vm0, v11, v14;
	(xrf2) =	vadd.scan.msk.f32 $0xffff, v60;
	v62 =	vsel vm0, v61, v19;
	v63 =	vsel vm0, v23, v20  }
0x1c3: {  	v6 =	vsel vm0, v6, v12;
	v24 =	vperm.xlane v59, v4;
	v23, _, _ =	vpop (xrf2);
	(xrf1) =	vsort.dscd.msk.f32 $0xffff, v62, v63  }
0x1c4: {  	v25 =	vperm.xlane v58, v4;
	(xrf1) =	vsort.dscd.msk.f32 $0xffff, v11, v6;
	v6 =	vbroadcast v23, $0xF  }
0x1c5: {  	v27, v26, _ =	vpop (xrf1)  }
0x1c6: {  	v28 =	vsel vm0, v26, v25;
	(erf) = vrcp.f32 v6;
	v6 =	vsel vm0, v27, v24  }
0x1c7: {  	(xrf1) =	vsort.dscd.msk.f32 $0xffff, v6, v28  }
0x1c8: {  	v29, _, _ =	vpop (xrf2)  }
0x1c9: {  	v6, v11, _ =	vpop (xrf1);
	v12 =	vbroadcast v29, $0xF  }
0x1ca: {  	v30 =	vperm.xlane v6, v4;
	v11 =	vperm.xlane v11, v4;
	v32, v31, _ =	vpop (xrf1)  }
0x1cb: {  	v6 =	vpop (erf);
	(erf) = vrcp.f32 v12  }
0x1cc: {  	v34, v35, _ =	vpop (xrf1);
	v13 =	vsel vm0, v32, v30;
	v11 =	vsel vm0, v31, v11  }
0x1cd: {  	v33 =	vnsel vm0, $0x0, v6;
	v37, _, _ =	vpop (xrf2);
	(xrf1) =	vsort.dscd.msk.f32 $0xffff, v13, v11  }
0x1ce: {  	(xrf2) =	vadd.scan.msk.f32 $0xffff, v33;
	v36 =	vperm.xlane v34, v4;
	v38 =	vperm.xlane v35, v4;
	v41, v40, _ =	vpop (xrf1)  }
0x1cf: {  	v12 =	vbroadcast v37, $0xF;
	v39 =	vpop (erf)  }
0x1d0: {  	v42 =	vsel vm0, v41, v36;
	v43 =	vsel vm0, v40, v38;
	v14 =	vmul.f32 v39, v10  }
0x1d1: {  	s10 =	sadd.s32 $0x10, s10;
	(erf) = vrcp.f32 v12;
	v45, v44, _ =	vpop (xrf1);
	(xrf1) =	vsort.dscd.msk.f32 $0xffff, v42, v43  }
0x1d2: {  	s11 =	sadd.s32 $0x10, s11;
	v17, v10, _ =	vpop (xrf1);
	[tilespmem:s10+$0xFFFFFDF8] =	vst.msk $0xff, v14  }
0x1d3: {  	(xrf0) =	vmax.scan.msk.f32 $0xffff, v17;
	[tilespmem:s11+$0xFFFFFDF8] =	vst.msk $0xff, v7  }
0x1d4: {  	v46 =	vperm.xlane v45, v4;
	v47 =	vperm.xlane v44, v4;
	v7 =	vld [tilespmem:s29+$0xFFFFFFD0];
	v48 =	vpop (erf)  }
0x1d5: {  	v51 =	vld [tilespmem:s29+$0xFFFFFFF0];
	v50, v49, _ =	vpop (xrf1)  }
0x1d6: {  	v53 =	vld [tilespmem:s29+$0xFFFFFFE0];
	v13 =	vmul.f32 v48, v52;
	v11 =	vsel vm0, v50, v46;
	v12 =	vsel vm0, v49, v47  }
0x1d7: {  	(xrf1) =	vsort.dscd.msk.f32 $0xffff, v11, v12  }
0x1d8: {  	v55 =	vld [tilespmem:s29+$0xFFFFFFC0];
	v52, _, _ =	vpop (xrf2);
	[tilespmem:s23+$0xFFFFFFF8] =	vst.msk $0xff, v13  }
0x1d9: {  	[tilespmem:s24+$0xFFFFFFF8] =	vst.msk $0xff, v9;
	v54, _, _ =	vpop (xrf0);
	(xrf1) =	vsort.dscd.msk.f32 $0xffff, v7, v1;
	v7 =	vbroadcast v52, $0xF  }
0x1da: {  	v56 =	vpop (erf);
	v57 =	vld [tilespmem:s25+$0x30];
	v13 =	vbroadcast v54, $0xF;
	(xrf1) =	vsort.dscd.msk.f32 $0xffff, v51, v3  }
0x1db: {  	v58, v11, _ =	vpop (xrf1);
	(erf) = vrcp.f32 v7;
	(xrf1) =	vsort.dscd.msk.f32 $0xffff, v53, v2  }
0x1dc: {  	v59 =	vld [tilespmem:s25+$0x10];
	v7 =	vmul.f32 v56, v16;
	(xrf0) =	vmax.scan.msk.f32 $0xffff, v58;
	v13 =	vsub.f32 v17, v13  }
0x1dd: {  	v60 =	vld [tilespmem:s25+$0x20];
	(xrf1) =	vsort.dscd.msk.f32 $0xffff, v55, v0  }
0x1de: {  	[tilespmem:s19+$0xFFFFFE00] =	vst.msk $0xff, v7;
	v13 =	vmul.f32 $1.442695020e+00, v13  }
0x1df: {  	v7 =	vld [tilespmem:s25+$0x0];
	(xrf1) =	vsort.dscd.msk.f32 $0xffff, v57, v3;
	[tilespmem:s20+$0xFFFFFE00] =	vst.msk $0xff, v8;
	v62, v12, _ =	vpop (xrf1)  }
0x1e0: {  	v61 =	vld [tilespmem:s30+$0x70];
	(erf) = vpow2.f32 v13;
	(xrf0) =	vmax.scan.msk.f32 $0xffff, v62  }
0x1e1: {  	(xrf1) =	vsort.dscd.msk.f32 $0xffff, v59, v1;
	v63 =	vld [tilespmem:s30+$0x50]  }
0x1e2: {  	(xrf1) =	vsort.dscd.msk.f32 $0xffff, v60, v2  }
0x1e3: {  	v20, _, _ =	vpop (xrf0)  }
0x1e4: {  	v21 =	vld [tilespmem:s30+$0x60];
	(xrf1) =	vsort.dscd.msk.f32 $0xffff, v7, v0;
	v22 =	vbroadcast v20, $0xF;
	v8 =	vpop (erf)  }
0x1e5: {  	(xrf1) =	vsort.dscd.msk.f32 $0xffff, v61, v3;
	v24, v7, _ =	vpop (xrf1)  }
0x1e6: {  	v23 =	vld [tilespmem:s30+$0x40];
	v16 =	vsub.f32 v58, v22;
	(xrf1) =	vsort.dscd.msk.f32 $0xffff, v63, v1;
	v27, _, _ =	vpop (xrf0)  }
0x1e7: {  	(xrf0) =	vmax.scan.msk.f32 $0xffff, v24;
	v26, v18, _ =	vpop (xrf1)  }
0x1e8: {  	v25 =	vmul.f32 $1.442695020e+00, v16;
	v13 =	vbroadcast v27, $0xF;
	v29, v28, _ =	vpop (xrf1)  }
0x1e9: {  	(xrf1) =	vsort.dscd.msk.f32 $0xffff, v21, v2;
	v16 =	vperm.xlane v26, v4;
	v17 =	vpop (erf);
	v9 =	vperm.xlane v29, v4  }
0x1ea: {  	(erf) = vpow2.f32 v25;
	v19 =	vperm.xlane v28, v4;
	v13 =	vsub.f32 v62, v13;
	v31, v32, _ =	vpop (xrf1)  }
0x1eb: {  	(xrf1) =	vsort.dscd.msk.f32 $0xffff, v23, v0;
	v33 =	vperm.xlane v18, v4;
	v30 =	vnsel vm0, $0x0, v17;
	v36, v35, _ =	vpop (xrf1);
	v9 =	vsel vm0, v31, v9  }
0x1ec: {  	(xrf2) =	vadd.scan.msk.f32 $0xffff, v30;
	v34 =	vsel vm0, v32, v19;
	v13 =	vmul.f32 $1.442695020e+00, v13;
	v16 =	vsel vm0, v36, v16  }
0x1ed: {  	v15 =	vsel vm0, v35, v33;
	(xrf1) =	vsort.dscd.msk.f32 $0xffff, v9, v34;
	v40, _, _ =	vpop (xrf0)  }
0x1ee: {  	(erf) = vpow2.f32 v13;
	v42 =	vbroadcast v40, $0xF;
	v9, v18, _ =	vpop (xrf1)  }
0x1ef: {  	(xrf1) =	vsort.dscd.msk.f32 $0xffff, v16, v15;
	v9 =	vperm.xlane v9, v4;
	v18 =	vperm.xlane v18, v4;
	v37, v38, _ =	vpop (xrf1)  }
0x1f0: {  	v14 =	vsub.f32 v24, v42;
	v39 =	vperm.xlane v37, v4;
	v15, v16, _ =	vpop (xrf1)  }
0x1f1: {  	v20 =	vperm.xlane v38, v4;
	v9 =	vsel vm0, v15, v9;
	v41 =	vsel vm0, v16, v18  }
0x1f2: {  	v43, v44, _ =	vpop (xrf1);
	(xrf1) =	vsort.dscd.msk.f32 $0xffff, v9, v41  }
0x1f3: {  	v14 =	vmul.f32 $1.442695020e+00, v14;
	v45 =	vpop (erf);
	v46 =	vsel vm0, v43, v39;
	v47 =	vsel vm0, v44, v20  }
0x1f4: {  	v48 =	vnsel vm0, $0x0, v45;
	(xrf1) =	vsort.dscd.msk.f32 $0xffff, v46, v47;
	v9, v13, _ =	vpop (xrf1)  }
0x1f5: {  	(erf) = vpow2.f32 v14;
	(xrf2) =	vadd.scan.msk.f32 $0xffff, v48;
	v50, v49, _ =	vpop (xrf1)  }
0x1f6: {  	v9 =	vperm.xlane v9, v4;
	v13 =	vperm.xlane v13, v4;
	v51, _, _ =	vpop (xrf2)  }
0x1f7: {  	v16 =	vperm.xlane v50, v4;
	v19, v20, _ =	vpop (xrf1);
	v18 =	vperm.xlane v49, v4  }
0x1f8: {  	v54 =	vbroadcast v51, $0xF;
	v55 =	vpop (erf);
	v9 =	vsel vm0, v19, v9;
	v13 =	vsel vm0, v20, v13  }
0x1f9: {  	v53, v52, _ =	vpop (xrf1);
	v57 =	vnsel vm0, $0x0, v55;
	(xrf1) =	vsort.dscd.msk.f32 $0xffff, v9, v13  }
0x1fa: {  	v14 =	vsel vm0, v53, v16;
	v56 =	vsel vm0, v52, v18;
	(erf) = vrcp.f32 v54;
	(xrf2) =	vadd.scan.msk.f32 $0xffff, v57  }
0x1fb: {  	(xrf1) =	vsort.dscd.msk.f32 $0xffff, v14, v56;
	v59, v58, _ =	vpop (xrf1)  }
0x1fc: {  	v9 =	vperm.xlane v59, v4  }
0x1fd: {  	v14 =	vperm.xlane v58, v4;
	v60, v61, _ =	vpop (xrf1)  }
0x1fe: {  	v9 =	vsel vm0, v60, v9  }
0x1ff: {  	v14 =	vsel vm0, v61, v14;
	v62, _, _ =	vpop (xrf2)  }
0x200: {  	(xrf1) =	vsort.dscd.msk.f32 $0xffff, v9, v14;
	v22, v23, _ =	vpop (xrf1)  }
0x201: {  	v63 =	vbroadcast v62, $0xF;
	v9 =	vpop (erf)  }
0x202: {  	v24 =	vperm.xlane v22, v4;
	v25 =	vperm.xlane v23, v4;
	v27, v26, _ =	vpop (xrf1)  }
0x203: {  	(erf) = vrcp.f32 v63;
	v29 =	vpop (erf)  }
0x204: {  	v30 =	vmul.f32 v29, v17;
	v31, _, _ =	vpop (xrf2);
	v14 =	vsel vm0, v27, v24;
	v28 =	vsel vm0, v26, v25  }
0x205: {  	s13 =	sadd.s32 $0x10, s10;
	v16 =	vbroadcast v31, $0xF;
	(xrf1) =	vsort.dscd.msk.f32 $0xffff, v14, v28  }
0x206: {  	s12 =	sadd.s32 $0x10, s11;
	[tilespmem:s13+$0xFFFFFDF8] =	vst.msk $0xff, v30  }
0x207: {  	[tilespmem:s12+$0xFFFFFDF8] =	vst.msk $0xff, v10;
	(erf) = vrcp.f32 v16;
	v17, v18, _ =	vpop (xrf1)  }
0x208: {  	v36 =	vld [tilespmem:s31+$0xFFFFFFD0];
	v32 =	vperm.xlane v17, v4;
	v33 =	vperm.xlane v18, v4  }
0x209: {  	v38 =	vld [tilespmem:s31+$0xFFFFFFF0];
	v34, v35, _ =	vpop (xrf1)  }
0x20a: {  	v10 =	vsel vm0, v34, v32;
	v37 =	vsel vm0, v35, v33  }
0x20b: {  	v39 =	vnsel vm0, $0x0, v9;
	v40 =	vld [tilespmem:s31+$0xFFFFFFE0];
	(xrf1) =	vsort.dscd.msk.f32 $0xffff, v10, v37  }
0x20c: {  	(xrf2) =	vadd.scan.msk.f32 $0xffff, v39;
	v41 =	vpop (erf)  }
0x20d: {  	v42 =	vld [tilespmem:s31+$0xFFFFFFC0];
	v10 =	vmul.f32 v41, v45;
	(xrf1) =	vsort.dscd.msk.f32 $0xffff, v36, v1  }
0x20e: {  	v43, v14, _ =	vpop (xrf1);
	(xrf1) =	vsort.dscd.msk.f32 $0xffff, v38, v3  }
0x20f: {  	[tilespmem:s1+$0xFFFFFFF8] =	vst.msk $0xff, v10;
	(xrf0) =	vmax.scan.msk.f32 $0xffff, v43  }
0x210: {  	(xrf1) =	vsort.dscd.msk.f32 $0xffff, v40, v2;
	[tilespmem:s0+$0xFFFFFFF8] =	vst.msk $0xff, v11;
	v44 =	vpop (erf)  }
0x211: {  	v11 =	vld [tilespmem:s26+$0x30];
	v10 =	vmul.f32 v44, v55  }
0x212: {  	(xrf1) =	vsort.dscd.msk.f32 $0xffff, v42, v0;
	v45 =	vld [tilespmem:s26+$0x10]  }
0x213: {  	v47 =	vld [tilespmem:s26+$0x20];
	[tilespmem:s21+$0xFFFFFE00] =	vst.msk $0xff, v10;
	v46, v13, _ =	vpop (xrf1)  }
0x214: {  	v48 =	vld [tilespmem:s26+$0x0];
	[tilespmem:s22+$0xFFFFFE00] =	vst.msk $0xff, v12;
	(xrf0) =	vmax.scan.msk.f32 $0xffff, v46  }
0x215: {  	v49, _, _ =	vpop (xrf0);
	v51 =	vld [tilespmem:s28+$0x70]  }
0x216: {  	(xrf1) =	vsort.dscd.msk.f32 $0xffff, v11, v3;
	v52 =	vbroadcast v49, $0xF  }
0x217: {  	v50, _, _ =	vpop (xrf2);
	v53 =	vld [tilespmem:s28+$0x50];
	(xrf1) =	vsort.dscd.msk.f32 $0xffff, v45, v1  }
0x218: {  	v12 =	vbroadcast v50, $0xF;
	(xrf1) =	vsort.dscd.msk.f32 $0xffff, v47, v2;
	v18 =	vsub.f32 v43, v52  }
0x219: {  	v55 =	vld [tilespmem:s28+$0x60];
	(xrf1) =	vsort.dscd.msk.f32 $0xffff, v48, v0;
	v54, v10, _ =	vpop (xrf1)  }
0x21a: {  	v56 =	vld [tilespmem:s28+$0x40];
	(erf) = vrcp.f32 v12;
	v18 =	vmul.f32 $1.442695020e+00, v18;
	(xrf1) =	vsort.dscd.msk.f32 $0xffff, v51, v3;
	v57, _, _ =	vpop (xrf0)  }
0x21b: {  	(xrf0) =	vmax.scan.msk.f32 $0xffff, v54;
	v59, v58, _ =	vpop (xrf1);
	v12 =	vbroadcast v57, $0xF  }
0x21c: {  	(xrf1) =	vsort.dscd.msk.f32 $0xffff, v53, v1;
	(erf) = vpow2.f32 v18;
	v61, v60, _ =	vpop (xrf1)  }
0x21d: {  	v16 =	vperm.xlane v61, v4;
	v17 =	vperm.xlane v60, v4;
	v12 =	vsub.f32 v46, v12  }
0x21e: {  	(xrf1) =	vsort.dscd.msk.f32 $0xffff, v55, v2;
	v11 =	vperm.xlane v59, v4;
	v19 =	vperm.xlane v58, v4;
	v62, v63, _ =	vpop (xrf1)  }
0x21f: {  	(xrf1) =	vsort.dscd.msk.f32 $0xffff, v56, v0;
	v16 =	vsel vm0, v62, v16;
	v17 =	vsel vm0, v63, v17;
	v12 =	vmul.f32 $1.442695020e+00, v12  }
0x220: {  	v24, v23, _ =	vpop (xrf1);
	(xrf1) =	vsort.dscd.msk.f32 $0xffff, v16, v17  }
0x221: {  	v25 =	vsel vm0, v23, v19;
	(erf) = vpow2.f32 v12;
	v12 =	vsel vm0, v24, v11  }
0x222: {  	v26, _, _ =	vpop (xrf0);
	(xrf1) =	vsort.dscd.msk.f32 $0xffff, v12, v25  }
0x223: {  	v11 =	vpop (erf)  }
0x224: {  	v28, v27, _ =	vpop (xrf1)  }
0x225: {  	v18, v19, _ =	vpop (xrf1);
	v16 =	vperm.xlane v28, v4;
	v17 =	vperm.xlane v27, v4  }
0x226: {  	v30, v29, _ =	vpop (xrf1);
	v18 =	vperm.xlane v18, v4  }
0x227: {  	v31 =	vpop (erf);
	v19 =	vperm.xlane v19, v4;
	v16 =	vsel vm0, v30, v16;
	v17 =	vsel vm0, v29, v17  }
0x228: {  	v42 =	vnsel vm0, $0x0, v31;
	v32, v33, _ =	vpop (xrf1);
	(xrf1) =	vsort.dscd.msk.f32 $0xffff, v16, v17  }
0x229: {  	(xrf2) =	vadd.scan.msk.f32 $0xffff, v42;
	v35 =	vsel vm0, v32, v18;
	v36 =	vsel vm0, v33, v19;
	v38, v37, _ =	vpop (xrf1)  }
0x22a: {  	(xrf1) =	vsort.dscd.msk.f32 $0xffff, v35, v36;
	v34 =	vpop (erf)  }
0x22b: {  	v39 =	vperm.xlane v38, v4;
	v20 =	vperm.xlane v37, v4;
	v17, v18, _ =	vpop (xrf1)  }
0x22c: {  	v12 =	vbroadcast v26, $0xF;
	v41, v40, _ =	vpop (xrf1);
	v17 =	vperm.xlane v17, v4  }
0x22d: {  	v18 =	vperm.xlane v18, v4;
	v25, v26, _ =	vpop (xrf1);
	v15 =	vsel vm0, v41, v39;
	v20 =	vsel vm0, v40, v20  }
0x22e: {  	v12 =	vsub.f32 v54, v12;
	v24 =	vnsel vm0, $0x0, v34;
	v44, v43, _ =	vpop (xrf1);
	(xrf1) =	vsort.dscd.msk.f32 $0xffff, v15, v20;
	v46 =	vsel vm0, v25, v17  }
0x22f: {  	(xrf2) =	vadd.scan.msk.f32 $0xffff, v24;
	v47 =	vsel vm0, v26, v18;
	v19 =	vperm.xlane v44, v4;
	v45 =	vperm.xlane v43, v4  }
0x230: {  	(xrf1) =	vsort.dscd.msk.f32 $0xffff, v46, v47;
	v49, v48, _ =	vpop (xrf1)  }
0x231: {  	v12 =	vmul.f32 $1.442695020e+00, v12;
	v50 =	vsel vm0, v49, v19;
	v51 =	vsel vm0, v48, v45  }
0x232: {  	(xrf1) =	vsort.dscd.msk.f32 $0xffff, v50, v51  }
0x233: {  	(erf) = vpow2.f32 v12;
	v54, _, _ =	vpop (xrf2)  }
0x234: {  	v17 =	vbroadcast v54, $0xF;
	_ =	sdelay $0x1  }
0x235: {  	(erf) = vrcp.f32 v17;
	v53, v52, _ =	vpop (xrf1)  }
0x236: {  	v12 =	vperm.xlane v53, v4  }
0x237: {  	v15 =	vperm.xlane v52, v4;
	v18, v19, _ =	vpop (xrf1)  }
0x238: {  	v12 =	vsel vm0, v18, v12  }
0x239: {  	v55, _, _ =	vpop (xrf2);
	v15 =	vsel vm0, v19, v15  }
0x23a: {  	(xrf1) =	vsort.dscd.msk.f32 $0xffff, v12, v15;
	v15 =	vbroadcast v55, $0xF  }
0x23b: {  	v12 =	vpop (erf)  }
0x23c: {  	v57, v56, _ =	vpop (xrf1);
	(erf) = vrcp.f32 v15  }
0x23d: {  	v60, v59, _ =	vpop (xrf1)  }
0x23e: {  	v58 =	vnsel vm0, $0x0, v12;
	v62 =	vpop (erf)  }
0x23f: {  	v17 =	vperm.xlane v57, v4;
	(xrf2) =	vadd.scan.msk.f32 $0xffff, v58;
	v61, v21, _ =	vpop (xrf1)  }
0x240: {  	v18 =	vperm.xlane v56, v4;
	v24 =	vmul.f32 v62, v31;
	(xrf0) =	vmax.scan.msk.f32 $0xffff, v61;
	_ =	sdelay $0x1  }
0x241: {  	v15 =	vsel vm0, v60, v17;
	v63 =	vsel vm0, v59, v18;
	[tilespmem:s10+$0xFFFFFFF8] =	vst.msk $0xff, v24  }
0x242: {  	(xrf1) =	vsort.dscd.msk.f32 $0xffff, v15, v63;
	[tilespmem:s11+$0xFFFFFFF8] =	vst.msk $0xff, v14  }
0x243: {  	v28 =	vld [tilespmem:s29+$0x30]  }
0x244: {  	v26 =	vpop (erf)  }
0x245: {  	v25, _, _ =	vpop (xrf0)  }
0x246: {  	v31 =	vld [tilespmem:s29+$0x10];
	v16 =	vmul.f32 v26, v34;
	v27 =	vbroadcast v25, $0xF  }
0x247: {  	v33 =	vld [tilespmem:s29+$0x20];
	v29, v20, _ =	vpop (xrf1)  }
0x248: {  	(xrf1) =	vsort.dscd.msk.f32 $0xffff, v28, v3;
	v30, _, _ =	vpop (xrf2);
	[tilespmem:s23+$0xFFFFFE00] =	vst.msk $0xff, v16;
	v14 =	vsub.f32 v61, v27  }
0x249: {  	v34 =	vld [tilespmem:s29+$0x0];
	(xrf0) =	vmax.scan.msk.f32 $0xffff, v29;
	v32 =	vbroadcast v30, $0xF;
	[tilespmem:s24+$0xFFFFFE00] =	vst.msk $0xff, v13  }
0x24a: {  	v13 =	vld [tilespmem:s25+$0x70];
	v14 =	vmul.f32 $1.442695020e+00, v14  }
0x24b: {  	(xrf1) =	vsort.dscd.msk.f32 $0xffff, v31, v1;
	v35 =	vld [tilespmem:s25+$0x50];
	(erf) = vrcp.f32 v32  }
0x24c: {  	(xrf1) =	vsort.dscd.msk.f32 $0xffff, v33, v2;
	(erf) = vpow2.f32 v14  }
0x24d: {  	v37 =	vld [tilespmem:s25+$0x60]  }
0x24e: {  	(xrf1) =	vsort.dscd.msk.f32 $0xffff, v34, v0  }
0x24f: {  	v36, _, _ =	vpop (xrf0);
	(xrf1) =	vsort.dscd.msk.f32 $0xffff, v13, v3  }
0x250: {  	v39, v13, _ =	vpop (xrf1);
	v15 =	vbroadcast v36, $0xF;
	(xrf1) =	vsort.dscd.msk.f32 $0xffff, v35, v1  }
0x251: {  	v38 =	vld [tilespmem:s25+$0x40];
	(xrf0) =	vmax.scan.msk.f32 $0xffff, v39  }
0x252: {  	(xrf1) =	vsort.dscd.msk.f32 $0xffff, v37, v2;
	v15 =	vsub.f32 v29, v15;
	_ =	sdelay $0x1  }
0x253: {  	v15 =	vmul.f32 $1.442695020e+00, v15;
	v14 =	vpop (erf)  }
0x254: {  	v40 =	vpop (erf)  }
0x255: {  	(xrf1) =	vsort.dscd.msk.f32 $0xffff, v38, v0;
	(erf) = vpow2.f32 v15;
	v41 =	vnsel vm0, $0x0, v40  }
0x256: {  	v44, v43, _ =	vpop (xrf1);
	(xrf2) =	vadd.scan.msk.f32 $0xffff, v41  }
0x257: {  	v42, _, _ =	vpop (xrf0)  }
0x258: {  	v46, v45, _ =	vpop (xrf1);
	v16 =	vperm.xlane v44, v4;
	v19 =	vperm.xlane v43, v4  }
0x259: {  	v48, v47, _ =	vpop (xrf1)  }
0x25a: {  	v15 =	vbroadcast v42, $0xF;
	v16 =	vsel vm0, v48, v16  }
0x25b: {  	v51 =	vsel vm0, v47, v19;
	v49, v50, _ =	vpop (xrf1)  }
0x25c: {  	v22 =	vperm.xlane v46, v4;
	v15 =	vsub.f32 v39, v15;
	(xrf1) =	vsort.dscd.msk.f32 $0xffff, v16, v51;
	v19, v24, _ =	vpop (xrf1)  }
0x25d: {  	v23 =	vperm.xlane v45, v4;
	v16, v18, _ =	vpop (xrf1)  }
0x25e: {  	v52 =	vsel vm0, v49, v22;
	v15 =	vmul.f32 $1.442695020e+00, v15;
	v27 =	vpop (erf)  }
0x25f: {  	v53 =	vsel vm0, v50, v23;
	v19 =	vperm.xlane v19, v4;
	v54 =	vperm.xlane v24, v4;
	v58, v57, _ =	vpop (xrf1)  }
0x260: {  	(xrf1) =	vsort.dscd.msk.f32 $0xffff, v52, v53;
	(erf) = vpow2.f32 v15;
	v55, _, _ =	vpop (xrf2)  }
0x261: {  	v60 =	vsel vm0, v58, v19;
	v61 =	vsel vm0, v57, v54;
	v24 =	vbroadcast v55, $0xF  }
0x262: {  	v16 =	vperm.xlane v16, v4;
	v59 =	vperm.xlane v18, v4;
	v56 =	vnsel vm0, $0x0, v27;
	(xrf1) =	vsort.dscd.msk.f32 $0xffff, v60, v61  }
0x263: {  	v62, v63, _ =	vpop (xrf1);
	(xrf2) =	vadd.scan.msk.f32 $0xffff, v56;
	(erf) = vrcp.f32 v24  }
0x264: {  	v16 =	vsel vm0, v62, v16;
	v15 =	vsel vm0, v63, v59  }
0x265: {  	(xrf1) =	vsort.dscd.msk.f32 $0xffff, v16, v15;
	_ =	sdelay $0x4  }
0x266: {  	v29, v28, _ =	vpop (xrf1)  }
0x267: {  	v15 =	vpop (erf)  }
0x268: {  	v25 =	vpop (erf)  }
0x269: {  	v17 =	vperm.xlane v29, v4;
	v26, _, _ =	vpop (xrf2);
	v16 =	vmul.f32 v25, v40  }
0x26a: {  	v30 =	vperm.xlane v28, v4;
	v32, v31, _ =	vpop (xrf1);
	v18 =	vbroadcast v26, $0xF  }
0x26b: {  	v17 =	vsel vm0, v32, v17;
	[tilespmem:s13+$0xFFFFFFF8] =	vst.msk $0xff, v16  }
0x26c: {  	(erf) = vrcp.f32 v18;
	v16 =	vsel vm0, v31, v30;
	[tilespmem:s12+$0xFFFFFFF8] =	vst.msk $0xff, v21  }
0x26d: {  	v33, v34, _ =	vpop (xrf1);
	v21 =	vld [tilespmem:s31+$0x30]  }
0x26e: {  	v19 =	vperm.xlane v34, v4;
	v18 =	vperm.xlane v33, v4;
	v35 =	vld [tilespmem:s31+$0x10]  }
0x26f: {  	(xrf1) =	vsort.dscd.msk.f32 $0xffff, v17, v16;
	v36 =	vld [tilespmem:s31+$0x20];
	v16, v17, _ =	vpop (xrf1)  }
0x270: {  	v16 =	vsel vm0, v16, v18;
	v17 =	vsel vm0, v17, v19  }
0x271: {  	v37 =	vld [tilespmem:s31+$0x0];
	(xrf1) =	vsort.dscd.msk.f32 $0xffff, v16, v17  }
0x272: {  	(xrf1) =	vsort.dscd.msk.f32 $0xffff, v21, v3  }
0x273: {  	(xrf1) =	vsort.dscd.msk.f32 $0xffff, v35, v1  }
0x274: {  	(xrf1) =	vsort.dscd.msk.f32 $0xffff, v36, v2  }
0x275: {  	v38 =	vpop (erf)  }
0x276: {  	v17 =	vmul.f32 v38, v27;
	(xrf1) =	vsort.dscd.msk.f32 $0xffff, v37, v0;
	_ =	sdelay $0x1  }
0x277: {  	[tilespmem:s1+$0xFFFFFE00] =	vst.msk $0xff, v17  }
0x278: {  	[tilespmem:s0+$0xFFFFFE00] =	vst.msk $0xff, v20  }
0x279: {  	v17 =	vld [tilespmem:s26+$0x70]  }
0x27a: {  	v39 =	vld [tilespmem:s26+$0x50]  }
0x27b: {  	v40 =	vnsel vm0, $0x0, v15;
	v41 =	vld [tilespmem:s26+$0x60]  }
0x27c: {  	(xrf2) =	vadd.scan.msk.f32 $0xffff, v40;
	v20 =	vld [tilespmem:s26+$0x40];
	v42, v22, _ =	vpop (xrf1)  }
0x27d: {  	(xrf0) =	vmax.scan.msk.f32 $0xffff, v42  }
0x27e: {  	(xrf1) =	vsort.dscd.msk.f32 $0xffff, v17, v3;
	v43, v16, _ =	vpop (xrf1)  }
0x27f: {  	(xrf1) =	vsort.dscd.msk.f32 $0xffff, v39, v1;
	v44, v45, _ =	vpop (xrf1)  }
0x280: {  	(xrf1) =	vsort.dscd.msk.f32 $0xffff, v41, v2;
	v17 =	vperm.xlane v44, v4;
	v18 =	vperm.xlane v45, v4;
	v47, v46, _ =	vpop (xrf1)  }
0x281: {  	(xrf1) =	vsort.dscd.msk.f32 $0xffff, v20, v0;
	v19 =	vperm.xlane v47, v4;
	v49, v48, _ =	vpop (xrf1)  }
0x282: {  	v24 =	vperm.xlane v46, v4;
	v17 =	vsel vm0, v49, v17;
	v18 =	vsel vm0, v48, v18  }
0x283: {  	v50, v51, _ =	vpop (xrf1);
	(xrf1) =	vsort.dscd.msk.f32 $0xffff, v17, v18  }
0x284: {  	v52, _, _ =	vpop (xrf0);
	v53 =	vsel vm0, v50, v19;
	v54 =	vsel vm0, v51, v24  }
0x285: {  	v17 =	vbroadcast v52, $0xF;
	(xrf1) =	vsort.dscd.msk.f32 $0xffff, v53, v54  }
0x286: {  	v55, _, _ =	vpop (xrf2);
	(xrf0) =	vmax.scan.msk.f32 $0xffff, v43  }
0x287: {  	v18 =	vbroadcast v55, $0xF;
	v17 =	vsub.f32 v42, v17;
	_ =	sdelay $0x1  }
0x288: {  	(erf) = vrcp.f32 v18;
	v17 =	vmul.f32 $1.442695020e+00, v17;
	_ =	sdelay $0x1  }
0x289: {  	(erf) = vpow2.f32 v17  }
0x28a: {  	v56, _, _ =	vpop (xrf0)  }
0x28b: {  	v58, v57, _ =	vpop (xrf1)  }
0x28c: {  	v17 =	vbroadcast v56, $0xF;
	v59, v60, _ =	vpop (xrf1)  }
0x28d: {  	v18 =	vperm.xlane v58, v4;
	v24, v25, _ =	vpop (xrf1)  }
0x28e: {  	v19 =	vperm.xlane v57, v4;
	v23 =	vsub.f32 v43, v17;
	v61, v62, _ =	vpop (xrf1)  }
0x28f: {  	v20 =	vperm.xlane v59, v4;
	v21 =	vperm.xlane v60, v4;
	v18 =	vsel vm0, v24, v18;
	v63, v28, _ =	vpop (xrf1)  }
0x290: {  	v17 =	vpop (erf);
	v19 =	vsel vm0, v25, v19;
	v24 =	vperm.xlane v63, v4;
	v29 =	vperm.xlane v28, v4  }
0x291: {  	(xrf1) =	vsort.dscd.msk.f32 $0xffff, v18, v19;
	v30 =	vsel vm0, v61, v20;
	v31 =	vsel vm0, v62, v21;
	v32, v33, _ =	vpop (xrf1)  }
0x292: {  	v23 =	vmul.f32 $1.442695020e+00, v23;
	(xrf1) =	vsort.dscd.msk.f32 $0xffff, v30, v31;
	v34 =	vpop (erf);
	v35 =	vsel vm0, v32, v24;
	v36 =	vsel vm0, v33, v29  }
0x293: {  	v37 =	vnsel vm0, $0x0, v34;
	(xrf1) =	vsort.dscd.msk.f32 $0xffff, v35, v36  }
0x294: {  	(erf) = vpow2.f32 v23;
	(xrf2) =	vadd.scan.msk.f32 $0xffff, v37;
	_ =	sdelay $0x8  }
0x295: {  	v18 =	vpop (erf)  }
0x296: {  	v38, _, _ =	vpop (xrf2)  }
0x297: {  	v40, v39, _ =	vpop (xrf1);
	v19 =	vbroadcast v38, $0xF  }
0x298: {  	v41 =	vnsel vm0, $0x0, v18;
	v42, v43, _ =	vpop (xrf1)  }
0x299: {  	(xrf2) =	vadd.scan.msk.f32 $0xffff, v41;
	(erf) = vrcp.f32 v19;
	v45, v44, _ =	vpop (xrf1)  }
0x29a: {  	(xrf0) =	vmax.scan.msk.f32 $0xffff, v45;
	_ =	sdelay $0x1  }
0x29b: {  	v20 =	vperm.xlane v40, v4;
	v21 =	vperm.xlane v39, v4;
	_ =	sdelay $0x1  }
0x29c: {  	v20 =	vsel vm0, v42, v20;
	v21 =	vsel vm0, v43, v21  }
0x29d: {  	(xrf1) =	vsort.dscd.msk.f32 $0xffff, v20, v21  }
0x29e: {  	v46, _, _ =	vpop (xrf0)  }
0x29f: {  	v20 =	vbroadcast v46, $0xF  }
0x2a0: {  	v47 =	vpop (erf)  }
0x2a1: {  	v48, _, _ =	vpop (xrf2);
	v21 =	vmul.f32 v47, v34;
	v19 =	vsub.f32 v45, v20  }
0x2a2: {  	v49 =	vbroadcast v48, $0xF  }
0x2a3: {  	[tilespmem:s10+$0xFFFFFE00] =	vst.msk $0xff, v21;
	v19 =	vmul.f32 $1.442695020e+00, v19  }
0x2a4: {  	(erf) = vrcp.f32 v49;
	[tilespmem:s11+$0xFFFFFE00] =	vst.msk $0xff, v22  }
0x2a5: {  	v50 =	vld [tilespmem:s29+$0x70];
	(erf) = vpow2.f32 v19  }
0x2a6: {  	v51 =	vld [tilespmem:s29+$0x50];
	_ =	sdelay $0x1  }
0x2a7: {  	v21 =	vld [tilespmem:s29+$0x60];
	_ =	sdelay $0x1  }
0x2a8: {  	v22 =	vld [tilespmem:s29+$0x40];
	(xrf1) =	vsort.dscd.msk.f32 $0xffff, v50, v3  }
0x2a9: {  	v52, v24, _ =	vpop (xrf1);
	(xrf1) =	vsort.dscd.msk.f32 $0xffff, v51, v1  }
0x2aa: {  	(xrf0) =	vmax.scan.msk.f32 $0xffff, v52  }
0x2ab: {  	v19 =	vpop (erf);
	(xrf1) =	vsort.dscd.msk.f32 $0xffff, v21, v2  }
0x2ac: {  	v53 =	vpop (erf)  }
0x2ad: {  	(xrf1) =	vsort.dscd.msk.f32 $0xffff, v22, v0;
	v54 =	vnsel vm0, $0x0, v53  }
0x2ae: {  	(xrf2) =	vadd.scan.msk.f32 $0xffff, v54;
	_ =	sdelay $0x1  }
0x2af: {  	v55, _, _ =	vpop (xrf0)  }
0x2b0: {  	v22 =	vbroadcast v55, $0xF;
	_ =	sdelay $0x1  }
0x2b1: {  	v20 =	vsub.f32 v52, v22;
	_ =	sdelay $0x1  }
0x2b2: {  	v20 =	vmul.f32 $1.442695020e+00, v20  }
0x2b3: {  	v57, v56, _ =	vpop (xrf1)  }
0x2b4: {  	(erf) = vpow2.f32 v20;
	v59, v58, _ =	vpop (xrf1)  }
0x2b5: {  	v22 =	vperm.xlane v57, v4;
	v25 =	vperm.xlane v56, v4;
	v60, _, _ =	vpop (xrf2)  }
0x2b6: {  	v20 =	vperm.xlane v59, v4;
	v61, v29, _ =	vpop (xrf1);
	v27 =	vbroadcast v60, $0xF  }
0x2b7: {  	v26 =	vperm.xlane v58, v4;
	v22 =	vsel vm0, v61, v22;
	v25 =	vsel vm0, v29, v25  }
0x2b8: {  	v62, v63, _ =	vpop (xrf1);
	(xrf1) =	vsort.dscd.msk.f32 $0xffff, v22, v25;
	(erf) = vrcp.f32 v27  }
0x2b9: {  	v20 =	vsel vm0, v62, v20;
	v32 =	vsel vm0, v63, v26  }
0x2ba: {  	(xrf1) =	vsort.dscd.msk.f32 $0xffff, v20, v32;
	_ =	sdelay $0x5  }
0x2bb: {  	v33 =	vpop (erf)  }
0x2bc: {  	v34 =	vpop (erf)  }
0x2bd: {  	v21 =	vmul.f32 v34, v53;
	_ =	sdelay $0x1  }
0x2be: {  	[tilespmem:s13+$0xFFFFFE00] =	vst.msk $0xff, v21  }
0x2bf: {  	[tilespmem:s12+$0xFFFFFE00] =	vst.msk $0xff, v44  }
0x2c0: {  	v35, v22, _ =	vpop (xrf1);
	v23 =	vld [tilespmem:s31+$0x70]  }
0x2c1: {  	v21 =	vperm.xlane v35, v4;
	v22 =	vperm.xlane v22, v4;
	v36 =	vld [tilespmem:s31+$0x50]  }
0x2c2: {  	v38, v37, _ =	vpop (xrf1);
	v39 =	vld [tilespmem:s31+$0x60]  }
0x2c3: {  	v21 =	vsel vm0, v38, v21;
	v22 =	vsel vm0, v37, v22  }
0x2c4: {  	(xrf1) =	vsort.dscd.msk.f32 $0xffff, v21, v22  }
0x2c5: {  	(xrf1) =	vsort.dscd.msk.f32 $0xffff, v23, v3  }
0x2c6: {  	(xrf1) =	vsort.dscd.msk.f32 $0xffff, v36, v1  }
0x2c7: {  	v40 =	vld [tilespmem:s31+$0x40];
	(xrf1) =	vsort.dscd.msk.f32 $0xffff, v39, v2;
	_ =	sdelay $0x4  }
0x2c8: {  	(xrf1) =	vsort.dscd.msk.f32 $0xffff, v40, v0;
	_ =	sdelay $0x5  }
0x2c9: {  	v41, v22, _ =	vpop (xrf1)  }
0x2ca: {  	v23, v42, _ =	vpop (xrf1)  }
0x2cb: {  	v43, v44, _ =	vpop (xrf1);
	v25 =	vperm.xlane v42, v4  }
0x2cc: {  	v23 =	vperm.xlane v23, v4;
	v28, v45, _ =	vpop (xrf1)  }
0x2cd: {  	v25 =	vsel vm0, v45, v25  }
0x2ce: {  	v23 =	vsel vm0, v28, v23;
	_ =	sdelay $0x1  }
0x2cf: {  	v26 =	vperm.xlane v43, v4;
	v27 =	vperm.xlane v44, v4  }
0x2d0: {  	(xrf1) =	vsort.dscd.msk.f32 $0xffff, v23, v25;
	v23, v25, _ =	vpop (xrf1)  }
0x2d1: {  	v23 =	vsel vm0, v23, v26;
	v25 =	vsel vm0, v25, v27  }
0x2d2: {  	(xrf1) =	vsort.dscd.msk.f32 $0xffff, v23, v25;
	_ =	sdelay $0x2  }
0x2d3: {  	v46 =	vnsel vm0, $0x0, v33  }
0x2d4: {  	(xrf2) =	vadd.scan.msk.f32 $0xffff, v46  }
0x2d5: {  	(xrf0) =	vmax.scan.msk.f32 $0xffff, v41;
	_ =	sdelay $0x5  }
0x2d6: {  	v47, _, _ =	vpop (xrf0)  }
0x2d7: {  	v23 =	vbroadcast v47, $0xF;
	v49, v48, _ =	vpop (xrf1)  }
0x2d8: {  	v25 =	vperm.xlane v49, v4;
	v26 =	vperm.xlane v48, v4  }
0x2d9: {  	v51, v50, _ =	vpop (xrf1)  }
0x2da: {  	v52, _, _ =	vpop (xrf2);
	v21 =	vsub.f32 v41, v23;
	v25 =	vsel vm0, v51, v25;
	v26 =	vsel vm0, v50, v26  }
0x2db: {  	v23 =	vbroadcast v52, $0xF;
	(xrf1) =	vsort.dscd.msk.f32 $0xffff, v25, v26  }
0x2dc: {  	v21 =	vmul.f32 $1.442695020e+00, v21  }
0x2dd: {  	(erf) = vrcp.f32 v23  }
0x2de: {  	(erf) = vpow2.f32 v21;
	_ =	sdelay $0x7  }
0x2df: {  	v53 =	vpop (erf)  }
0x2e0: {  	v54 =	vpop (erf)  }
0x2e1: {  	v55 =	vnsel vm0, $0x0, v54  }
0x2e2: {  	(xrf2) =	vadd.scan.msk.f32 $0xffff, v55;
	v56, v26, _ =	vpop (xrf1)  }
0x2e3: {  	(xrf0) =	vmax.scan.msk.f32 $0xffff, v56;
	_ =	sdelay $0x5  }
0x2e4: {  	v57, _, _ =	vpop (xrf0)  }
0x2e5: {  	v27 =	vbroadcast v57, $0xF;
	_ =	sdelay $0x1  }
0x2e6: {  	v58, _, _ =	vpop (xrf2);
	v25 =	vsub.f32 v56, v27  }
0x2e7: {  	v59 =	vbroadcast v58, $0xF  }
0x2e8: {  	v25 =	vmul.f32 $1.442695020e+00, v25  }
0x2e9: {  	(erf) = vrcp.f32 v59  }
0x2ea: {  	(erf) = vpow2.f32 v25;
	_ =	sdelay $0x7  }
0x2eb: {  	v60 =	vpop (erf)  }
0x2ec: {  	v61 =	vpop (erf)  }
0x2ed: {  	v62 =	vnsel vm0, $0x0, v61  }
0x2ee: {  	(xrf2) =	vadd.scan.msk.f32 $0xffff, v62;
	_ =	sdelay $0x8  }
0x2ef: {  	v6 =	vmul.f32 v8, v6  }
0x2f0: {  	v63, _, _ =	vpop (xrf2)  }
0x2f1: {  	[tilespmem:s15+$0x0] =	vst.msk $0xff, v6;
	v6 =	vmul.f32 v11, v9;
	v8 =	vbroadcast v63, $0xF  }
0x2f2: {  	[tilespmem:s16+$0x0] =	vst.msk $0xff, v5  }
0x2f3: {  	[tilespmem:s17+$0x0] =	vst.msk $0xff, v6;
	v5 =	vmul.f32 v14, v12;
	(erf) = vrcp.f32 v8  }
0x2f4: {  	[tilespmem:s18+$0x0] =	vst.msk $0xff, v7  }
0x2f5: {  	[tilespmem:s19+$0x0] =	vst.msk $0xff, v5;
	v5 =	vmul.f32 v17, v15  }
0x2f6: {  	[tilespmem:s20+$0x0] =	vst.msk $0xff, v10  }
0x2f7: {  	[tilespmem:s21+$0x0] =	vst.msk $0xff, v5;
	v5 =	vmul.f32 v19, v18  }
0x2f8: {  	[tilespmem:s22+$0x0] =	vst.msk $0xff, v13  }
0x2f9: {  	[tilespmem:s23+$0x0] =	vst.msk $0xff, v5;
	v5 =	vmul.f32 v53, v33  }
0x2fa: {  	[tilespmem:s24+$0x0] =	vst.msk $0xff, v16  }
0x2fb: {  	[tilespmem:s1+$0x0] =	vst.msk $0xff, v5;
	v5 =	vmul.f32 v60, v54  }
0x2fc: {  	[tilespmem:s0+$0x0] =	vst.msk $0xff, v24;
	v6 =	vpop (erf)  }
0x2fd: {  	[tilespmem:s10+$0x0] =	vst.msk $0xff, v5;
	v5 =	vmul.f32 v6, v61  }
0x2fe: {  	[tilespmem:s11+$0x0] =	vst.msk $0xff, v22  }
0x2ff: {  	[tilespmem:s13+$0x0] =	vst.msk $0xff, v5  }
0x300: {  	s28 =	simm.s32 $0x2000;
	[tilespmem:s12+$0x0] =	vst.msk $0xff, v26  }
0x301: {  	[hbm4b:s4+s2] =	stream.linear.scatter [tilespmem:s28], [sflag:$0x1], $0x200, $0x38;
	[tilespmem:$0x2900] =	vst v63  }
0x302: {  	_ =	swait.ge [sflag:s9], $0x200  }
0x303: {  	[sflag:s9] =	ssyncset.done $0x0  }
0x304: {  	s29 =	simm.s32 $0x2480;
	[sflag:s9] =	ssyncadd.s32 $0xFFFFFE00  }
0x305: {  	[hbm4b:s5+s2] =	stream.linear.scatter [tilespmem:s29], [sflag:$0x1], $0x200, $0x38;
	[tilespmem:$0x2900] =	vst v63  }
0x306: {  	_ =	swait.ge [sflag:s9], $0x200  }
0x307: {  	[sflag:s9] =	ssyncset.done $0x0  }
0x308: {  	s30 =	simm.s32 $0x2200;
	[sflag:s9] =	ssyncadd.s32 $0xFFFFFE00  }
0x309: {  	[hbm4b:s6+s2] =	stream.linear.scatter [tilespmem:s30], [sflag:$0x1], $0x200, $0x38;
	[tilespmem:$0x2900] =	vst v63  }
0x30a: {  	s14 =	sadd.s32 $0x1, s14;
	_ =	swait.ge [sflag:s9], $0x200  }
0x30b: {  	p0 =	sne.s32 s14, s8;
	[sflag:s9] =	ssyncset.done $0x0  }
.Ltmp1:
0x30c: {  	s31 =	simm.s32 $0x2680;
	[sflag:s9] =	ssyncadd.s32 $0xFFFFFE00;
	(pc) =	sbr.rel @p0 .LBB2_1-.Ltmp1, $4  }
0x30d: {  	[hbm4b:s7+s2] =	stream.linear.scatter [tilespmem:s31], [sflag:$0x1], $0x200, $0x38;
	[tilespmem:$0x2900] =	vst v63  }
0x30e: {  	_ =	swait.ge [sflag:s9], $0x200  }
0x30f: {  	[sflag:s9] =	ssyncset.done $0x0  }
0x310: {  	[sflag:s9] =	ssyncadd.s32 $0xFFFFFE00  }
0x311: {  	_ =	sfence.sel $0x180000  }
0x312: {  	[bflag:$0x0] =	sbarrier.arrive $0xFFFF  }
0x313: {  	_ =	strace $0x90000047  }
0x314: {  	s0 =	stileid.u32;
	[bflag:$0x2] =	sbarrier.arrive $0xFFFF  }
0x315: {  	p0 =	sne.s32 s0, $0x0;
	s0 =	rddreg [dreg:$0x1]  }
0x316: {  	s0 =	sadd.s32 @!p0 $0x100000, s0  }
0x317: {  	[sflag:s0] =	ssyncadd.tile.s32 @!p0 $0x1;
	_ =	shalt  }
.Lfunc_end2:
_tile_overlayer_lowered:
.L_overlay_start_2:
0x318: {  	(tag) =	ssettag $0x2  }
0x319: {  	s0 =	rddreg [dreg:$0x0];
	s2 =	stileid.u32  }
0x31a: {  	s1 =	rddreg [dreg:$0x1];
	p0 =	sne.s32 s2, $0x0  }
0x31b: {  	s3 =	rddreg [dreg:$0x2];
	[bflag:$0x3] =	sbarrier.arrive $0xFFFF;
	s2 =	simm.s32 @!p0 $0x1C01  }
0x31c: {  	[timem:s3], [sflag:s2] =	dma.local @!p0 [hbm:s0], s1  }
0x31d: {  	s0 =	simm.s32 @!p0 $0x1  }
0x31e: {  	_ =	swait.ge @!p0 [sflag:s0], s1  }
0x31f: {  	s1 =	ssub.s32 @!p0 $0x0, s1;
	[sflag:s0] =	ssyncset.done @!p0 $0x0  }
0x320: {  	[sflag:s0] =	ssyncadd.s32 @!p0 s1  }
0x321: {  	[bflag:$0x3] =	sbarrier.arrive $0xFFFF  }
0x322: {  	_ =	shalt  }

// kernel: kernel.9.cloned.1.call-start
scs
__scs_entry_jumppad:
0x0: {  	(pc) =	sbr.rel $0x88, $3  }
0x1: {  	(tag) =	ssettag $0x0;
	lr =	simm.s32 $0x1  }
0x2: {  	[smem:$0x3F9F] =	sst lr;
	_ =	strace $0xD0000000  }
0x3: {  	_ = 	snop  }
0x4: {  	_ = 	snop  }
0x5: {  	_ = 	snop  }
0x6: {  	_ = 	snop  }
0x7: {  	_ = 	snop  }
__scs_overlays_trampoline_lowered:
0x8: {  	[smem:$0x3FAE] =	sst s0  }
0x9: {  	[smem:$0x3FAF] =	sst s1  }
0xa: {  	[smem:$0x3FB0] =	sst s2  }
0xb: {  	[smem:$0x3FB1] =	sst s3  }
0xc: {  	[smem:$0x3FB2] =	sst s4  }
0xd: {  	[smem:$0x3FB3] =	sst s5  }
0xe: {  	[smem:$0x3FB4] =	sst s6  }
0xf: {  	[smem:$0x3FB5] =	sst s7  }
0x10: {  	[smem:$0x3FB6] =	sst s8  }
0x11: {  	[smem:$0x3FB7] =	sst s9;
	s0 =	simm.s32 @!p0 $0x0  }
0x12: {  	s1 =	sld [smem:$0x3F9D];
	s0 =	simm.s32 @p0 $0x1  }
0x13: {  	[smem:$0x3FB8] =	sst s0;
	s0 =	simm.s32 @!p1 $0x0  }
0x14: {  	s2 =	sld [smem:$0x3F9C];
	s0 =	simm.s32 @p1 $0x1  }
0x15: {  	[smem:$0x3FB9] =	sst s0;
	s0 =	simm.s32 @!p2 $0x0  }
0x16: {  	s3 =	sld [smem:$0x3FDB];
	s0 =	simm.s32 @p2 $0x1  }
0x17: {  	s4 =	simm.s32 $0x1BF5;
	[smem:$0x3FBB] =	sst s0  }
0x18: {  	s0 =	sld [smem:$0x3F9E];
	_ =	swait.ge [sflag:s4], $0x0  }
0x19: {  	s7 =	sld [smem:$0x3F9F]  }
0x1a: {  	s8 =	sadd.s32 $0xFFFFE003, lr  }
0x1b: {  	s9 =	sadd.s32 $0xFFFFFEF7, lr;
	s5 =	simm.s32 $0xFFFFFFFF;
	p2 =	slt.u32 s8, $0xFFFFF086  }
0x1c: {  	p1 =	slt.u32 s9, $0xF7A;
	s5 =	simm.s32 @!p2 $0x0  }
0x1d: {  	s5 =	simm.s32 @p1 $0x1;
	p0 =	seq.s32 s7, s2  }
0x1e: {  	s7 =	smul.u32 @!p0 $0xF7A, s2;
	p2 =	seq.s32 @!p0 s5, $0x0  }
0x1f: {  	s9 =	smul.u32 $0xF7A, s1;
	s8 =	simm.s32 @!p0 $0x1BF5;
	p2 =	por !p2, p0  }
0x20: {  	[sflag:s8] =	ssyncset.s32 @!p0 $0xFFFFF086;
	s6 =	sadd.s32 @!p0 s3, s7;
	s7 =	simm.s32 @!p0 $0x108  }
0x21: {  	s3 =	sadd.s32 s3, s9;
	s6 =	sadd.s32 @!p0 $0x88, s6;
	s7 =	simm.s32 @p2 $0x1082  }
0x22: {  	[simem:s7], [sflag:s8] =	dma.local @!p0 [hbm:s6], $0xF7A  }
0x23: {  	s9 =	sor.u32 $0xD0000000, s2;
	s6 =	simm.s32 $0x108;
	_ =	swait.ge @!p0 [sflag:s8], $0x0  }
0x24: {  	s3 =	sadd.s32 $0x88, s3;
	s6 =	simm.s32 @!p1 $0x1082;
	[sflag:s4] =	ssyncset.s32 $0xFFFFF086  }
0x25: {  	[simem:s6], [sflag:s4] =	dma.local [hbm:s3], $0xF7A  }
0x26: {  	[smem:$0x3F9F] =	sst s1;
	(tag) =	ssettag s2;
	_ =	strace s9  }
0x27: {  	s1 =	sld [smem:$0x3FAF]  }
0x28: {  	s2 =	sld [smem:$0x3FB0]  }
0x29: {  	s4 =	sld [smem:$0x3FB2]  }
0x2a: {  	p0 =	seq.s32 s5, $0x0;
	s5 =	sld [smem:$0x3FB3]  }
0x2b: {  	s6 =	sld [smem:$0x3FB4]  }
0x2c: {  	s7 =	sld [smem:$0x3FB5]  }
0x2d: {  	s3 =	simm.s32 $0x108;
	s8 =	sld [smem:$0x3FB6]  }
0x2e: {  	s3 =	simm.s32 @!p0 $0x1082;
	s9 =	sld [smem:$0x3FB7]  }
0x2f: {  	lr =	sadd.s32 s0, s3;
	s0 =	sld [smem:$0x3FAE]  }
0x30: {  	s3 =	sld [smem:$0x3FB1]  }
0x31: {  	[smem:$0x3FBA] =	sst s10  }
0x32: {  	s10 =	sld [smem:$0x3FB8];
	_ =	sdelay $0x3  }
0x33: {  	p0 =	seq.s32 s10, $0x1;
	s10 =	sld [smem:$0x3FBA];
	_ =	sdelay $0x3  }
0x34: {  	[smem:$0x3FBA] =	sst s10  }
0x35: {  	s10 =	sld [smem:$0x3FB9];
	_ =	sdelay $0x3  }
0x36: {  	p1 =	seq.s32 s10, $0x1;
	s10 =	sld [smem:$0x3FBA];
	_ =	sdelay $0x3  }
0x37: {  	[smem:$0x3FBA] =	sst s10  }
0x38: {  	s10 =	sld [smem:$0x3FBB]  }
0x39: {  	_ = 	snop;
	(pc) =	sbr.ind lr, $3  }
0x3a: {  	_ = 	snop  }
0x3b: {  	_ = 	snop  }
0x3c: {  	p2 =	seq.s32 s10, $0x1;
	s10 =	sld [smem:$0x3FBA]  }
0x3d: {  	_ =	shalt  }
0x3e: {  	_ =	shalt  }
0x3f: {  	_ =	shalt  }
0x40: {  	_ =	shalt  }
0x41: {  	_ =	shalt  }
0x42: {  	_ =	shalt  }
0x43: {  	_ =	shalt  }
0x44: {  	_ =	shalt  }
0x45: {  	_ =	shalt  }
0x46: {  	_ =	shalt  }
0x47: {  	_ =	shalt  }
0x48: {  	_ =	shalt  }
0x49: {  	_ =	shalt  }
0x4a: {  	_ =	shalt  }
0x4b: {  	_ =	shalt  }
0x4c: {  	_ =	shalt  }
0x4d: {  	_ =	shalt  }
0x4e: {  	_ =	shalt  }
0x4f: {  	_ =	shalt  }
0x50: {  	_ =	shalt  }
0x51: {  	_ =	shalt  }
0x52: {  	_ =	shalt  }
0x53: {  	_ =	shalt  }
0x54: {  	_ =	shalt  }
0x55: {  	_ =	shalt  }
0x56: {  	_ =	shalt  }
0x57: {  	_ =	shalt  }
0x58: {  	_ =	shalt  }
0x59: {  	_ =	shalt  }
0x5a: {  	_ =	shalt  }
0x5b: {  	_ =	shalt  }
0x5c: {  	_ =	shalt  }
0x5d: {  	_ =	shalt  }
0x5e: {  	_ =	shalt  }
0x5f: {  	_ =	shalt  }
0x60: {  	_ =	shalt  }
0x61: {  	_ =	shalt  }
0x62: {  	_ =	shalt  }
0x63: {  	_ =	shalt  }
0x64: {  	_ =	shalt  }
0x65: {  	_ =	shalt  }
0x66: {  	_ =	shalt  }
0x67: {  	_ =	shalt  }
0x68: {  	_ =	shalt  }
0x69: {  	_ =	shalt  }
0x6a: {  	_ =	shalt  }
0x6b: {  	_ =	shalt  }
0x6c: {  	_ =	shalt  }
0x6d: {  	_ =	shalt  }
0x6e: {  	_ =	shalt  }
0x6f: {  	_ =	shalt  }
0x70: {  	_ =	shalt  }
0x71: {  	_ =	shalt  }
0x72: {  	_ =	shalt  }
0x73: {  	_ =	shalt  }
0x74: {  	_ =	shalt  }
0x75: {  	_ =	shalt  }
0x76: {  	_ =	shalt  }
0x77: {  	_ =	shalt  }
0x78: {  	_ =	shalt  }
0x79: {  	_ =	shalt  }
0x7a: {  	_ =	shalt  }
0x7b: {  	_ =	shalt  }
0x7c: {  	_ =	shalt  }
0x7d: {  	_ =	shalt  }
0x7e: {  	_ =	shalt  }
0x7f: {  	_ =	shalt  }
0x80: {  	_ =	shalt  }
0x81: {  	_ =	shalt  }
0x82: {  	_ =	shalt  }
0x83: {  	_ =	shalt  }
0x84: {  	_ =	shalt  }
0x85: {  	_ =	shalt  }
0x86: {  	_ =	shalt  }
0x87: {  	_ =	shalt  }
.Lfunc_end0:
.L_simem_size_0:
called_computation.1_lowered:
.L_overlay_start_0:
0x88: {  	s2 =	sld [smem:$0x3FD9]  }
0x89: {  	s3 =	sld [smem:$0x3FFE];
	_ =	sdelay $0x1  }
0x8a: {  	s1 =	srdreg.scid  }
0x8b: {  	s0 =	sand.u32 $0x1, s1  }
0x8c: {  	s15 =	sshll.u32 s0, $0xA;
	s2 =	sadd.s32 s3, s2  }
0x8d: {  	s2 =	sadd.s32 s2, s15  }
0x8e: {  	[smem:$0x3FC6] =	sst s2  }
0x8f: {  	_ = 	snop  }
0x90: {  	s2 =	sld [smem:$0x3FD0];
	_ =	sdelay $0x2  }
0x91: {  	s4 =	simm.s32 $0xB;
	s16 =	simm.s32 $0x10  }
0x92: {  	[smem:s16], [sflag:s4] =	dma.local [hbm:s2], $0x1  }
0x93: {  	_ =	swait.eq [sflag:s4], $0x1  }
0x94: {  	[sflag:s4] =	ssyncset.done $0x0  }
0x95: {  	s17 =	sld [smem:$0x10];
	[sflag:s4] =	ssyncadd.s32 $0xFFFFFFFF  }
0x96: {  	s18 =	sld [smem:$0x11];
	(tm) =	ssettm $0x1  }
0x97: {  	s19 =	sld [smem:$0x3FFB];
	_ =	sdelay $0x3  }
0x98: {  	_ =	strace s19  }
0x99: {  	s2 =	sld [smem:$0x3FFC];
	_ =	sdelay $0x3  }
0x9a: {  	_ =	strace s2  }
0x9b: {  	s2 =	sld [smem:$0x3FFD];
	_ =	sdelay $0x3  }
0x9c: {  	_ =	strace s2  }
0x9d: {  	_ =	strace $0x8FFFFFFF  }
0x9e: {  	s20 =	sld [smem:$0x3FDB];
	_ =	sdelay $0x1  }
0x9f: {  	s5 =	simm.s32 $_scs_section_size  }
0xa0: {  	s6 =	simm.s32 $_size__tile_overlayer_lowered;
	s7 =	simm.s32 $_tile_overlayer_lowered  }
0xa1: {  	s8 =	simm.s32 $0x1BFF;
	s21 =	sshll.u32 s7, $0x1;
	s5 =	sadd.s32 s5, s20  }
0xa2: {  	s22 =	simm.s32 $0x0;
	s6 =	sshll.u32 s6, $0x1;
	s7 =	sadd.s32 s21, s5  }
0xa3: {  	[timem:s22], [sflag:s8] =	dma.local [hbm:s7], s6  }
0xa4: {  	_ =	swait.ge [sflag:s8], s6  }
0xa5: {  	s6 =	ssub.s32 $0x0, s6;
	[sflag:s8] =	ssyncset.done $0x0  }
0xa6: {  	[sflag:s8] =	ssyncadd.s32 s6;
	_ =	sdelay $0x1  }
0xa7: {  	s23 =	simm.s32 $0x1B8B  }
0xa8: {  	_ =	swait.ge [sflag:s23], $0x1  }
0xa9: {  	[sflag:s23] =	ssyncset.done $0x0  }
0xaa: {  	[sflag:s23] =	ssyncadd.s32 $0xFFFFFFFF  }
0xab: {  	s6 =	sld [smem:$0x0]  }
0xac: {  	s7 =	sand.u32 $0xFFFFFFFE, s1  }
0xad: {  	p0 =	sne.s32 s1, s7  }
0xae: {  	s7 =	sshll.u32 @p0 s7, $0xE  }
0xaf: {  	s7 =	sadd.s32 @p0 $0x11B8D, s7;
	s8 =	sshll.u32 @p0 s6, $0x11  }
0xb0: {  	s7 =	sor.u32 @p0 s8, s7  }
0xb1: {  	[sflag:s7] =	ssyncadd.remote.s32 @p0 $0x1;
	_ =	sdelay $0x1  }
0xb2: {  	s7 =	simm.s32 @p0 $0x1B8D  }
0xb3: {  	_ =	swait.eq @p0 [sflag:s7], $0x1  }
0xb4: {  	[sflag:s7] =	ssyncadd.s32 @p0 $0xFFFFFFFF  }
0xb5: {  	s8 =	sshll.u32 @!p0 s1, $0xE  }
0xb6: {  	s8 =	sor.u32 @!p0 $0x4000, s8;
	s7 =	simm.s32 @!p0 $0x1B8D  }
0xb7: {  	s6 =	sshll.u32 @!p0 s6, $0x11;
	s8 =	sadd.s32 @!p0 $0x11B8D, s8;
	_ =	swait.eq @!p0 [sflag:s7], $0x1  }
0xb8: {  	s6 =	sor.u32 @!p0 s6, s8;
	[sflag:s7] =	ssyncadd.s32 @!p0 $0xFFFFFFFF  }
0xb9: {  	s25 =	simm.s32 $0x1B8E;
	s24 =	sld [smem:$0x3FFE];
	[sflag:s6] =	ssyncadd.remote.s32 @!p0 $0x1  }
0xba: {  	s26 =	simm.s32 $execute0_lowered;
	[smem:$0x3FD2] =	sst s25  }
0xbb: {  	s7 =	sshll.u32 s26, $0x1;
	_ =	strace $0x80000049;
	[dreg:$0x1] =	wrdreg $0xFFFFFFFF  }
0xbc: {  	s28 =	simm.s32 $_size_execute0_lowered;
	s5 =	sadd.s32 s5, s7;
	[dreg:$0x0] =	wrdreg $0x0  }
0xbd: {  	s7 =	sshll.u32 s28, $0x1;
	[dreg:$0x2] =	wrdreg s5  }
0xbe: {  	[dreg:$0x3] =	wrdreg s7  }
0xbf: {  	[dreg:$0x4] =	wrdreg $0xC0  }
0xc0: {  	_ =	task [dreg:s22], $0x5FFFF  }
0xc1: {  	[dreg:$0x1] =	wrdreg $0xFFFFFFFF  }
0xc2: {  	[dreg:$0x0] =	wrdreg $0x60  }
0xc3: {  	[dreg:$0x2] =	wrdreg s24  }
0xc4: {  	[dreg:$0x3] =	wrdreg s18  }
0xc5: {  	[dreg:$0x4] =	wrdreg s17  }
0xc6: {  	[dreg:$0x5] =	wrdreg $0xA  }
0xc7: {  	_ =	task.clear_ibuf [dreg:s22], $0x6FFFF;
	_ =	strace $0x90000049  }
0xc8: {  	s29 =	simm.s32 $0xA;
	_ =	strace $0x8000004B  }
0xc9: {  	_ =	swait.ge [sflag:s29], $0x1  }
0xca: {  	[sflag:s29] =	ssyncadd.s32 $0xFFFFFFFF  }
0xcb: {  	_ =	strace $0x9000004B  }
0xcc: {  	_ =	sfence  }
0xcd: {  	s30 =	sld [smem:$0x0];
	_ =	sdelay $0x2  }
0xce: {  	s31 =	sshll.u32 s1, $0xD;
	s1 =	sshrl.u32 s1, $0x2  }
0xcf: {  	s4 =	sand.u32 $0x4000, s31;
	s1 =	sadd.s32 s1, s30  }
0xd0: {  	s0 =	sor.u32 s4, s0;
	s1 =	sshll.u32 s1, $0x11  }
0xd1: {  	s0 =	sor.u32 s1, s0  }
0xd2: {  	s0 =	sadd.s32 $0x8F2B, s0  }
0xd3: {  	[sflag:s0] =	ssyncadd.remote.s32 $0x1  }
0xd4: {  	_ =	sfence.sel $0xFFFF  }
0xd5: {  	[dreg:$0x0] =	wrdreg $0xFFFFFFFF;
	(pc) =	sbr.abs _section_cstart, $3  }
0xd6: {  	[dreg:$0x1] =	wrdreg $0xFFFFFFFF  }
0xd7: {  	_ =	task.clear_ibuf [dreg:s22], $0x2FFFF;
	_ =	strace $0x9FFFFFFF  }
0xd8: {  	(tm) =	ssettm $0x7FFFFFFF  }
0xd9: {  	_ =	shalt  }
tec
execute0_lowered:
.L_overlay_start_1:
0x0: {  	(tag) =	ssettag $0x1  }
0x1: {  	s0 =	rddreg [dreg:$0x0]  }
0x2: {  	s1 =	rddreg [dreg:$0x1]  }
0x3: {  	s7 =	rddreg [dreg:$0x2]  }
0x4: {  	s3 =	srdreg.scid;
	s6 =	stileid.u32;
	s2 =	simm.s32 $0x0  }
0x5: {  	s14 =	simm.s32 $0x0;
	s3 =	sand.u32 $0x1, s3;
	s4 =	sshll.u32 s6, $0x1  }
0x6: {  	[smem:$0x7FF] =	sst s2;
	s6 =	sshrl.u32 s6, $0x2;
	s4 =	sor.u32 s3, s4  }
0x7: {  	_ =	strace $0x8000004A;
	s3 =	ssub.s32 $0x2, s3;
	s8 =	sshll.u32 s6, $0x9  }
0x8: {  	s6 =	sshll.u32 s6, $0xA;
	s5 =	sshll.u32 s4, $0xA;
	s4 =	sshll.u32 s4, $0x6  }
0x9: {  	s9 =	sshrl.u32 s3, $0x1;
	s4 =	ssub.s32 s4, s8;
	s0 =	sadd.s32 s5, s0  }
0xa: {  	v0 =	vlaneseq.u32;
	s29 =	ssub.s32 s3, s9;
	s9 =	simm.s32 $0x1;
	s4 =	sadd.s32 s6, s4  }
0xb: {  	v4 =	vmul.u32 $0xFFFFFFFF, v0;
	s3 =	sadd.s32 $0xBA00, s0;
	s30 =	sand.u32 $0x1FFFFFC0, s4;
	s6 =	sadd.s32 $0x200, s4  }
0xc: {  	vm0 =	vmmov $0xff;
	v1 =	vor.u32 $0x10, v0;
	s8 =	smax.u32 s29, $0x1;
	s4 =	sadd.s32 s1, s30;
	s31 =	sand.u32 $0x1FFFFFC0, s6  }
0xd: {  	v2 =	vor.u32 $0x20, v0;
	v3 =	vor.u32 $0x30, v0;
	v4 =	vadd.s32 $0xF, v4;
	s5 =	sadd.s32 s7, s30;
	s6 =	sadd.s32 s1, s31;
	s7 =	sadd.s32 s7, s31  }
.LBB2_1:
0xe: {  	[tilespmem:s2], [sflag:$0x1] =	stream.linear.gather [hbm4b:s3+s2], $0x2000, $0x38;
	[tilespmem:$0x2900] =	vst v63  }
0xf: {  	_ =	swait.ge [sflag:s9], $0x2000  }
0x10: {  	[sflag:s9] =	ssyncset.done $0x0  }
0x11: {  	s1 =	simm.s32 $0x80;
	[sflag:s9] =	ssyncadd.s32 $0xFFFFE000  }
0x12: {  	v5 =	vld [tilespmem:s1+$0xFFFFFF80]  }
0x13: {  	v6 =	vld [tilespmem:s1+$0xFFFFFF90];
	_ =	sdelay $0x3  }
0x14: {  	v7 =	vld [tilespmem:s1+$0xFFFFFFB0];
	(xrf1) =	vsort.dscd.msk.f32 $0xffff, v5, v0  }
0x15: {  	(xrf1) =	vsort.dscd.msk.f32 $0xffff, v6, v1  }
0x16: {  	v8 =	vld [tilespmem:s1+$0xFFFFFFA0];
	_ =	sdelay $0x2  }
0x17: {  	(xrf1) =	vsort.dscd.msk.f32 $0xffff, v7, v3;
	_ =	sdelay $0x1  }
0x18: {  	(xrf1) =	vsort.dscd.msk.f32 $0xffff, v8, v2;
	_ =	sdelay $0x6  }
0x19: {  	v5, v6, _ =	vpop (xrf1)  }
0x1a: {  	v7, v8, _ =	vpop (xrf1)  }
0x1b: {  	v8 =	vperm.xlane v8, v4  }
0x1c: {  	v7 =	vperm.xlane v7, v4;
	_ =	sdelay $0x1  }
0x1d: {  	v9, v10, _ =	vpop (xrf1)  }
0x1e: {  	v9 =	vperm.xlane v9, v4;
	v10 =	vperm.xlane v10, v4  }
0x1f: {  	v5 =	vsel vm0, v5, v7;
	v6 =	vsel vm0, v6, v8;
	v7, v8, _ =	vpop (xrf1)  }
0x20: {  	(xrf1) =	vsort.dscd.msk.f32 $0xffff, v5, v6;
	v7 =	vsel vm0, v7, v9;
	v8 =	vsel vm0, v8, v10  }
0x21: {  	(xrf1) =	vsort.dscd.msk.f32 $0xffff, v7, v8;
	_ =	sdelay $0xa  }
0x22: {  	s0 =	simm.s32 $0x180  }
0x23: {  	v5 =	vld [tilespmem:s0+$0xFFFFFF80]  }
0x24: {  	v6, v7, _ =	vpop (xrf1)  }
0x25: {  	v8, v9, _ =	vpop (xrf1)  }
0x26: {  	v8 =	vperm.xlane v8, v4;
	v9 =	vperm.xlane v9, v4;
	_ =	sdelay $0x1  }
0x27: {  	(xrf1) =	vsort.dscd.msk.f32 $0xffff, v5, v0;
	v5 =	vsel vm0, v6, v8;
	v6 =	vsel vm0, v7, v9  }
0x28: {  	(xrf1) =	vsort.dscd.msk.f32 $0xffff, v5, v6;
	_ =	sdelay $0x6  }
0x29: {  	v5 =	vld [tilespmem:s0+$0xFFFFFF90];
	_ =	sdelay $0x1  }
0x2a: {  	v6 =	vld [tilespmem:s0+$0xFFFFFFB0];
	_ =	sdelay $0x2  }
0x2b: {  	(xrf1) =	vsort.dscd.msk.f32 $0xffff, v5, v1  }
0x2c: {  	v7 =	vld [tilespmem:s0+$0xFFFFFFA0];
	v5, v8, _ =	vpop (xrf1)  }
0x2d: {  	(xrf1) =	vsort.dscd.msk.f32 $0xffff, v6, v3;
	v6, v9, _ =	vpop (xrf1)  }
0x2e: {  	(xrf0) =	vmax.scan.msk.f32 $0xffff, v6;
	_ =	sdelay $0x2  }
0x2f: {  	(xrf1) =	vsort.dscd.msk.f32 $0xffff, v7, v2;
	_ =	sdelay $0x2  }
0x30: {  	v7, _, _ =	vpop (xrf0)  }
0x31: {  	v7 =	vbroadcast v7, $0xF;
	_ =	sdelay $0x2  }
0x32: {  	v6 =	vsub.f32 v6, v7  }
0x33: {  	v7, v10, _ =	vpop (xrf1)  }
0x34: {  	v6 =	vmul.f32 $1.442695020e+00, v6;
	v10 =	vperm.xlane v10, v4;
	_ =	sdelay $0x1  }
0x35: {  	(erf) = vpow2.f32 v6  }
0x36: {  	v7 =	vperm.xlane v7, v4;
	v11, v12, _ =	vpop (xrf1)  }
0x37: {  	v6 =	vperm.xlane v11, v4;
	v11 =	vperm.xlane v12, v4  }
0x38: {  	v5 =	vsel vm0, v5, v7;
	v7 =	vsel vm0, v8, v10;
	v8, v10, _ =	vpop (xrf1)  }
0x39: {  	(xrf1) =	vsort.dscd.msk.f32 $0xffff, v5, v7;
	v6 =	vsel vm0, v8, v6;
	v8 =	vsel vm0, v10, v11  }
0x3a: {  	(xrf1) =	vsort.dscd.msk.f32 $0xffff, v6, v8;
	_ =	sdelay $0x3  }
0x3b: {  	v5 =	vpop (erf)  }
0x3c: {  	v6 =	vnsel vm0, $0x0, v5  }
0x3d: {  	(xrf2) =	vadd.scan.msk.f32 $0xffff, v6;
	_ =	sdelay $0x3  }
0x3e: {  	s30 =	simm.s32 $0x280  }
0x3f: {  	v6 =	vld [tilespmem:s30+$0xFFFFFF80];
	_ =	sdelay $0x1  }
0x40: {  	v7, v8, _ =	vpop (xrf1)  }
0x41: {  	v12 =	vld [tilespmem:s30+$0xFFFFFF90];
	v10, v11, _ =	vpop (xrf1)  }
0x42: {  	v10 =	vperm.xlane v10, v4;
	v11 =	vperm.xlane v11, v4  }
0x43: {  	(xrf1) =	vsort.dscd.msk.f32 $0xffff, v6, v0;
	v6, _, _ =	vpop (xrf2)  }
0x44: {  	v6 =	vbroadcast v6, $0xF;
	v7 =	vsel vm0, v7, v10;
	v8 =	vsel vm0, v8, v11  }
0x45: {  	v13 =	vld [tilespmem:s30+$0xFFFFFFB0];
	(xrf1) =	vsort.dscd.msk.f32 $0xffff, v7, v8  }
0x46: {  	(erf) = vrcp.f32 v6;
	(xrf1) =	vsort.dscd.msk.f32 $0xffff, v12, v1  }
0x47: {  	v10 =	vld [tilespmem:s30+$0xFFFFFFA0];
	_ =	sdelay $0x2  }
0x48: {  	(xrf1) =	vsort.dscd.msk.f32 $0xffff, v13, v3;
	_ =	sdelay $0x1  }
0x49: {  	(xrf1) =	vsort.dscd.msk.f32 $0xffff, v10, v2;
	_ =	sdelay $0x2  }
0x4a: {  	v6 =	vpop (erf)  }
0x4b: {  	v5 =	vmul.f32 v6, v5;
	_ =	sdelay $0x1  }
0x4c: {  	v6, v7, _ =	vpop (xrf1)  }
0x4d: {  	s15 =	simm.s32 $0x2208;
	v8, v10, _ =	vpop (xrf1)  }
0x4e: {  	s16 =	simm.s32 $0x2688;
	[tilespmem:s15+$0xFFFFFDF8] =	vst.msk $0xff, v5;
	v5, v11, _ =	vpop (xrf1)  }
0x4f: {  	[tilespmem:s16+$0xFFFFFDF8] =	vst.msk $0xff, v9;
	(xrf0) =	vmax.scan.msk.f32 $0xffff, v8;
	v9 =	vperm.xlane v11, v4  }
0x50: {  	v5 =	vperm.xlane v5, v4;
	_ =	sdelay $0x1  }
0x51: {  	v11, v12, _ =	vpop (xrf1);
	v5 =	vsel vm0, v6, v5;
	v6 =	vsel vm0, v7, v9  }
0x52: {  	v13 =	vld [tilespmem:s1+$0xFFFFFFD0];
	v11 =	vperm.xlane v11, v4;
	v12 =	vperm.xlane v12, v4  }
0x53: {  	v14 =	vld [tilespmem:s1+$0xFFFFFFF0];
	v7, v9, _ =	vpop (xrf1)  }
0x54: {  	(xrf1) =	vsort.dscd.msk.f32 $0xffff, v5, v6;
	v5 =	vld [tilespmem:s1+$0xFFFFFFE0];
	v6, _, _ =	vpop (xrf0);
	v7 =	vsel vm0, v7, v11;
	v9 =	vsel vm0, v9, v12  }
0x55: {  	v6 =	vbroadcast v6, $0xF;
	(xrf1) =	vsort.dscd.msk.f32 $0xffff, v7, v9;
	_ =	sdelay $0x1  }
0x56: {  	v7 =	vld [tilespmem:s1+$0xFFFFFFC0];
	(xrf1) =	vsort.dscd.msk.f32 $0xffff, v13, v1;
	v6 =	vsub.f32 v8, v6  }
0x57: {  	(xrf1) =	vsort.dscd.msk.f32 $0xffff, v14, v3  }
0x58: {  	(xrf1) =	vsort.dscd.msk.f32 $0xffff, v5, v2;
	v5 =	vmul.f32 $1.442695020e+00, v6;
	_ =	sdelay $0x1  }
0x59: {  	(erf) = vpow2.f32 v5  }
0x5a: {  	(xrf1) =	vsort.dscd.msk.f32 $0xffff, v7, v0;
	_ =	sdelay $0x5  }
0x5b: {  	v5, v6, _ =	vpop (xrf1)  }
0x5c: {  	v7, v8, _ =	vpop (xrf1)  }
0x5d: {  	v14 =	vpop (erf)  }
0x5e: {  	v9, v11, _ =	vpop (xrf1)  }
0x5f: {  	v12, v13, _ =	vpop (xrf1)  }
0x60: {  	v15 =	vnsel vm0, $0x0, v14;
	v12 =	vperm.xlane v12, v4;
	v13 =	vperm.xlane v13, v4  }
0x61: {  	v9 =	vperm.xlane v9, v4;
	(xrf2) =	vadd.scan.msk.f32 $0xffff, v15;
	v16, v17, _ =	vpop (xrf1)  }
0x62: {  	v11 =	vperm.xlane v11, v4;
	v12 =	vsel vm0, v16, v12;
	v13 =	vsel vm0, v17, v13  }
0x63: {  	v15, v16, _ =	vpop (xrf1);
	(xrf1) =	vsort.dscd.msk.f32 $0xffff, v12, v13  }
0x64: {  	v9 =	vsel vm0, v15, v9;
	v11 =	vsel vm0, v16, v11  }
0x65: {  	s28 =	simm.s32 $0x380;
	(xrf1) =	vsort.dscd.msk.f32 $0xffff, v9, v11  }
0x66: {  	v9 =	vld [tilespmem:s28+$0xFFFFFF80];
	_ =	sdelay $0x2  }
0x67: {  	v7 =	vperm.xlane v7, v4;
	v8 =	vperm.xlane v8, v4;
	v11 =	vld [tilespmem:s28+$0xFFFFFF90];
	_ =	sdelay $0x1  }
0x68: {  	v5 =	vsel vm0, v5, v7;
	v6 =	vsel vm0, v6, v8;
	(xrf1) =	vsort.dscd.msk.f32 $0xffff, v9, v0;
	v9, _, _ =	vpop (xrf2)  }
0x69: {  	(xrf1) =	vsort.dscd.msk.f32 $0xffff, v5, v6;
	v5 =	vbroadcast v9, $0xF  }
0x6a: {  	v12 =	vld [tilespmem:s28+$0xFFFFFFB0]  }
0x6b: {  	v7 =	vld [tilespmem:s28+$0xFFFFFFA0];
	(xrf1) =	vsort.dscd.msk.f32 $0xffff, v11, v1;
	(erf) = vrcp.f32 v5;
	_ =	sdelay $0x2  }
0x6c: {  	v5, v6, _ =	vpop (xrf1)  }
0x6d: {  	(xrf1) =	vsort.dscd.msk.f32 $0xffff, v12, v3;
	v5 =	vperm.xlane v5, v4  }
0x6e: {  	(xrf1) =	vsort.dscd.msk.f32 $0xffff, v7, v2;
	v7, v8, _ =	vpop (xrf1)  }
0x6f: {  	v6 =	vperm.xlane v6, v4;
	v5 =	vsel vm0, v7, v5;
	_ =	sdelay $0x1  }
0x70: {  	v6 =	vsel vm0, v8, v6  }
0x71: {  	(xrf1) =	vsort.dscd.msk.f32 $0xffff, v5, v6;
	v5 =	vpop (erf)  }
0x72: {  	v5 =	vmul.f32 v5, v14;
	_ =	sdelay $0x1  }
0x73: {  	v6, v7, _ =	vpop (xrf1)  }
0x74: {  	s17 =	simm.s32 $0x2218;
	v8, v9, _ =	vpop (xrf1)  }
0x75: {  	s18 =	simm.s32 $0x2698;
	[tilespmem:s17+$0xFFFFFDF8] =	vst.msk $0xff, v5;
	v5, v11, _ =	vpop (xrf1)  }
0x76: {  	[tilespmem:s18+$0xFFFFFDF8] =	vst.msk $0xff, v10;
	v10 =	vperm.xlane v11, v4;
	_ =	sdelay $0x2  }
0x77: {  	(xrf0) =	vmax.scan.msk.f32 $0xffff, v8;
	v5 =	vperm.xlane v5, v4;
	v11, v12, _ =	vpop (xrf1)  }
0x78: {  	v11 =	vperm.xlane v11, v4;
	v12 =	vperm.xlane v12, v4  }
0x79: {  	v5 =	vsel vm0, v6, v5;
	v6 =	vsel vm0, v7, v10;
	v7, v10, _ =	vpop (xrf1)  }
0x7a: {  	v7 =	vsel vm0, v7, v11;
	v10 =	vsel vm0, v10, v12  }
0x7b: {  	v13 =	vld [tilespmem:s0+$0xFFFFFFD0]  }
0x7c: {  	v14 =	vld [tilespmem:s0+$0xFFFFFFF0];
	(xrf1) =	vsort.dscd.msk.f32 $0xffff, v5, v6  }
0x7d: {  	v5 =	vld [tilespmem:s0+$0xFFFFFFE0];
	(xrf1) =	vsort.dscd.msk.f32 $0xffff, v7, v10;
	v10, _, _ =	vpop (xrf0)  }
0x7e: {  	v6, v7, _ =	vpop (xrf1);
	v10 =	vbroadcast v10, $0xF  }
0x7f: {  	(xrf0) =	vmax.scan.msk.f32 $0xffff, v6  }
0x80: {  	v11 =	vld [tilespmem:s0+$0xFFFFFFC0];
	(xrf1) =	vsort.dscd.msk.f32 $0xffff, v13, v1;
	v8 =	vsub.f32 v8, v10  }
0x81: {  	(xrf1) =	vsort.dscd.msk.f32 $0xffff, v14, v3  }
0x82: {  	(xrf1) =	vsort.dscd.msk.f32 $0xffff, v5, v2;
	v5 =	vmul.f32 $1.442695020e+00, v8;
	_ =	sdelay $0x1  }
0x83: {  	(erf) = vpow2.f32 v5  }
0x84: {  	(xrf1) =	vsort.dscd.msk.f32 $0xffff, v11, v0;
	v8, _, _ =	vpop (xrf0)  }
0x85: {  	v5 =	vbroadcast v8, $0xF;
	_ =	sdelay $0x1  }
0x86: {  	v5 =	vsub.f32 v6, v5;
	_ =	sdelay $0x1  }
0x87: {  	v5 =	vmul.f32 $1.442695020e+00, v5  }
0x88: {  	v6, v8, _ =	vpop (xrf1)  }
0x89: {  	v10, v11, _ =	vpop (xrf1)  }
0x8a: {  	v15 =	vpop (erf)  }
0x8b: {  	(erf) = vpow2.f32 v5;
	v5, v12, _ =	vpop (xrf1)  }
0x8c: {  	v13, v14, _ =	vpop (xrf1)  }
0x8d: {  	v16 =	vnsel vm0, $0x0, v15;
	v13 =	vperm.xlane v13, v4;
	v14 =	vperm.xlane v14, v4  }
0x8e: {  	v5 =	vperm.xlane v5, v4;
	(xrf2) =	vadd.scan.msk.f32 $0xffff, v16;
	v17, v18, _ =	vpop (xrf1)  }
0x8f: {  	v12 =	vperm.xlane v12, v4;
	v13 =	vsel vm0, v17, v13;
	v14 =	vsel vm0, v18, v14  }
0x90: {  	v16, v17, _ =	vpop (xrf1);
	(xrf1) =	vsort.dscd.msk.f32 $0xffff, v13, v14  }
0x91: {  	v5 =	vsel vm0, v16, v5;
	v12 =	vsel vm0, v17, v12  }
0x92: {  	s25 =	simm.s32 $0x480;
	(xrf1) =	vsort.dscd.msk.f32 $0xffff, v5, v12  }
0x93: {  	v13 =	vld [tilespmem:s25+$0xFFFFFF80]  }
0x94: {  	v5 =	vpop (erf)  }
0x95: {  	v12 =	vnsel vm0, $0x0, v5  }
0x96: {  	v10 =	vperm.xlane v10, v4;
	v11 =	vperm.xlane v11, v4;
	(xrf2) =	vadd.scan.msk.f32 $0xffff, v12;
	v12 =	vld [tilespmem:s25+$0xFFFFFF90];
	_ =	sdelay $0x1  }
0x97: {  	v6 =	vsel vm0, v6, v10;
	v8 =	vsel vm0, v8, v11;
	(xrf1) =	vsort.dscd.msk.f32 $0xffff, v13, v0;
	v13, _, _ =	vpop (xrf2)  }
0x98: {  	v14 =	vld [tilespmem:s25+$0xFFFFFFB0];
	(xrf1) =	vsort.dscd.msk.f32 $0xffff, v6, v8;
	v6 =	vbroadcast v13, $0xF;
	_ =	sdelay $0x1  }
0x99: {  	v10 =	vld [tilespmem:s25+$0xFFFFFFA0];
	(erf) = vrcp.f32 v6;
	(xrf1) =	vsort.dscd.msk.f32 $0xffff, v12, v1;
	_ =	sdelay $0x2  }
0x9a: {  	(xrf1) =	vsort.dscd.msk.f32 $0xffff, v14, v3;
	v6, v8, _ =	vpop (xrf1)  }
0x9b: {  	v6 =	vperm.xlane v6, v4  }
0x9c: {  	(xrf1) =	vsort.dscd.msk.f32 $0xffff, v10, v2;
	v10, v12, _ =	vpop (xrf1)  }
0x9d: {  	v11, _, _ =	vpop (xrf2);
	v8 =	vperm.xlane v8, v4;
	v6 =	vsel vm0, v10, v6  }
0x9e: {  	v10 =	vbroadcast v11, $0xF  }
0x9f: {  	v8 =	vsel vm0, v12, v8  }
0xa0: {  	(xrf1) =	vsort.dscd.msk.f32 $0xffff, v6, v8;
	(erf) = vrcp.f32 v10;
	v6 =	vpop (erf)  }
0xa1: {  	v6 =	vmul.f32 v6, v15;
	_ =	sdelay $0x1  }
0xa2: {  	v8, v10, _ =	vpop (xrf1)  }
0xa3: {  	s19 =	simm.s32 $0x2228;
	v11, v12, _ =	vpop (xrf1)  }
0xa4: {  	s20 =	simm.s32 $0x26A8;
	[tilespmem:s19+$0xFFFFFDF8] =	vst.msk $0xff, v6;
	v6, v13, _ =	vpop (xrf1)  }
0xa5: {  	[tilespmem:s20+$0xFFFFFDF8] =	vst.msk $0xff, v9;
	v9 =	vperm.xlane v13, v4;
	_ =	sdelay $0x1  }
0xa6: {  	(xrf0) =	vmax.scan.msk.f32 $0xffff, v11;
	v6 =	vperm.xlane v6, v4;
	v13, v14, _ =	vpop (xrf1)  }
0xa7: {  	v14 =	vperm.xlane v14, v4;
	v16 =	vpop (erf)  }
0xa8: {  	v6 =	vsel vm0, v8, v6;
	v8 =	vsel vm0, v10, v9;
	v9, v10, _ =	vpop (xrf1)  }
0xa9: {  	v5 =	vmul.f32 v16, v5;
	v10 =	vsel vm0, v10, v14  }
0xaa: {  	v15 =	vld [tilespmem:s30+$0xFFFFFFD0];
	v13 =	vperm.xlane v13, v4  }
0xab: {  	v17 =	vld [tilespmem:s30+$0xFFFFFFF0];
	[tilespmem:s15+$0xFFFFFFF8] =	vst.msk $0xff, v5  }
0xac: {  	(xrf1) =	vsort.dscd.msk.f32 $0xffff, v6, v8;
	v9 =	vsel vm0, v9, v13;
	[tilespmem:s16+$0xFFFFFFF8] =	vst.msk $0xff, v7;
	v7, _, _ =	vpop (xrf0)  }
0xad: {  	v6 =	vld [tilespmem:s30+$0xFFFFFFE0];
	(xrf1) =	vsort.dscd.msk.f32 $0xffff, v9, v10;
	v8, v10, _ =	vpop (xrf1)  }
0xae: {  	v7 =	vbroadcast v7, $0xF;
	(xrf0) =	vmax.scan.msk.f32 $0xffff, v8  }
0xaf: {  	v5 =	vld [tilespmem:s30+$0xFFFFFFC0];
	(xrf1) =	vsort.dscd.msk.f32 $0xffff, v15, v1  }
0xb0: {  	(xrf1) =	vsort.dscd.msk.f32 $0xffff, v17, v3;
	v7 =	vsub.f32 v11, v7  }
0xb1: {  	v9 =	vld [tilespmem:s1+$0x30]  }
0xb2: {  	v13 =	vld [tilespmem:s1+$0x10];
	(xrf1) =	vsort.dscd.msk.f32 $0xffff, v6, v2  }
0xb3: {  	v14 =	vld [tilespmem:s1+$0x20];
	v6 =	vmul.f32 $1.442695020e+00, v7  }
0xb4: {  	(xrf1) =	vsort.dscd.msk.f32 $0xffff, v5, v0;
	v5 =	vld [tilespmem:s1+$0x0];
	v7, _, _ =	vpop (xrf0)  }
0xb5: {  	(erf) = vpow2.f32 v6;
	v6 =	vbroadcast v7, $0xF  }
0xb6: {  	(xrf1) =	vsort.dscd.msk.f32 $0xffff, v9, v3  }
0xb7: {  	(xrf1) =	vsort.dscd.msk.f32 $0xffff, v13, v1;
	v6 =	vsub.f32 v8, v6  }
0xb8: {  	(xrf1) =	vsort.dscd.msk.f32 $0xffff, v14, v2  }
0xb9: {  	(xrf1) =	vsort.dscd.msk.f32 $0xffff, v5, v0;
	v5 =	vmul.f32 $1.442695020e+00, v6;
	_ =	sdelay $0x1  }
0xba: {  	v6, v7, _ =	vpop (xrf1)  }
0xbb: {  	v8, v9, _ =	vpop (xrf1)  }
0xbc: {  	(erf) = vpow2.f32 v5;
	v5, v11, _ =	vpop (xrf1)  }
0xbd: {  	v13, v14, _ =	vpop (xrf1)  }
0xbe: {  	v14 =	vperm.xlane v14, v4  }
0xbf: {  	v13 =	vperm.xlane v13, v4;
	v16, v17, _ =	vpop (xrf1)  }
0xc0: {  	v14 =	vsel vm0, v17, v14  }
0xc1: {  	v13 =	vsel vm0, v16, v13  }
0xc2: {  	v15 =	vpop (erf);
	v11 =	vperm.xlane v11, v4  }
0xc3: {  	v5 =	vperm.xlane v5, v4;
	v16, v17, _ =	vpop (xrf1)  }
0xc4: {  	v18 =	vnsel vm0, $0x0, v15;
	(xrf1) =	vsort.dscd.msk.f32 $0xffff, v13, v14;
	v11 =	vsel vm0, v17, v11;
	v13, v14, _ =	vpop (xrf1)  }
0xc5: {  	(xrf2) =	vadd.scan.msk.f32 $0xffff, v18;
	v5 =	vsel vm0, v16, v5;
	v16, v17, _ =	vpop (xrf1)  }
0xc6: {  	v13 =	vperm.xlane v13, v4;
	v14 =	vperm.xlane v14, v4  }
0xc7: {  	(xrf1) =	vsort.dscd.msk.f32 $0xffff, v5, v11;
	v5 =	vperm.xlane v16, v4;
	v17 =	vperm.xlane v17, v4;
	v11, v16, _ =	vpop (xrf1)  }
0xc8: {  	v11 =	vsel vm0, v11, v13;
	v13 =	vsel vm0, v16, v14;
	v16, v19, _ =	vpop (xrf1)  }
0xc9: {  	s26 =	simm.s32 $0x580;
	(xrf1) =	vsort.dscd.msk.f32 $0xffff, v11, v13;
	v5 =	vsel vm0, v16, v5;
	v11 =	vsel vm0, v19, v17  }
0xca: {  	(xrf1) =	vsort.dscd.msk.f32 $0xffff, v5, v11;
	v5 =	vld [tilespmem:s26+$0xFFFFFF80];
	_ =	sdelay $0x3  }
0xcb: {  	v8 =	vperm.xlane v8, v4  }
0xcc: {  	(xrf1) =	vsort.dscd.msk.f32 $0xffff, v5, v0;
	v5, _, _ =	vpop (xrf2)  }
0xcd: {  	v6 =	vsel vm0, v6, v8;
	v5 =	vbroadcast v5, $0xF  }
0xce: {  	v9 =	vperm.xlane v9, v4;
	v18 =	vpop (erf);
	v11 =	vld [tilespmem:s26+$0xFFFFFF90]  }
0xcf: {  	v14 =	vnsel vm0, $0x0, v18  }
0xd0: {  	v7 =	vsel vm0, v7, v9;
	(xrf2) =	vadd.scan.msk.f32 $0xffff, v14;
	v13 =	vld [tilespmem:s26+$0xFFFFFFB0]  }
0xd1: {  	v8 =	vld [tilespmem:s26+$0xFFFFFFA0];
	(xrf1) =	vsort.dscd.msk.f32 $0xffff, v6, v7;
	(erf) = vrcp.f32 v5;
	v5, v6, _ =	vpop (xrf1)  }
0xd2: {  	v6 =	vperm.xlane v6, v4  }
0xd3: {  	(xrf1) =	vsort.dscd.msk.f32 $0xffff, v11, v1;
	v5 =	vperm.xlane v5, v4;
	v9, v11, _ =	vpop (xrf1)  }
0xd4: {  	v6 =	vsel vm0, v11, v6  }
0xd5: {  	(xrf1) =	vsort.dscd.msk.f32 $0xffff, v13, v3;
	v5 =	vsel vm0, v9, v5  }
0xd6: {  	(xrf1) =	vsort.dscd.msk.f32 $0xffff, v8, v2;
	v8, v9, _ =	vpop (xrf1)  }
0xd7: {  	v8 =	vperm.xlane v8, v4  }
0xd8: {  	(xrf1) =	vsort.dscd.msk.f32 $0xffff, v5, v6;
	v5, v6, _ =	vpop (xrf1)  }
0xd9: {  	v9 =	vperm.xlane v9, v4;
	v5 =	vsel vm0, v5, v8  }
0xda: {  	v7, _, _ =	vpop (xrf2)  }
0xdb: {  	v7 =	vbroadcast v7, $0xF;
	v6 =	vsel vm0, v6, v9  }
0xdc: {  	(xrf1) =	vsort.dscd.msk.f32 $0xffff, v5, v6;
	v5 =	vpop (erf)  }
0xdd: {  	v5 =	vmul.f32 v5, v15;
	_ =	sdelay $0x1  }
0xde: {  	(erf) = vrcp.f32 v7;
	v7, v8, _ =	vpop (xrf1)  }
0xdf: {  	s21 =	simm.s32 $0x2238;
	v11, v6, _ =	vpop (xrf1)  }
0xe0: {  	[tilespmem:s21+$0xFFFFFDF8] =	vst.msk $0xff, v5;
	v5, v9, _ =	vpop (xrf1)  }
0xe1: {  	v9 =	vperm.xlane v9, v4;
	_ =	sdelay $0x1  }
0xe2: {  	s22 =	simm.s32 $0x26B8  }
0xe3: {  	[tilespmem:s22+$0xFFFFFDF8] =	vst.msk $0xff, v12;
	v5 =	vperm.xlane v5, v4;
	v12, v13, _ =	vpop (xrf1)  }
0xe4: {  	v13 =	vperm.xlane v13, v4  }
0xe5: {  	(xrf0) =	vmax.scan.msk.f32 $0xffff, v11;
	v5 =	vsel vm0, v7, v5;
	v7 =	vsel vm0, v8, v9;
	v8, v9, _ =	vpop (xrf1)  }
0xe6: {  	v12 =	vperm.xlane v12, v4;
	v9 =	vsel vm0, v9, v13  }
0xe7: {  	v15 =	vpop (erf);
	v14 =	vld [tilespmem:s28+$0xFFFFFFD0]  }
0xe8: {  	v15 =	vmul.f32 v15, v18;
	v16 =	vld [tilespmem:s28+$0xFFFFFFF0]  }
0xe9: {  	(xrf1) =	vsort.dscd.msk.f32 $0xffff, v5, v7;
	v5 =	vld [tilespmem:s28+$0xFFFFFFE0];
	v8 =	vsel vm0, v8, v12  }
0xea: {  	[tilespmem:s17+$0xFFFFFFF8] =	vst.msk $0xff, v15;
	(xrf1) =	vsort.dscd.msk.f32 $0xffff, v8, v9;
	v12, v9, _ =	vpop (xrf1)  }
0xeb: {  	[tilespmem:s18+$0xFFFFFFF8] =	vst.msk $0xff, v10;
	v7, _, _ =	vpop (xrf0);
	v8 =	vld [tilespmem:s28+$0xFFFFFFC0];
	(xrf0) =	vmax.scan.msk.f32 $0xffff, v12  }
0xec: {  	v10 =	vld [tilespmem:s0+$0x30];
	v13 =	vbroadcast v7, $0xF;
	(xrf1) =	vsort.dscd.msk.f32 $0xffff, v14, v1  }
0xed: {  	(xrf1) =	vsort.dscd.msk.f32 $0xffff, v16, v3  }
0xee: {  	v11 =	vsub.f32 v11, v13;
	(xrf1) =	vsort.dscd.msk.f32 $0xffff, v5, v2;
	v15, v7, _ =	vpop (xrf1)  }
0xef: {  	(xrf0) =	vmax.scan.msk.f32 $0xffff, v15  }
0xf0: {  	v14 =	vld [tilespmem:s0+$0x10];
	(xrf1) =	vsort.dscd.msk.f32 $0xffff, v8, v0;
	v8 =	vmul.f32 $1.442695020e+00, v11  }
0xf1: {  	v16 =	vld [tilespmem:s0+$0x20];
	(xrf1) =	vsort.dscd.msk.f32 $0xffff, v10, v3;
	v10, _, _ =	vpop (xrf0)  }
0xf2: {  	v5 =	vld [tilespmem:s0+$0x0];
	(erf) = vpow2.f32 v8;
	v8 =	vbroadcast v10, $0xF;
	_ =	sdelay $0x1  }
0xf3: {  	v8 =	vsub.f32 v12, v8  }
0xf4: {  	(xrf1) =	vsort.dscd.msk.f32 $0xffff, v14, v1  }
0xf5: {  	(xrf1) =	vsort.dscd.msk.f32 $0xffff, v16, v2;
	v8 =	vmul.f32 $1.442695020e+00, v8  }
0xf6: {  	(xrf1) =	vsort.dscd.msk.f32 $0xffff, v5, v0;
	v5, _, _ =	vpop (xrf0)  }
0xf7: {  	v10, v11, _ =	vpop (xrf1)  }
0xf8: {  	v12, v13, _ =	vpop (xrf1)  }
0xf9: {  	(erf) = vpow2.f32 v8;
	v8, v14, _ =	vpop (xrf1)  }
0xfa: {  	v16, v17, _ =	vpop (xrf1)  }
0xfb: {  	v5 =	vbroadcast v5, $0xF;
	v17 =	vperm.xlane v17, v4  }
0xfc: {  	v16 =	vperm.xlane v16, v4  }
0xfd: {  	v5 =	vsub.f32 v15, v5;
	v15, v19, _ =	vpop (xrf1)  }
0xfe: {  	v18 =	vpop (erf);
	v14 =	vperm.xlane v14, v4;
	v15 =	vsel vm0, v15, v16;
	v16 =	vsel vm0, v19, v17  }
0xff: {  	v5 =	vmul.f32 $1.442695020e+00, v5;
	v8 =	vperm.xlane v8, v4;
	v17, v19, _ =	vpop (xrf1)  }
0x100: {  	v20 =	vnsel vm0, $0x0, v18;
	v14 =	vsel vm0, v19, v14  }
0x101: {  	(xrf2) =	vadd.scan.msk.f32 $0xffff, v20;
	(erf) = vpow2.f32 v5;
	v8 =	vsel vm0, v17, v8  }
0x102: {  	(xrf1) =	vsort.dscd.msk.f32 $0xffff, v15, v16;
	v15, v16, _ =	vpop (xrf1)  }
0x103: {  	v15 =	vperm.xlane v15, v4;
	v16 =	vperm.xlane v16, v4;
	v17, v19, _ =	vpop (xrf1)  }
0x104: {  	(xrf1) =	vsort.dscd.msk.f32 $0xffff, v8, v14;
	v8, v14, _ =	vpop (xrf1)  }
0x105: {  	s29 =	simm.s32 $0x680;
	v8 =	vsel vm0, v8, v15;
	v14 =	vsel vm0, v14, v16  }
0x106: {  	v5 =	vperm.xlane v17, v4;
	v17 =	vpop (erf);
	v19 =	vperm.xlane v19, v4;
	(xrf1) =	vsort.dscd.msk.f32 $0xffff, v8, v14;
	v14 =	vld [tilespmem:s29+$0xFFFFFF80]  }
0x107: {  	v15 =	vnsel vm0, $0x0, v17;
	v16, v20, _ =	vpop (xrf1)  }
0x108: {  	v5 =	vsel vm0, v16, v5;
	v8 =	vsel vm0, v20, v19  }
0x109: {  	(xrf1) =	vsort.dscd.msk.f32 $0xffff, v5, v8;
	v5 =	vperm.xlane v12, v4;
	v8 =	vperm.xlane v13, v4  }
0x10a: {  	(xrf2) =	vadd.scan.msk.f32 $0xffff, v15;
	v15 =	vpop (erf)  }
0x10b: {  	v12 =	vld [tilespmem:s29+$0xFFFFFF90];
	v5 =	vsel vm0, v10, v5;
	v8 =	vsel vm0, v11, v8;
	v11, _, _ =	vpop (xrf2);
	(xrf1) =	vsort.dscd.msk.f32 $0xffff, v14, v0  }
0x10c: {  	v13 =	vld [tilespmem:s29+$0xFFFFFFB0];
	v10 =	vnsel vm0, $0x0, v15;
	(xrf1) =	vsort.dscd.msk.f32 $0xffff, v5, v8;
	v8 =	vbroadcast v11, $0xF  }
0x10d: {  	v5 =	vld [tilespmem:s29+$0xFFFFFFA0];
	_ =	sdelay $0x1  }
0x10e: {  	(xrf2) =	vadd.scan.msk.f32 $0xffff, v10  }
0x10f: {  	(xrf1) =	vsort.dscd.msk.f32 $0xffff, v12, v1;
	(erf) = vrcp.f32 v8;
	v8, v10, _ =	vpop (xrf1)  }
0x110: {  	(xrf1) =	vsort.dscd.msk.f32 $0xffff, v13, v3;
	v8 =	vperm.xlane v8, v4  }
0x111: {  	v12, v13, _ =	vpop (xrf1);
	(xrf1) =	vsort.dscd.msk.f32 $0xffff, v5, v2;
	v5 =	vperm.xlane v10, v4  }
0x112: {  	v8 =	vsel vm0, v12, v8  }
0x113: {  	v11, _, _ =	vpop (xrf2);
	v5 =	vsel vm0, v13, v5  }
0x114: {  	v10 =	vbroadcast v11, $0xF;
	v11, v12, _ =	vpop (xrf1)  }
0x115: {  	v11 =	vperm.xlane v11, v4  }
0x116: {  	(erf) = vrcp.f32 v10;
	(xrf1) =	vsort.dscd.msk.f32 $0xffff, v8, v5;
	v5, v8, _ =	vpop (xrf1)  }
0x117: {  	v12 =	vperm.xlane v12, v4;
	v5 =	vsel vm0, v5, v11;
	_ =	sdelay $0x1  }
0x118: {  	v8 =	vsel vm0, v8, v12  }
0x119: {  	(xrf1) =	vsort.dscd.msk.f32 $0xffff, v5, v8;
	v5, _, _ =	vpop (xrf2)  }
0x11a: {  	v5 =	vbroadcast v5, $0xF  }
0x11b: {  	v8 =	vpop (erf)  }
0x11c: {  	v8 =	vmul.f32 v8, v18;
	(erf) = vrcp.f32 v5  }
0x11d: {  	v10, v11, _ =	vpop (xrf1)  }
0x11e: {  	s23 =	simm.s32 $0x2248;
	v18 =	vpop (erf)  }
0x11f: {  	s24 =	simm.s32 $0x26C8;
	[tilespmem:s23+$0xFFFFFDF8] =	vst.msk $0xff, v8;
	v12, v5, _ =	vpop (xrf1)  }
0x120: {  	v17 =	vmul.f32 v18, v17;
	[tilespmem:s24+$0xFFFFFDF8] =	vst.msk $0xff, v6;
	(xrf0) =	vmax.scan.msk.f32 $0xffff, v12;
	v8, v13, _ =	vpop (xrf1)  }
0x121: {  	v16 =	vld [tilespmem:s25+$0xFFFFFFD0];
	v6 =	vperm.xlane v8, v4;
	v8 =	vperm.xlane v13, v4;
	v13, v14, _ =	vpop (xrf1)  }
0x122: {  	v19 =	vld [tilespmem:s25+$0xFFFFFFF0];
	v13 =	vperm.xlane v13, v4;
	v14 =	vperm.xlane v14, v4  }
0x123: {  	v6 =	vsel vm0, v10, v6;
	v8 =	vsel vm0, v11, v8;
	v10, v11, _ =	vpop (xrf1)  }
0x124: {  	[tilespmem:s19+$0xFFFFFFF8] =	vst.msk $0xff, v17;
	v10 =	vsel vm0, v10, v13;
	v11 =	vsel vm0, v11, v14;
	(xrf1) =	vsort.dscd.msk.f32 $0xffff, v6, v8  }
0x125: {  	[tilespmem:s20+$0xFFFFFFF8] =	vst.msk $0xff, v9;
	(xrf1) =	vsort.dscd.msk.f32 $0xffff, v10, v11;
	v9 =	vpop (erf)  }
0x126: {  	v10 =	vld [tilespmem:s25+$0xFFFFFFE0];
	v6, _, _ =	vpop (xrf0);
	(xrf1) =	vsort.dscd.msk.f32 $0xffff, v16, v1  }
0x127: {  	v11 =	vld [tilespmem:s25+$0xFFFFFFC0];
	v13, v8, _ =	vpop (xrf1);
	(xrf1) =	vsort.dscd.msk.f32 $0xffff, v19, v3  }
0x128: {  	v14 =	vld [tilespmem:s30+$0x30];
	v16 =	vbroadcast v6, $0xF;
	(xrf0) =	vmax.scan.msk.f32 $0xffff, v13;
	v18, v6, _ =	vpop (xrf1)  }
0x129: {  	v17 =	vld [tilespmem:s30+$0x10];
	v9 =	vmul.f32 v9, v15;
	(xrf0) =	vmax.scan.msk.f32 $0xffff, v18  }
0x12a: {  	v15 =	vld [tilespmem:s30+$0x20]  }
0x12b: {  	[tilespmem:s15+$0xFFFFFE00] =	vst.msk $0xff, v9;
	v9 =	vld [tilespmem:s30+$0x0];
	v12 =	vsub.f32 v12, v16;
	(xrf1) =	vsort.dscd.msk.f32 $0xffff, v10, v2  }
0x12c: {  	(xrf1) =	vsort.dscd.msk.f32 $0xffff, v11, v0  }
0x12d: {  	v10 =	vmul.f32 $1.442695020e+00, v12;
	(xrf1) =	vsort.dscd.msk.f32 $0xffff, v14, v3  }
0x12e: {  	[tilespmem:s16+$0xFFFFFE00] =	vst.msk $0xff, v7;
	(xrf1) =	vsort.dscd.msk.f32 $0xffff, v17, v1;
	v7, _, _ =	vpop (xrf0)  }
0x12f: {  	v11 =	vld [tilespmem:s1+$0x70];
	(erf) = vpow2.f32 v10;
	(xrf1) =	vsort.dscd.msk.f32 $0xffff, v15, v2;
	v12, _, _ =	vpop (xrf0)  }
0x130: {  	v10 =	vld [tilespmem:s1+$0x50];
	v7 =	vbroadcast v7, $0xF;
	(xrf1) =	vsort.dscd.msk.f32 $0xffff, v9, v0;
	v9 =	vbroadcast v12, $0xF  }
0x131: {  	v14 =	vld [tilespmem:s1+$0x60]  }
0x132: {  	v7 =	vsub.f32 v13, v7;
	v9 =	vsub.f32 v18, v9  }
0x133: {  	v12 =	vld [tilespmem:s1+$0x40]  }
0x134: {  	(xrf1) =	vsort.dscd.msk.f32 $0xffff, v11, v3;
	v11, v13, _ =	vpop (xrf1);
	v7 =	vmul.f32 $1.442695020e+00, v7  }
0x135: {  	(xrf1) =	vsort.dscd.msk.f32 $0xffff, v10, v1;
	v10, v15, _ =	vpop (xrf1)  }
0x136: {  	(xrf1) =	vsort.dscd.msk.f32 $0xffff, v14, v2;
	(erf) = vpow2.f32 v7;
	v7 =	vmul.f32 $1.442695020e+00, v9;
	v9, v14, _ =	vpop (xrf1)  }
0x137: {  	v16, v17, _ =	vpop (xrf1)  }
0x138: {  	(xrf1) =	vsort.dscd.msk.f32 $0xffff, v12, v0;
	v12 =	vperm.xlane v16, v4;
	v16 =	vperm.xlane v17, v4  }
0x139: {  	v17, v18, _ =	vpop (xrf1)  }
0x13a: {  	v16 =	vsel vm0, v18, v16  }
0x13b: {  	v12 =	vsel vm0, v17, v12  }
0x13c: {  	v14 =	vperm.xlane v14, v4  }
0x13d: {  	v9 =	vperm.xlane v9, v4;
	v17, v18, _ =	vpop (xrf1)  }
0x13e: {  	(xrf1) =	vsort.dscd.msk.f32 $0xffff, v12, v16;
	v14 =	vsel vm0, v18, v14;
	v12, v16, _ =	vpop (xrf1)  }
0x13f: {  	(erf) = vpow2.f32 v7;
	v9 =	vsel vm0, v17, v9;
	v17, v18, _ =	vpop (xrf1)  }
0x140: {  	v7 =	vpop (erf);
	v12 =	vperm.xlane v12, v4;
	v16 =	vperm.xlane v16, v4  }
0x141: {  	v19 =	vnsel vm0, $0x0, v7;
	(xrf1) =	vsort.dscd.msk.f32 $0xffff, v9, v14;
	v9 =	vperm.xlane v17, v4;
	v18 =	vperm.xlane v18, v4;
	v14, v17, _ =	vpop (xrf1)  }
0x142: {  	(xrf2) =	vadd.scan.msk.f32 $0xffff, v19;
	v12 =	vsel vm0, v14, v12;
	v14 =	vsel vm0, v17, v16;
	v17, v21, _ =	vpop (xrf1)  }
0x143: {  	s31 =	simm.s32 $0x780;
	(xrf1) =	vsort.dscd.msk.f32 $0xffff, v12, v14;
	v12 =	vsel vm0, v21, v18  }
0x144: {  	v19 =	vld [tilespmem:s31+$0xFFFFFF80];
	v20 =	vpop (erf);
	v9 =	vsel vm0, v17, v9  }
0x145: {  	v16 =	vnsel vm0, $0x0, v20;
	_ =	sdelay $0x1  }
0x146: {  	v15 =	vperm.xlane v15, v4;
	(xrf1) =	vsort.dscd.msk.f32 $0xffff, v9, v12;
	v9, v12, _ =	vpop (xrf1)  }
0x147: {  	(xrf2) =	vadd.scan.msk.f32 $0xffff, v16;
	v9 =	vperm.xlane v9, v4;
	v16, v17, _ =	vpop (xrf1)  }
0x148: {  	v10 =	vperm.xlane v10, v4;
	(xrf1) =	vsort.dscd.msk.f32 $0xffff, v19, v0;
	v19, v21, _ =	vpop (xrf1)  }
0x149: {  	v12 =	vperm.xlane v12, v4;
	v9 =	vsel vm0, v19, v9  }
0x14a: {  	v10 =	vsel vm0, v11, v10  }
0x14b: {  	v11 =	vsel vm0, v13, v15;
	v16 =	vperm.xlane v16, v4;
	v12 =	vsel vm0, v21, v12;
	v13, v15, _ =	vpop (xrf1)  }
0x14c: {  	(xrf1) =	vsort.dscd.msk.f32 $0xffff, v9, v12;
	v9, _, _ =	vpop (xrf2)  }
0x14d: {  	v14 =	vpop (erf);
	(xrf1) =	vsort.dscd.msk.f32 $0xffff, v10, v11;
	v10 =	vsel vm0, v13, v16;
	v9 =	vbroadcast v9, $0xF  }
0x14e: {  	v22 =	vld [tilespmem:s31+$0xFFFFFF90];
	v18 =	vnsel vm0, $0x0, v14;
	v17 =	vperm.xlane v17, v4  }
0x14f: {  	(xrf2) =	vadd.scan.msk.f32 $0xffff, v18;
	v18 =	vld [tilespmem:s31+$0xFFFFFFB0]  }
0x150: {  	v12 =	vld [tilespmem:s31+$0xFFFFFFA0];
	v11 =	vsel vm0, v15, v17  }
0x151: {  	(xrf1) =	vsort.dscd.msk.f32 $0xffff, v10, v11;
	(erf) = vrcp.f32 v9;
	v9, v10, _ =	vpop (xrf1)  }
0x152: {  	v10 =	vperm.xlane v10, v4  }
0x153: {  	(xrf1) =	vsort.dscd.msk.f32 $0xffff, v22, v1;
	v9 =	vperm.xlane v9, v4;
	v13, v15, _ =	vpop (xrf1)  }
0x154: {  	(xrf1) =	vsort.dscd.msk.f32 $0xffff, v18, v3;
	v10 =	vsel vm0, v15, v10  }
0x155: {  	(xrf1) =	vsort.dscd.msk.f32 $0xffff, v12, v2;
	v9 =	vsel vm0, v13, v9;
	v12, v13, _ =	vpop (xrf1)  }
0x156: {  	v11, _, _ =	vpop (xrf2);
	v12 =	vperm.xlane v12, v4  }
0x157: {  	v11 =	vbroadcast v11, $0xF;
	v13 =	vperm.xlane v13, v4  }
0x158: {  	(xrf1) =	vsort.dscd.msk.f32 $0xffff, v9, v10;
	v9, v10, _ =	vpop (xrf1)  }
0x159: {  	v10 =	vsel vm0, v10, v13  }
0x15a: {  	v15, _, _ =	vpop (xrf2);
	v9 =	vsel vm0, v9, v12  }
0x15b: {  	(erf) = vrcp.f32 v11;
	v11, v12, _ =	vpop (xrf1)  }
0x15c: {  	v15 =	vbroadcast v15, $0xF;
	(xrf1) =	vsort.dscd.msk.f32 $0xffff, v9, v10;
	v10, v13, _ =	vpop (xrf1)  }
0x15d: {  	v9 =	vpop (erf);
	v13 =	vperm.xlane v13, v4  }
0x15e: {  	v9 =	vmul.f32 v9, v7;
	v16, v7, _ =	vpop (xrf1);
	v10 =	vperm.xlane v10, v4  }
0x15f: {  	s10 =	simm.s32 $0x2258;
	v17, v18, _ =	vpop (xrf1)  }
0x160: {  	[tilespmem:s10+$0xFFFFFDF8] =	vst.msk $0xff, v9;
	v9 =	vsel vm0, v17, v10;
	v10 =	vsel vm0, v18, v13  }
0x161: {  	(erf) = vrcp.f32 v15;
	v13, v15, _ =	vpop (xrf1)  }
0x162: {  	s11 =	simm.s32 $0x26D8  }
0x163: {  	[tilespmem:s11+$0xFFFFFDF8] =	vst.msk $0xff, v5;
	(xrf1) =	vsort.dscd.msk.f32 $0xffff, v9, v10;
	v5 =	vperm.xlane v13, v4;
	v9 =	vperm.xlane v15, v4;
	v10, v13, _ =	vpop (xrf1)  }
0x164: {  	(xrf0) =	vmax.scan.msk.f32 $0xffff, v16;
	v10 =	vperm.xlane v10, v4;
	v13 =	vperm.xlane v13, v4  }
0x165: {  	v5 =	vsel vm0, v11, v5;
	v9 =	vsel vm0, v12, v9;
	v11, v12, _ =	vpop (xrf1)  }
0x166: {  	v17 =	vpop (erf);
	v15 =	vld [tilespmem:s26+$0xFFFFFFD0];
	v10 =	vsel vm0, v11, v10;
	v11 =	vsel vm0, v12, v13  }
0x167: {  	v17 =	vmul.f32 v17, v20;
	v18 =	vld [tilespmem:s26+$0xFFFFFFF0]  }
0x168: {  	(xrf1) =	vsort.dscd.msk.f32 $0xffff, v5, v9;
	v5 =	vld [tilespmem:s26+$0xFFFFFFE0]  }
0x169: {  	[tilespmem:s21+$0xFFFFFFF8] =	vst.msk $0xff, v17;
	(xrf1) =	vsort.dscd.msk.f32 $0xffff, v10, v11;
	v11, v9, _ =	vpop (xrf1)  }
0x16a: {  	[tilespmem:s22+$0xFFFFFFF8] =	vst.msk $0xff, v8;
	v8, _, _ =	vpop (xrf0);
	v10 =	vld [tilespmem:s26+$0xFFFFFFC0];
	(xrf0) =	vmax.scan.msk.f32 $0xffff, v11  }
0x16b: {  	v12 =	vld [tilespmem:s28+$0x30];
	(xrf1) =	vsort.dscd.msk.f32 $0xffff, v15, v1  }
0x16c: {  	v13 =	vbroadcast v8, $0xF;
	(xrf1) =	vsort.dscd.msk.f32 $0xffff, v18, v3;
	v17, v8, _ =	vpop (xrf1)  }
0x16d: {  	(xrf1) =	vsort.dscd.msk.f32 $0xffff, v5, v2;
	v5 =	vpop (erf)  }
0x16e: {  	v15 =	vld [tilespmem:s28+$0x10];
	v13 =	vsub.f32 v16, v13;
	(xrf0) =	vmax.scan.msk.f32 $0xffff, v17;
	v5 =	vmul.f32 v5, v14  }
0x16f: {  	(xrf1) =	vsort.dscd.msk.f32 $0xffff, v10, v0  }
0x170: {  	v10 =	vmul.f32 $1.442695020e+00, v13;
	(xrf1) =	vsort.dscd.msk.f32 $0xffff, v12, v3;
	[tilespmem:s17+$0xFFFFFE00] =	vst.msk $0xff, v5;
	v12, _, _ =	vpop (xrf0)  }
0x171: {  	v13 =	vld [tilespmem:s28+$0x20];
	[tilespmem:s18+$0xFFFFFE00] =	vst.msk $0xff, v6;
	v6 =	vbroadcast v12, $0xF  }
0x172: {  	(erf) = vpow2.f32 v10;
	v10 =	vld [tilespmem:s28+$0x0]  }
0x173: {  	(xrf1) =	vsort.dscd.msk.f32 $0xffff, v15, v1;
	v16 =	vld [tilespmem:s0+$0x70];
	v15, v5, _ =	vpop (xrf1)  }
0x174: {  	v18 =	vld [tilespmem:s0+$0x50];
	v12, _, _ =	vpop (xrf0)  }
0x175: {  	(xrf0) =	vmax.scan.msk.f32 $0xffff, v15;
	v20 =	vbroadcast v12, $0xF;
	v14 =	vsub.f32 v11, v6  }
0x176: {  	v11, v6, _ =	vpop (xrf1);
	(xrf1) =	vsort.dscd.msk.f32 $0xffff, v13, v2  }
0x177: {  	(xrf1) =	vsort.dscd.msk.f32 $0xffff, v10, v0;
	v10 =	vsub.f32 v17, v20  }
0x178: {  	v19 =	vld [tilespmem:s0+$0x60];
	v21 =	vmul.f32 $1.442695020e+00, v14;
	(xrf1) =	vsort.dscd.msk.f32 $0xffff, v16, v3  }
0x179: {  	v13 =	vld [tilespmem:s0+$0x40];
	v14, v12, _ =	vpop (xrf1);
	(xrf1) =	vsort.dscd.msk.f32 $0xffff, v18, v1;
	v18 =	vmul.f32 $1.442695020e+00, v10  }
0x17a: {  	v17, v20, _ =	vpop (xrf1)  }
0x17b: {  	v16, _, _ =	vpop (xrf0)  }
0x17c: {  	(erf) = vpow2.f32 v21;
	v21, v22, _ =	vpop (xrf1)  }
0x17d: {  	(xrf1) =	vsort.dscd.msk.f32 $0xffff, v19, v2;
	v19 =	vperm.xlane v21, v4;
	v21 =	vperm.xlane v22, v4;
	v10 =	vpop (erf)  }
0x17e: {  	(erf) = vpow2.f32 v18;
	(xrf1) =	vsort.dscd.msk.f32 $0xffff, v13, v0;
	v13 =	vperm.xlane v17, v4;
	v17, v18, _ =	vpop (xrf1)  }
0x17f: {  	v16 =	vbroadcast v16, $0xF;
	v18 =	vsel vm0, v18, v21  }
0x180: {  	v20 =	vperm.xlane v20, v4;
	v17 =	vsel vm0, v17, v19  }
0x181: {  	v16 =	vsub.f32 v15, v16;
	v21 =	vnsel vm0, $0x0, v10  }
0x182: {  	v15, v19, _ =	vpop (xrf1);
	(xrf2) =	vadd.scan.msk.f32 $0xffff, v21  }
0x183: {  	s12 =	simm.s32 $0xE;
	v15 =	vsel vm0, v15, v13;
	(xrf1) =	vsort.dscd.msk.f32 $0xffff, v17, v18;
	v13 =	vmul.f32 $1.442695020e+00, v16;
	v17, v18, _ =	vpop (xrf1)  }
0x184: {  	s13 =	simm.s32 $0x880;
	s1 =	simm.s32 $0x2258;
	s0 =	simm.s32 $0x26D8;
	v19 =	vsel vm0, v19, v20;
	v16 =	vperm.xlane v17, v4;
	v17 =	vperm.xlane v18, v4;
	v20, v18, _ =	vpop (xrf1)  }
.LBB2_2:
0x185: {  	v21 =	vld [tilespmem:s13+$0xFFFFFF80];
	(xrf1) =	vsort.dscd.msk.f32 $0xffff, v15, v19;
	v15 =	vperm.xlane v20, v4;
	v19, v20, _ =	vpop (xrf1);
	(erf) = vpow2.f32 v13  }
0x186: {  	v23 =	vperm.xlane v18, v4;
	v22 =	vpop (erf);
	v25 =	vsel vm0, v19, v16;
	v17 =	vsel vm0, v20, v17  }
0x187: {  	v24 =	vnsel vm0, $0x0, v22;
	v19, v20, _ =	vpop (xrf1);
	(xrf1) =	vsort.dscd.msk.f32 $0xffff, v25, v17  }
0x188: {  	(xrf2) =	vadd.scan.msk.f32 $0xffff, v24;
	v24 =	vsel vm0, v19, v15;
	v19 =	vsel vm0, v20, v23;
	v13 =	vpop (erf)  }
0x189: {  	v26 =	vperm.xlane v14, v4;
	(xrf1) =	vsort.dscd.msk.f32 $0xffff, v24, v19;
	v15, v16, _ =	vpop (xrf1)  }
0x18a: {  	(xrf1) =	vsort.dscd.msk.f32 $0xffff, v21, v0;
	v15 =	vperm.xlane v15, v4;
	v16 =	vperm.xlane v16, v4;
	v17, v18, _ =	vpop (xrf1)  }
0x18b: {  	v25 =	vperm.xlane v12, v4;
	v19 =	vnsel vm0, $0x0, v13;
	v17 =	vperm.xlane v17, v4;
	v20, v21, _ =	vpop (xrf1)  }
0x18c: {  	v18 =	vperm.xlane v18, v4;
	v23 =	vld [tilespmem:s13+$0xFFFFFF90];
	v24, _, _ =	vpop (xrf2);
	(xrf2) =	vadd.scan.msk.f32 $0xffff, v19;
	v15 =	vsel vm0, v20, v15;
	v16 =	vsel vm0, v21, v16  }
0x18d: {  	v11 =	vsel vm0, v11, v26;
	v6 =	vsel vm0, v6, v25;
	v19 =	vld [tilespmem:s13+$0xFFFFFFB0];
	v12, v14, _ =	vpop (xrf1);
	(xrf1) =	vsort.dscd.msk.f32 $0xffff, v15, v16  }
0x18e: {  	v20 =	vbroadcast v24, $0xF;
	(xrf1) =	vsort.dscd.msk.f32 $0xffff, v11, v6;
	v16 =	vsel vm0, v12, v17;
	v12 =	vsel vm0, v14, v18;
	v14 =	vpop (erf)  }
0x18f: {  	v15 =	vld [tilespmem:s13+$0xFFFFFFA0];
	(xrf1) =	vsort.dscd.msk.f32 $0xffff, v16, v12;
	v12 =	vnsel vm0, $0x0, v14  }
0x190: {  	(erf) = vrcp.f32 v20;
	(xrf2) =	vadd.scan.msk.f32 $0xffff, v12  }
0x191: {  	(xrf1) =	vsort.dscd.msk.f32 $0xffff, v23, v1;
	v6, v11, _ =	vpop (xrf1)  }
0x192: {  	(xrf1) =	vsort.dscd.msk.f32 $0xffff, v19, v3;
	v12, _, _ =	vpop (xrf2)  }
0x193: {  	v6 =	vperm.xlane v6, v4;
	v16, v17, _ =	vpop (xrf1)  }
0x194: {  	v18 =	vperm.xlane v11, v4;
	(xrf1) =	vsort.dscd.msk.f32 $0xffff, v15, v2  }
0x195: {  	v12 =	vbroadcast v12, $0xF;
	v21 =	vsel vm0, v16, v6;
	v15, v16, _ =	vpop (xrf1)  }
0x196: {  	v20 =	vsel vm0, v17, v18;
	v15 =	vperm.xlane v15, v4;
	v16 =	vperm.xlane v16, v4;
	v17, _, _ =	vpop (xrf2)  }
0x197: {  	(xrf1) =	vsort.dscd.msk.f32 $0xffff, v21, v20;
	v6, v11, _ =	vpop (xrf1)  }
0x198: {  	v18, v19, _ =	vpop (xrf1);
	(erf) = vrcp.f32 v12;
	v6 =	vsel vm0, v6, v15;
	v15 =	vsel vm0, v11, v16  }
0x199: {  	v17 =	vbroadcast v17, $0xF;
	v12 =	vpop (erf);
	(xrf1) =	vsort.dscd.msk.f32 $0xffff, v6, v15  }
0x19a: {  	v10 =	vmul.f32 v12, v10;
	v11, _, _ =	vpop (xrf2)  }
0x19b: {  	(erf) = vrcp.f32 v17;
	v6, v12, _ =	vpop (xrf1);
	v11 =	vbroadcast v11, $0xF  }
0x19c: {  	v15, v16, _ =	vpop (xrf1);
	v6 =	vperm.xlane v6, v4;
	v21 =	vperm.xlane v12, v4  }
0x19d: {  	s10 =	sadd.s32 $0x10, s10;
	(xrf0) =	vmax.scan.msk.f32 $0xffff, v15;
	v17, v20, _ =	vpop (xrf1);
	(erf) = vrcp.f32 v11  }
0x19e: {  	s11 =	sadd.s32 $0x10, s11;
	[tilespmem:s10+$0xFFFFFDF8] =	vst.msk $0xff, v10;
	v6 =	vsel vm0, v17, v6;
	v10 =	vsel vm0, v20, v21  }
0x19f: {  	v11, v12, _ =	vpop (xrf1);
	[tilespmem:s11+$0xFFFFFDF8] =	vst.msk $0xff, v7;
	(xrf1) =	vsort.dscd.msk.f32 $0xffff, v6, v10;
	v7 =	vmov v16  }
0x1a0: {  	v23 =	vperm.xlane v11, v4;
	v10 =	vperm.xlane v12, v4;
	v11, v12, _ =	vpop (xrf1);
	v16 =	vld [tilespmem:s29+$0xFFFFFFD0]  }
0x1a1: {  	v24 =	vperm.xlane v11, v4;
	v12 =	vperm.xlane v12, v4;
	v17 =	vpop (erf)  }
0x1a2: {  	v21 =	vsel vm0, v18, v23;
	v10 =	vsel vm0, v19, v10;
	v18, v19, _ =	vpop (xrf1);
	v20 =	vld [tilespmem:s29+$0xFFFFFFF0];
	v17 =	vmul.f32 v17, v22  }
0x1a3: {  	v18 =	vsel vm0, v18, v24;
	v12 =	vsel vm0, v19, v12;
	(xrf1) =	vsort.dscd.msk.f32 $0xffff, v21, v10;
	v6, _, _ =	vpop (xrf0)  }
0x1a4: {  	(xrf1) =	vsort.dscd.msk.f32 $0xffff, v18, v12;
	v10 =	vld [tilespmem:s29+$0xFFFFFFE0];
	[tilespmem:s23+$0xFFFFFFF8] =	vst.msk $0xff, v17;
	v11 =	vpop (erf)  }
0x1a5: {  	v12 =	vld [tilespmem:s29+$0xFFFFFFC0];
	(xrf1) =	vsort.dscd.msk.f32 $0xffff, v16, v1;
	[tilespmem:s24+$0xFFFFFFF8] =	vst.msk $0xff, v9;
	v16, v9, _ =	vpop (xrf1)  }
0x1a6: {  	v11 =	vmul.f32 v11, v13;
	(xrf0) =	vmax.scan.msk.f32 $0xffff, v16;
	v17 =	vld [tilespmem:s25+$0x30];
	v13 =	vpop (erf)  }
0x1a7: {  	v6 =	vbroadcast v6, $0xF;
	(xrf1) =	vsort.dscd.msk.f32 $0xffff, v20, v3;
	v18 =	vld [tilespmem:s25+$0x10];
	v19, v20, _ =	vpop (xrf1);
	v13 =	vmul.f32 v13, v14  }
0x1a8: {  	v14 =	vld [tilespmem:s25+$0x20];
	(xrf0) =	vmax.scan.msk.f32 $0xffff, v19;
	[tilespmem:s19+$0xFFFFFE00] =	vst.msk $0xff, v11  }
0x1a9: {  	v11 =	vsub.f32 v15, v6;
	(xrf1) =	vsort.dscd.msk.f32 $0xffff, v10, v2;
	[tilespmem:s15+$0x0] =	vst.msk $0xff, v13;
	s15 =	smov.u32 s17;
	s17 =	smov.u32 s19;
	s19 =	smov.u32 s21  }
0x1aa: {  	s21 =	smov.u32 s23;
	s23 =	smov.u32 s1;
	s1 =	smov.u32 s10;
	(xrf1) =	vsort.dscd.msk.f32 $0xffff, v12, v0;
	v10 =	vld [tilespmem:s25+$0x0];
	[tilespmem:s16+$0x0] =	vst.msk $0xff, v5  }
0x1ab: {  	v21 =	vmul.f32 $1.442695020e+00, v11;
	s16 =	smov.u32 s18;
	s18 =	smov.u32 s20;
	(xrf1) =	vsort.dscd.msk.f32 $0xffff, v17, v3;
	[tilespmem:s20+$0xFFFFFE00] =	vst.msk $0xff, v8;
	v8 =	vmov v20;
	s20 =	smov.u32 s22  }
0x1ac: {  	s22 =	smov.u32 s24;
	s24 =	smov.u32 s0;
	s0 =	smov.u32 s11;
	v6, _, _ =	vpop (xrf0);
	(xrf1) =	vsort.dscd.msk.f32 $0xffff, v18, v1;
	v12 =	vld [tilespmem:s30+$0x70]  }
0x1ad: {  	(erf) = vpow2.f32 v21;
	v18 =	vbroadcast v6, $0xF;
	(xrf1) =	vsort.dscd.msk.f32 $0xffff, v14, v2;
	v13 =	vld [tilespmem:s30+$0x50];
	v15, v5, _ =	vpop (xrf1)  }
0x1ae: {  	v11, _, _ =	vpop (xrf0);
	v17 =	vld [tilespmem:s30+$0x60];
	(xrf0) =	vmax.scan.msk.f32 $0xffff, v15  }
0x1af: {  	v20 =	vsub.f32 v16, v18;
	(xrf1) =	vsort.dscd.msk.f32 $0xffff, v10, v0;
	v10 =	vbroadcast v11, $0xF  }
0x1b0: {  	v16 =	vld [tilespmem:s30+$0x40];
	s30 =	smov.u32 s28;
	s28 =	smov.u32 s25;
	s25 =	smov.u32 s26  }
0x1b1: {  	s26 =	smov.u32 s29;
	s29 =	smov.u32 s31;
	s31 =	smov.u32 s13;
	v11, v6, _ =	vpop (xrf1);
	v18 =	vmul.f32 $1.442695020e+00, v20;
	v10 =	vsub.f32 v19, v10;
	(xrf1) =	vsort.dscd.msk.f32 $0xffff, v12, v3  }
0x1b2: {  	v14, v12, _ =	vpop (xrf1);
	(xrf1) =	vsort.dscd.msk.f32 $0xffff, v13, v1  }
0x1b3: {  	s12 =	sadd.s32 $0x2, s12;
	v13, v19, _ =	vpop (xrf1);
	(erf) = vpow2.f32 v18;
	v21 =	vmul.f32 $1.442695020e+00, v10;
	(xrf1) =	vsort.dscd.msk.f32 $0xffff, v17, v2  }
0x1b4: {  	p0 =	slt.u32 s12, $0x3E;
	v17, _, _ =	vpop (xrf0)  }
0x1b5: {  	v18, v20, _ =	vpop (xrf1);
	(erf) = vpow2.f32 v21;
	(xrf1) =	vsort.dscd.msk.f32 $0xffff, v16, v0;
	v16 =	vbroadcast v17, $0xF  }
.Ltmp0:
0x1b6: {  	v10 =	vpop (erf);
	v25 =	vperm.xlane v18, v4;
	v24 =	vperm.xlane v20, v4;
	(pc) =	sbr.rel @p0 .LBB2_2-.Ltmp0, $4  }
0x1b7: {  	v13 =	vperm.xlane v13, v4;
	v23 =	vnsel vm0, $0x0, v10;
	v21, v22, _ =	vpop (xrf1);
	v16 =	vsub.f32 v15, v16  }
0x1b8: {  	v19 =	vperm.xlane v19, v4;
	(xrf2) =	vadd.scan.msk.f32 $0xffff, v23;
	v23 =	vsel vm0, v21, v25;
	v21 =	vsel vm0, v22, v24;
	v15, v20, _ =	vpop (xrf1)  }
0x1b9: {  	v15 =	vsel vm0, v15, v13;
	(xrf1) =	vsort.dscd.msk.f32 $0xffff, v23, v21;
	v17, v18, _ =	vpop (xrf1);
	v13 =	vmul.f32 $1.442695020e+00, v16  }
0x1ba: {  	s13 =	sadd.s32 $0x100, s13;
	v19 =	vsel vm0, v20, v19;
	v16 =	vperm.xlane v17, v4;
	v17 =	vperm.xlane v18, v4;
	v20, v18, _ =	vpop (xrf1)  }
0x1bb: {  	v21, v22, _ =	vpop (xrf1)  }
0x1bc: {  	v16 =	vsel vm0, v21, v16  }
0x1bd: {  	(xrf1) =	vsort.dscd.msk.f32 $0xffff, v15, v19;
	v52 =	vpop (erf);
	v17 =	vsel vm0, v22, v17  }
0x1be: {  	v53 =	vperm.xlane v20, v4;
	v18 =	vperm.xlane v18, v4;
	v54, v55, _ =	vpop (xrf1);
	v56 =	vnsel vm0, $0x0, v52;
	(xrf1) =	vsort.dscd.msk.f32 $0xffff, v16, v17  }
0x1bf: {  	(xrf2) =	vadd.scan.msk.f32 $0xffff, v56;
	v16 =	vpop (erf)  }
0x1c0: {  	v14 =	vperm.xlane v14, v4;
	v57 =	vsel vm0, v54, v53;
	v18 =	vsel vm0, v55, v18;
	v19, v20, _ =	vpop (xrf1)  }
0x1c1: {  	v19 =	vperm.xlane v19, v4;
	v20 =	vperm.xlane v20, v4;
	v59, v58, _ =	vpop (xrf1);
	(xrf1) =	vsort.dscd.msk.f32 $0xffff, v57, v18  }
0x1c2: {  	v12 =	vperm.xlane v12, v4;
	(erf) = vpow2.f32 v13;
	v60 =	vnsel vm0, $0x0, v16;
	v61, v23, _ =	vpop (xrf1)  }
0x1c3: {  	v11 =	vsel vm0, v11, v14;
	(xrf2) =	vadd.scan.msk.f32 $0xffff, v60;
	v62 =	vsel vm0, v61, v19;
	v63 =	vsel vm0, v23, v20  }
0x1c4: {  	v6 =	vsel vm0, v6, v12;
	v24 =	vperm.xlane v59, v4;
	v23, _, _ =	vpop (xrf2);
	(xrf1) =	vsort.dscd.msk.f32 $0xffff, v62, v63  }
0x1c5: {  	v25 =	vperm.xlane v58, v4;
	(xrf1) =	vsort.dscd.msk.f32 $0xffff, v11, v6;
	v6 =	vbroadcast v23, $0xF  }
0x1c6: {  	v27, v26, _ =	vpop (xrf1)  }
0x1c7: {  	v28 =	vsel vm0, v26, v25;
	(erf) = vrcp.f32 v6;
	v6 =	vsel vm0, v27, v24  }
0x1c8: {  	(xrf1) =	vsort.dscd.msk.f32 $0xffff, v6, v28  }
0x1c9: {  	v29, _, _ =	vpop (xrf2)  }
0x1ca: {  	v6, v11, _ =	vpop (xrf1);
	v12 =	vbroadcast v29, $0xF  }
0x1cb: {  	v30 =	vperm.xlane v6, v4;
	v11 =	vperm.xlane v11, v4;
	v32, v31, _ =	vpop (xrf1)  }
0x1cc: {  	v6 =	vpop (erf);
	(erf) = vrcp.f32 v12  }
0x1cd: {  	v34, v35, _ =	vpop (xrf1);
	v13 =	vsel vm0, v32, v30;
	v11 =	vsel vm0, v31, v11  }
0x1ce: {  	v33 =	vnsel vm0, $0x0, v6;
	v37, _, _ =	vpop (xrf2);
	(xrf1) =	vsort.dscd.msk.f32 $0xffff, v13, v11  }
0x1cf: {  	(xrf2) =	vadd.scan.msk.f32 $0xffff, v33;
	v36 =	vperm.xlane v34, v4;
	v38 =	vperm.xlane v35, v4;
	v41, v40, _ =	vpop (xrf1)  }
0x1d0: {  	v12 =	vbroadcast v37, $0xF;
	v39 =	vpop (erf)  }
0x1d1: {  	v42 =	vsel vm0, v41, v36;
	v43 =	vsel vm0, v40, v38;
	v14 =	vmul.f32 v39, v10  }
0x1d2: {  	s10 =	sadd.s32 $0x10, s10;
	(erf) = vrcp.f32 v12;
	v45, v44, _ =	vpop (xrf1);
	(xrf1) =	vsort.dscd.msk.f32 $0xffff, v42, v43  }
0x1d3: {  	s11 =	sadd.s32 $0x10, s11;
	v17, v10, _ =	vpop (xrf1);
	[tilespmem:s10+$0xFFFFFDF8] =	vst.msk $0xff, v14  }
0x1d4: {  	(xrf0) =	vmax.scan.msk.f32 $0xffff, v17;
	[tilespmem:s11+$0xFFFFFDF8] =	vst.msk $0xff, v7  }
0x1d5: {  	v46 =	vperm.xlane v45, v4;
	v47 =	vperm.xlane v44, v4;
	v7 =	vld [tilespmem:s29+$0xFFFFFFD0];
	v48 =	vpop (erf)  }
0x1d6: {  	v51 =	vld [tilespmem:s29+$0xFFFFFFF0];
	v50, v49, _ =	vpop (xrf1)  }
0x1d7: {  	v53 =	vld [tilespmem:s29+$0xFFFFFFE0];
	v13 =	vmul.f32 v48, v52;
	v11 =	vsel vm0, v50, v46;
	v12 =	vsel vm0, v49, v47  }
0x1d8: {  	(xrf1) =	vsort.dscd.msk.f32 $0xffff, v11, v12  }
0x1d9: {  	v55 =	vld [tilespmem:s29+$0xFFFFFFC0];
	v52, _, _ =	vpop (xrf2);
	[tilespmem:s23+$0xFFFFFFF8] =	vst.msk $0xff, v13  }
0x1da: {  	[tilespmem:s24+$0xFFFFFFF8] =	vst.msk $0xff, v9;
	v54, _, _ =	vpop (xrf0);
	(xrf1) =	vsort.dscd.msk.f32 $0xffff, v7, v1;
	v7 =	vbroadcast v52, $0xF  }
0x1db: {  	v56 =	vpop (erf);
	v57 =	vld [tilespmem:s25+$0x30];
	v13 =	vbroadcast v54, $0xF;
	(xrf1) =	vsort.dscd.msk.f32 $0xffff, v51, v3  }
0x1dc: {  	v58, v11, _ =	vpop (xrf1);
	(erf) = vrcp.f32 v7;
	(xrf1) =	vsort.dscd.msk.f32 $0xffff, v53, v2  }
0x1dd: {  	v59 =	vld [tilespmem:s25+$0x10];
	v7 =	vmul.f32 v56, v16;
	(xrf0) =	vmax.scan.msk.f32 $0xffff, v58;
	v13 =	vsub.f32 v17, v13  }
0x1de: {  	v60 =	vld [tilespmem:s25+$0x20];
	(xrf1) =	vsort.dscd.msk.f32 $0xffff, v55, v0  }
0x1df: {  	[tilespmem:s19+$0xFFFFFE00] =	vst.msk $0xff, v7;
	v13 =	vmul.f32 $1.442695020e+00, v13  }
0x1e0: {  	v7 =	vld [tilespmem:s25+$0x0];
	(xrf1) =	vsort.dscd.msk.f32 $0xffff, v57, v3;
	[tilespmem:s20+$0xFFFFFE00] =	vst.msk $0xff, v8;
	v62, v12, _ =	vpop (xrf1)  }
0x1e1: {  	v61 =	vld [tilespmem:s30+$0x70];
	(erf) = vpow2.f32 v13;
	(xrf0) =	vmax.scan.msk.f32 $0xffff, v62  }
0x1e2: {  	(xrf1) =	vsort.dscd.msk.f32 $0xffff, v59, v1;
	v63 =	vld [tilespmem:s30+$0x50]  }
0x1e3: {  	(xrf1) =	vsort.dscd.msk.f32 $0xffff, v60, v2  }
0x1e4: {  	v20, _, _ =	vpop (xrf0)  }
0x1e5: {  	v21 =	vld [tilespmem:s30+$0x60];
	(xrf1) =	vsort.dscd.msk.f32 $0xffff, v7, v0;
	v22 =	vbroadcast v20, $0xF;
	v8 =	vpop (erf)  }
0x1e6: {  	(xrf1) =	vsort.dscd.msk.f32 $0xffff, v61, v3;
	v24, v7, _ =	vpop (xrf1)  }
0x1e7: {  	v23 =	vld [tilespmem:s30+$0x40];
	v16 =	vsub.f32 v58, v22;
	(xrf1) =	vsort.dscd.msk.f32 $0xffff, v63, v1;
	v27, _, _ =	vpop (xrf0)  }
0x1e8: {  	(xrf0) =	vmax.scan.msk.f32 $0xffff, v24;
	v26, v18, _ =	vpop (xrf1)  }
0x1e9: {  	v25 =	vmul.f32 $1.442695020e+00, v16;
	v13 =	vbroadcast v27, $0xF;
	v29, v28, _ =	vpop (xrf1)  }
0x1ea: {  	(xrf1) =	vsort.dscd.msk.f32 $0xffff, v21, v2;
	v16 =	vperm.xlane v26, v4;
	v17 =	vpop (erf);
	v9 =	vperm.xlane v29, v4  }
0x1eb: {  	(erf) = vpow2.f32 v25;
	v19 =	vperm.xlane v28, v4;
	v13 =	vsub.f32 v62, v13;
	v31, v32, _ =	vpop (xrf1)  }
0x1ec: {  	(xrf1) =	vsort.dscd.msk.f32 $0xffff, v23, v0;
	v33 =	vperm.xlane v18, v4;
	v30 =	vnsel vm0, $0x0, v17;
	v36, v35, _ =	vpop (xrf1);
	v9 =	vsel vm0, v31, v9  }
0x1ed: {  	(xrf2) =	vadd.scan.msk.f32 $0xffff, v30;
	v34 =	vsel vm0, v32, v19;
	v13 =	vmul.f32 $1.442695020e+00, v13;
	v16 =	vsel vm0, v36, v16  }
0x1ee: {  	v15 =	vsel vm0, v35, v33;
	(xrf1) =	vsort.dscd.msk.f32 $0xffff, v9, v34;
	v40, _, _ =	vpop (xrf0)  }
0x1ef: {  	(erf) = vpow2.f32 v13;
	v42 =	vbroadcast v40, $0xF;
	v9, v18, _ =	vpop (xrf1)  }
0x1f0: {  	(xrf1) =	vsort.dscd.msk.f32 $0xffff, v16, v15;
	v9 =	vperm.xlane v9, v4;
	v18 =	vperm.xlane v18, v4;
	v37, v38, _ =	vpop (xrf1)  }
0x1f1: {  	v14 =	vsub.f32 v24, v42;
	v39 =	vperm.xlane v37, v4;
	v15, v16, _ =	vpop (xrf1)  }
0x1f2: {  	v20 =	vperm.xlane v38, v4;
	v9 =	vsel vm0, v15, v9;
	v41 =	vsel vm0, v16, v18  }
0x1f3: {  	v43, v44, _ =	vpop (xrf1);
	(xrf1) =	vsort.dscd.msk.f32 $0xffff, v9, v41  }
0x1f4: {  	v14 =	vmul.f32 $1.442695020e+00, v14;
	v45 =	vpop (erf);
	v46 =	vsel vm0, v43, v39;
	v47 =	vsel vm0, v44, v20  }
0x1f5: {  	v48 =	vnsel vm0, $0x0, v45;
	(xrf1) =	vsort.dscd.msk.f32 $0xffff, v46, v47;
	v9, v13, _ =	vpop (xrf1)  }
0x1f6: {  	(erf) = vpow2.f32 v14;
	(xrf2) =	vadd.scan.msk.f32 $0xffff, v48;
	v50, v49, _ =	vpop (xrf1)  }
0x1f7: {  	v9 =	vperm.xlane v9, v4;
	v13 =	vperm.xlane v13, v4;
	v51, _, _ =	vpop (xrf2)  }
0x1f8: {  	v16 =	vperm.xlane v50, v4;
	v19, v20, _ =	vpop (xrf1);
	v18 =	vperm.xlane v49, v4  }
0x1f9: {  	v54 =	vbroadcast v51, $0xF;
	v55 =	vpop (erf);
	v9 =	vsel vm0, v19, v9;
	v13 =	vsel vm0, v20, v13  }
0x1fa: {  	v53, v52, _ =	vpop (xrf1);
	v57 =	vnsel vm0, $0x0, v55;
	(xrf1) =	vsort.dscd.msk.f32 $0xffff, v9, v13  }
0x1fb: {  	v14 =	vsel vm0, v53, v16;
	v56 =	vsel vm0, v52, v18;
	(erf) = vrcp.f32 v54;
	(xrf2) =	vadd.scan.msk.f32 $0xffff, v57  }
0x1fc: {  	(xrf1) =	vsort.dscd.msk.f32 $0xffff, v14, v56;
	v59, v58, _ =	vpop (xrf1)  }
0x1fd: {  	v9 =	vperm.xlane v59, v4  }
0x1fe: {  	v14 =	vperm.xlane v58, v4;
	v60, v61, _ =	vpop (xrf1)  }
0x1ff: {  	v9 =	vsel vm0, v60, v9  }
0x200: {  	v14 =	vsel vm0, v61, v14;
	v62, _, _ =	vpop (xrf2)  }
0x201: {  	(xrf1) =	vsort.dscd.msk.f32 $0xffff, v9, v14;
	v22, v23, _ =	vpop (xrf1)  }
0x202: {  	v63 =	vbroadcast v62, $0xF;
	v9 =	vpop (erf)  }
0x203: {  	v24 =	vperm.xlane v22, v4;
	v25 =	vperm.xlane v23, v4;
	v27, v26, _ =	vpop (xrf1)  }
0x204: {  	(erf) = vrcp.f32 v63;
	v29 =	vpop (erf)  }
0x205: {  	v30 =	vmul.f32 v29, v17;
	v31, _, _ =	vpop (xrf2);
	v14 =	vsel vm0, v27, v24;
	v28 =	vsel vm0, v26, v25  }
0x206: {  	s13 =	sadd.s32 $0x10, s10;
	v16 =	vbroadcast v31, $0xF;
	(xrf1) =	vsort.dscd.msk.f32 $0xffff, v14, v28  }
0x207: {  	s12 =	sadd.s32 $0x10, s11;
	[tilespmem:s13+$0xFFFFFDF8] =	vst.msk $0xff, v30  }
0x208: {  	[tilespmem:s12+$0xFFFFFDF8] =	vst.msk $0xff, v10;
	(erf) = vrcp.f32 v16;
	v17, v18, _ =	vpop (xrf1)  }
0x209: {  	v36 =	vld [tilespmem:s31+$0xFFFFFFD0];
	v32 =	vperm.xlane v17, v4;
	v33 =	vperm.xlane v18, v4  }
0x20a: {  	v38 =	vld [tilespmem:s31+$0xFFFFFFF0];
	v34, v35, _ =	vpop (xrf1)  }
0x20b: {  	v10 =	vsel vm0, v34, v32;
	v37 =	vsel vm0, v35, v33  }
0x20c: {  	v39 =	vnsel vm0, $0x0, v9;
	v40 =	vld [tilespmem:s31+$0xFFFFFFE0];
	(xrf1) =	vsort.dscd.msk.f32 $0xffff, v10, v37  }
0x20d: {  	(xrf2) =	vadd.scan.msk.f32 $0xffff, v39;
	v41 =	vpop (erf)  }
0x20e: {  	v42 =	vld [tilespmem:s31+$0xFFFFFFC0];
	v10 =	vmul.f32 v41, v45;
	(xrf1) =	vsort.dscd.msk.f32 $0xffff, v36, v1  }
0x20f: {  	v43, v14, _ =	vpop (xrf1);
	(xrf1) =	vsort.dscd.msk.f32 $0xffff, v38, v3  }
0x210: {  	[tilespmem:s1+$0xFFFFFFF8] =	vst.msk $0xff, v10;
	(xrf0) =	vmax.scan.msk.f32 $0xffff, v43  }
0x211: {  	(xrf1) =	vsort.dscd.msk.f32 $0xffff, v40, v2;
	[tilespmem:s0+$0xFFFFFFF8] =	vst.msk $0xff, v11;
	v44 =	vpop (erf)  }
0x212: {  	v11 =	vld [tilespmem:s26+$0x30];
	v10 =	vmul.f32 v44, v55  }
0x213: {  	(xrf1) =	vsort.dscd.msk.f32 $0xffff, v42, v0;
	v45 =	vld [tilespmem:s26+$0x10]  }
0x214: {  	v47 =	vld [tilespmem:s26+$0x20];
	[tilespmem:s21+$0xFFFFFE00] =	vst.msk $0xff, v10;
	v46, v13, _ =	vpop (xrf1)  }
0x215: {  	v48 =	vld [tilespmem:s26+$0x0];
	[tilespmem:s22+$0xFFFFFE00] =	vst.msk $0xff, v12;
	(xrf0) =	vmax.scan.msk.f32 $0xffff, v46  }
0x216: {  	v49, _, _ =	vpop (xrf0);
	v51 =	vld [tilespmem:s28+$0x70]  }
0x217: {  	(xrf1) =	vsort.dscd.msk.f32 $0xffff, v11, v3;
	v52 =	vbroadcast v49, $0xF  }
0x218: {  	v50, _, _ =	vpop (xrf2);
	v53 =	vld [tilespmem:s28+$0x50];
	(xrf1) =	vsort.dscd.msk.f32 $0xffff, v45, v1  }
0x219: {  	v12 =	vbroadcast v50, $0xF;
	(xrf1) =	vsort.dscd.msk.f32 $0xffff, v47, v2;
	v18 =	vsub.f32 v43, v52  }
0x21a: {  	v55 =	vld [tilespmem:s28+$0x60];
	(xrf1) =	vsort.dscd.msk.f32 $0xffff, v48, v0;
	v54, v10, _ =	vpop (xrf1)  }
0x21b: {  	v56 =	vld [tilespmem:s28+$0x40];
	(erf) = vrcp.f32 v12;
	v18 =	vmul.f32 $1.442695020e+00, v18;
	(xrf1) =	vsort.dscd.msk.f32 $0xffff, v51, v3;
	v57, _, _ =	vpop (xrf0)  }
0x21c: {  	(xrf0) =	vmax.scan.msk.f32 $0xffff, v54;
	v59, v58, _ =	vpop (xrf1);
	v12 =	vbroadcast v57, $0xF  }
0x21d: {  	(xrf1) =	vsort.dscd.msk.f32 $0xffff, v53, v1;
	(erf) = vpow2.f32 v18;
	v61, v60, _ =	vpop (xrf1)  }
0x21e: {  	v16 =	vperm.xlane v61, v4;
	v17 =	vperm.xlane v60, v4;
	v12 =	vsub.f32 v46, v12  }
0x21f: {  	(xrf1) =	vsort.dscd.msk.f32 $0xffff, v55, v2;
	v11 =	vperm.xlane v59, v4;
	v19 =	vperm.xlane v58, v4;
	v62, v63, _ =	vpop (xrf1)  }
0x220: {  	(xrf1) =	vsort.dscd.msk.f32 $0xffff, v56, v0;
	v16 =	vsel vm0, v62, v16;
	v17 =	vsel vm0, v63, v17;
	v12 =	vmul.f32 $1.442695020e+00, v12  }
0x221: {  	v24, v23, _ =	vpop (xrf1);
	(xrf1) =	vsort.dscd.msk.f32 $0xffff, v16, v17  }
0x222: {  	v25 =	vsel vm0, v23, v19;
	(erf) = vpow2.f32 v12;
	v12 =	vsel vm0, v24, v11  }
0x223: {  	v26, _, _ =	vpop (xrf0);
	(xrf1) =	vsort.dscd.msk.f32 $0xffff, v12, v25  }
0x224: {  	v11 =	vpop (erf)  }
0x225: {  	v28, v27, _ =	vpop (xrf1)  }
0x226: {  	v18, v19, _ =	vpop (xrf1);
	v16 =	vperm.xlane v28, v4;
	v17 =	vperm.xlane v27, v4  }
0x227: {  	v30, v29, _ =	vpop (xrf1);
	v18 =	vperm.xlane v18, v4  }
0x228: {  	v31 =	vpop (erf);
	v19 =	vperm.xlane v19, v4;
	v16 =	vsel vm0, v30, v16;
	v17 =	vsel vm0, v29, v17  }
0x229: {  	v42 =	vnsel vm0, $0x0, v31;
	v32, v33, _ =	vpop (xrf1);
	(xrf1) =	vsort.dscd.msk.f32 $0xffff, v16, v17  }
0x22a: {  	(xrf2) =	vadd.scan.msk.f32 $0xffff, v42;
	v35 =	vsel vm0, v32, v18;
	v36 =	vsel vm0, v33, v19;
	v38, v37, _ =	vpop (xrf1)  }
0x22b: {  	(xrf1) =	vsort.dscd.msk.f32 $0xffff, v35, v36;
	v34 =	vpop (erf)  }
0x22c: {  	v39 =	vperm.xlane v38, v4;
	v20 =	vperm.xlane v37, v4;
	v17, v18, _ =	vpop (xrf1)  }
0x22d: {  	v12 =	vbroadcast v26, $0xF;
	v41, v40, _ =	vpop (xrf1);
	v17 =	vperm.xlane v17, v4  }
0x22e: {  	v18 =	vperm.xlane v18, v4;
	v25, v26, _ =	vpop (xrf1);
	v15 =	vsel vm0, v41, v39;
	v20 =	vsel vm0, v40, v20  }
0x22f: {  	v12 =	vsub.f32 v54, v12;
	v24 =	vnsel vm0, $0x0, v34;
	v44, v43, _ =	vpop (xrf1);
	(xrf1) =	vsort.dscd.msk.f32 $0xffff, v15, v20;
	v46 =	vsel vm0, v25, v17  }
0x230: {  	(xrf2) =	vadd.scan.msk.f32 $0xffff, v24;
	v47 =	vsel vm0, v26, v18;
	v19 =	vperm.xlane v44, v4;
	v45 =	vperm.xlane v43, v4  }
0x231: {  	(xrf1) =	vsort.dscd.msk.f32 $0xffff, v46, v47;
	v49, v48, _ =	vpop (xrf1)  }
0x232: {  	v12 =	vmul.f32 $1.442695020e+00, v12;
	v50 =	vsel vm0, v49, v19;
	v51 =	vsel vm0, v48, v45  }
0x233: {  	(xrf1) =	vsort.dscd.msk.f32 $0xffff, v50, v51  }
0x234: {  	(erf) = vpow2.f32 v12;
	v54, _, _ =	vpop (xrf2)  }
0x235: {  	v17 =	vbroadcast v54, $0xF;
	_ =	sdelay $0x1  }
0x236: {  	(erf) = vrcp.f32 v17;
	v53, v52, _ =	vpop (xrf1)  }
0x237: {  	v12 =	vperm.xlane v53, v4  }
0x238: {  	v15 =	vperm.xlane v52, v4;
	v18, v19, _ =	vpop (xrf1)  }
0x239: {  	v12 =	vsel vm0, v18, v12  }
0x23a: {  	v55, _, _ =	vpop (xrf2);
	v15 =	vsel vm0, v19, v15  }
0x23b: {  	(xrf1) =	vsort.dscd.msk.f32 $0xffff, v12, v15;
	v15 =	vbroadcast v55, $0xF  }
0x23c: {  	v12 =	vpop (erf)  }
0x23d: {  	v57, v56, _ =	vpop (xrf1);
	(erf) = vrcp.f32 v15  }
0x23e: {  	v60, v59, _ =	vpop (xrf1)  }
0x23f: {  	v58 =	vnsel vm0, $0x0, v12;
	v62 =	vpop (erf)  }
0x240: {  	v17 =	vperm.xlane v57, v4;
	(xrf2) =	vadd.scan.msk.f32 $0xffff, v58;
	v61, v21, _ =	vpop (xrf1)  }
0x241: {  	v18 =	vperm.xlane v56, v4;
	v24 =	vmul.f32 v62, v31;
	(xrf0) =	vmax.scan.msk.f32 $0xffff, v61;
	_ =	sdelay $0x1  }
0x242: {  	v15 =	vsel vm0, v60, v17;
	v63 =	vsel vm0, v59, v18;
	[tilespmem:s10+$0xFFFFFFF8] =	vst.msk $0xff, v24  }
0x243: {  	(xrf1) =	vsort.dscd.msk.f32 $0xffff, v15, v63;
	[tilespmem:s11+$0xFFFFFFF8] =	vst.msk $0xff, v14  }
0x244: {  	v28 =	vld [tilespmem:s29+$0x30]  }
0x245: {  	v26 =	vpop (erf)  }
0x246: {  	v25, _, _ =	vpop (xrf0)  }
0x247: {  	v31 =	vld [tilespmem:s29+$0x10];
	v16 =	vmul.f32 v26, v34;
	v27 =	vbroadcast v25, $0xF  }
0x248: {  	v33 =	vld [tilespmem:s29+$0x20];
	v29, v20, _ =	vpop (xrf1)  }
0x249: {  	(xrf1) =	vsort.dscd.msk.f32 $0xffff, v28, v3;
	v30, _, _ =	vpop (xrf2);
	[tilespmem:s23+$0xFFFFFE00] =	vst.msk $0xff, v16;
	v14 =	vsub.f32 v61, v27  }
0x24a: {  	v34 =	vld [tilespmem:s29+$0x0];
	(xrf0) =	vmax.scan.msk.f32 $0xffff, v29;
	v32 =	vbroadcast v30, $0xF;
	[tilespmem:s24+$0xFFFFFE00] =	vst.msk $0xff, v13  }
0x24b: {  	v13 =	vld [tilespmem:s25+$0x70];
	v14 =	vmul.f32 $1.442695020e+00, v14  }
0x24c: {  	(xrf1) =	vsort.dscd.msk.f32 $0xffff, v31, v1;
	v35 =	vld [tilespmem:s25+$0x50];
	(erf) = vrcp.f32 v32  }
0x24d: {  	(xrf1) =	vsort.dscd.msk.f32 $0xffff, v33, v2;
	(erf) = vpow2.f32 v14  }
0x24e: {  	v37 =	vld [tilespmem:s25+$0x60]  }
0x24f: {  	(xrf1) =	vsort.dscd.msk.f32 $0xffff, v34, v0  }
0x250: {  	v36, _, _ =	vpop (xrf0);
	(xrf1) =	vsort.dscd.msk.f32 $0xffff, v13, v3  }
0x251: {  	v39, v13, _ =	vpop (xrf1);
	v15 =	vbroadcast v36, $0xF;
	(xrf1) =	vsort.dscd.msk.f32 $0xffff, v35, v1  }
0x252: {  	v38 =	vld [tilespmem:s25+$0x40];
	(xrf0) =	vmax.scan.msk.f32 $0xffff, v39  }
0x253: {  	(xrf1) =	vsort.dscd.msk.f32 $0xffff, v37, v2;
	v15 =	vsub.f32 v29, v15;
	_ =	sdelay $0x1  }
0x254: {  	v15 =	vmul.f32 $1.442695020e+00, v15;
	v14 =	vpop (erf)  }
0x255: {  	v40 =	vpop (erf)  }
0x256: {  	(xrf1) =	vsort.dscd.msk.f32 $0xffff, v38, v0;
	(erf) = vpow2.f32 v15;
	v41 =	vnsel vm0, $0x0, v40  }
0x257: {  	v44, v43, _ =	vpop (xrf1);
	(xrf2) =	vadd.scan.msk.f32 $0xffff, v41  }
0x258: {  	v42, _, _ =	vpop (xrf0)  }
0x259: {  	v46, v45, _ =	vpop (xrf1);
	v16 =	vperm.xlane v44, v4;
	v19 =	vperm.xlane v43, v4  }
0x25a: {  	v48, v47, _ =	vpop (xrf1)  }
0x25b: {  	v15 =	vbroadcast v42, $0xF;
	v16 =	vsel vm0, v48, v16  }
0x25c: {  	v51 =	vsel vm0, v47, v19;
	v49, v50, _ =	vpop (xrf1)  }
0x25d: {  	v22 =	vperm.xlane v46, v4;
	v15 =	vsub.f32 v39, v15;
	(xrf1) =	vsort.dscd.msk.f32 $0xffff, v16, v51;
	v19, v24, _ =	vpop (xrf1)  }
0x25e: {  	v23 =	vperm.xlane v45, v4;
	v16, v18, _ =	vpop (xrf1)  }
0x25f: {  	v52 =	vsel vm0, v49, v22;
	v15 =	vmul.f32 $1.442695020e+00, v15;
	v27 =	vpop (erf)  }
0x260: {  	v53 =	vsel vm0, v50, v23;
	v19 =	vperm.xlane v19, v4;
	v54 =	vperm.xlane v24, v4;
	v58, v57, _ =	vpop (xrf1)  }
0x261: {  	(xrf1) =	vsort.dscd.msk.f32 $0xffff, v52, v53;
	(erf) = vpow2.f32 v15;
	v55, _, _ =	vpop (xrf2)  }
0x262: {  	v60 =	vsel vm0, v58, v19;
	v61 =	vsel vm0, v57, v54;
	v24 =	vbroadcast v55, $0xF  }
0x263: {  	v16 =	vperm.xlane v16, v4;
	v59 =	vperm.xlane v18, v4;
	v56 =	vnsel vm0, $0x0, v27;
	(xrf1) =	vsort.dscd.msk.f32 $0xffff, v60, v61  }
0x264: {  	v62, v63, _ =	vpop (xrf1);
	(xrf2) =	vadd.scan.msk.f32 $0xffff, v56;
	(erf) = vrcp.f32 v24  }
0x265: {  	v16 =	vsel vm0, v62, v16;
	v15 =	vsel vm0, v63, v59  }
0x266: {  	(xrf1) =	vsort.dscd.msk.f32 $0xffff, v16, v15;
	_ =	sdelay $0x4  }
0x267: {  	v29, v28, _ =	vpop (xrf1)  }
0x268: {  	v15 =	vpop (erf)  }
0x269: {  	v25 =	vpop (erf)  }
0x26a: {  	v17 =	vperm.xlane v29, v4;
	v26, _, _ =	vpop (xrf2);
	v16 =	vmul.f32 v25, v40  }
0x26b: {  	v30 =	vperm.xlane v28, v4;
	v32, v31, _ =	vpop (xrf1);
	v18 =	vbroadcast v26, $0xF  }
0x26c: {  	v17 =	vsel vm0, v32, v17;
	[tilespmem:s13+$0xFFFFFFF8] =	vst.msk $0xff, v16  }
0x26d: {  	(erf) = vrcp.f32 v18;
	v16 =	vsel vm0, v31, v30;
	[tilespmem:s12+$0xFFFFFFF8] =	vst.msk $0xff, v21  }
0x26e: {  	v33, v34, _ =	vpop (xrf1);
	v21 =	vld [tilespmem:s31+$0x30]  }
0x26f: {  	v19 =	vperm.xlane v34, v4;
	v18 =	vperm.xlane v33, v4;
	v35 =	vld [tilespmem:s31+$0x10]  }
0x270: {  	(xrf1) =	vsort.dscd.msk.f32 $0xffff, v17, v16;
	v36 =	vld [tilespmem:s31+$0x20];
	v16, v17, _ =	vpop (xrf1)  }
0x271: {  	v16 =	vsel vm0, v16, v18;
	v17 =	vsel vm0, v17, v19  }
0x272: {  	v37 =	vld [tilespmem:s31+$0x0];
	(xrf1) =	vsort.dscd.msk.f32 $0xffff, v16, v17  }
0x273: {  	(xrf1) =	vsort.dscd.msk.f32 $0xffff, v21, v3  }
0x274: {  	(xrf1) =	vsort.dscd.msk.f32 $0xffff, v35, v1  }
0x275: {  	(xrf1) =	vsort.dscd.msk.f32 $0xffff, v36, v2  }
0x276: {  	v38 =	vpop (erf)  }
0x277: {  	v17 =	vmul.f32 v38, v27;
	(xrf1) =	vsort.dscd.msk.f32 $0xffff, v37, v0;
	_ =	sdelay $0x1  }
0x278: {  	[tilespmem:s1+$0xFFFFFE00] =	vst.msk $0xff, v17  }
0x279: {  	[tilespmem:s0+$0xFFFFFE00] =	vst.msk $0xff, v20  }
0x27a: {  	v17 =	vld [tilespmem:s26+$0x70]  }
0x27b: {  	v39 =	vld [tilespmem:s26+$0x50]  }
0x27c: {  	v40 =	vnsel vm0, $0x0, v15;
	v41 =	vld [tilespmem:s26+$0x60]  }
0x27d: {  	(xrf2) =	vadd.scan.msk.f32 $0xffff, v40;
	v20 =	vld [tilespmem:s26+$0x40];
	v42, v22, _ =	vpop (xrf1)  }
0x27e: {  	(xrf0) =	vmax.scan.msk.f32 $0xffff, v42  }
0x27f: {  	(xrf1) =	vsort.dscd.msk.f32 $0xffff, v17, v3;
	v43, v16, _ =	vpop (xrf1)  }
0x280: {  	(xrf1) =	vsort.dscd.msk.f32 $0xffff, v39, v1;
	v44, v45, _ =	vpop (xrf1)  }
0x281: {  	(xrf1) =	vsort.dscd.msk.f32 $0xffff, v41, v2;
	v17 =	vperm.xlane v44, v4;
	v18 =	vperm.xlane v45, v4;
	v47, v46, _ =	vpop (xrf1)  }
0x282: {  	(xrf1) =	vsort.dscd.msk.f32 $0xffff, v20, v0;
	v19 =	vperm.xlane v47, v4;
	v49, v48, _ =	vpop (xrf1)  }
0x283: {  	v24 =	vperm.xlane v46, v4;
	v17 =	vsel vm0, v49, v17;
	v18 =	vsel vm0, v48, v18  }
0x284: {  	v50, v51, _ =	vpop (xrf1);
	(xrf1) =	vsort.dscd.msk.f32 $0xffff, v17, v18  }
0x285: {  	v52, _, _ =	vpop (xrf0);
	v53 =	vsel vm0, v50, v19;
	v54 =	vsel vm0, v51, v24  }
0x286: {  	v17 =	vbroadcast v52, $0xF;
	(xrf1) =	vsort.dscd.msk.f32 $0xffff, v53, v54  }
0x287: {  	v55, _, _ =	vpop (xrf2);
	(xrf0) =	vmax.scan.msk.f32 $0xffff, v43  }
0x288: {  	v18 =	vbroadcast v55, $0xF;
	v17 =	vsub.f32 v42, v17;
	_ =	sdelay $0x1  }
0x289: {  	(erf) = vrcp.f32 v18;
	v17 =	vmul.f32 $1.442695020e+00, v17;
	_ =	sdelay $0x1  }
0x28a: {  	(erf) = vpow2.f32 v17  }
0x28b: {  	v56, _, _ =	vpop (xrf0)  }
0x28c: {  	v58, v57, _ =	vpop (xrf1)  }
0x28d: {  	v17 =	vbroadcast v56, $0xF;
	v59, v60, _ =	vpop (xrf1)  }
0x28e: {  	v18 =	vperm.xlane v58, v4;
	v24, v25, _ =	vpop (xrf1)  }
0x28f: {  	v19 =	vperm.xlane v57, v4;
	v23 =	vsub.f32 v43, v17;
	v61, v62, _ =	vpop (xrf1)  }
0x290: {  	v20 =	vperm.xlane v59, v4;
	v21 =	vperm.xlane v60, v4;
	v18 =	vsel vm0, v24, v18;
	v63, v28, _ =	vpop (xrf1)  }
0x291: {  	v17 =	vpop (erf);
	v19 =	vsel vm0, v25, v19;
	v24 =	vperm.xlane v63, v4;
	v29 =	vperm.xlane v28, v4  }
0x292: {  	(xrf1) =	vsort.dscd.msk.f32 $0xffff, v18, v19;
	v30 =	vsel vm0, v61, v20;
	v31 =	vsel vm0, v62, v21;
	v32, v33, _ =	vpop (xrf1)  }
0x293: {  	v23 =	vmul.f32 $1.442695020e+00, v23;
	(xrf1) =	vsort.dscd.msk.f32 $0xffff, v30, v31;
	v34 =	vpop (erf);
	v35 =	vsel vm0, v32, v24;
	v36 =	vsel vm0, v33, v29  }
0x294: {  	v37 =	vnsel vm0, $0x0, v34;
	(xrf1) =	vsort.dscd.msk.f32 $0xffff, v35, v36  }
0x295: {  	(erf) = vpow2.f32 v23;
	(xrf2) =	vadd.scan.msk.f32 $0xffff, v37;
	_ =	sdelay $0x8  }
0x296: {  	v18 =	vpop (erf)  }
0x297: {  	v38, _, _ =	vpop (xrf2)  }
0x298: {  	v40, v39, _ =	vpop (xrf1);
	v19 =	vbroadcast v38, $0xF  }
0x299: {  	v41 =	vnsel vm0, $0x0, v18;
	v42, v43, _ =	vpop (xrf1)  }
0x29a: {  	(xrf2) =	vadd.scan.msk.f32 $0xffff, v41;
	(erf) = vrcp.f32 v19;
	v45, v44, _ =	vpop (xrf1)  }
0x29b: {  	(xrf0) =	vmax.scan.msk.f32 $0xffff, v45;
	_ =	sdelay $0x1  }
0x29c: {  	v20 =	vperm.xlane v40, v4;
	v21 =	vperm.xlane v39, v4;
	_ =	sdelay $0x1  }
0x29d: {  	v20 =	vsel vm0, v42, v20;
	v21 =	vsel vm0, v43, v21  }
0x29e: {  	(xrf1) =	vsort.dscd.msk.f32 $0xffff, v20, v21  }
0x29f: {  	v46, _, _ =	vpop (xrf0)  }
0x2a0: {  	v20 =	vbroadcast v46, $0xF  }
0x2a1: {  	v47 =	vpop (erf)  }
0x2a2: {  	v48, _, _ =	vpop (xrf2);
	v21 =	vmul.f32 v47, v34;
	v19 =	vsub.f32 v45, v20  }
0x2a3: {  	v49 =	vbroadcast v48, $0xF  }
0x2a4: {  	[tilespmem:s10+$0xFFFFFE00] =	vst.msk $0xff, v21;
	v19 =	vmul.f32 $1.442695020e+00, v19  }
0x2a5: {  	(erf) = vrcp.f32 v49;
	[tilespmem:s11+$0xFFFFFE00] =	vst.msk $0xff, v22  }
0x2a6: {  	v50 =	vld [tilespmem:s29+$0x70];
	(erf) = vpow2.f32 v19  }
0x2a7: {  	v51 =	vld [tilespmem:s29+$0x50];
	_ =	sdelay $0x1  }
0x2a8: {  	v21 =	vld [tilespmem:s29+$0x60];
	_ =	sdelay $0x1  }
0x2a9: {  	v22 =	vld [tilespmem:s29+$0x40];
	(xrf1) =	vsort.dscd.msk.f32 $0xffff, v50, v3  }
0x2aa: {  	v52, v24, _ =	vpop (xrf1);
	(xrf1) =	vsort.dscd.msk.f32 $0xffff, v51, v1  }
0x2ab: {  	(xrf0) =	vmax.scan.msk.f32 $0xffff, v52  }
0x2ac: {  	v19 =	vpop (erf);
	(xrf1) =	vsort.dscd.msk.f32 $0xffff, v21, v2  }
0x2ad: {  	v53 =	vpop (erf)  }
0x2ae: {  	(xrf1) =	vsort.dscd.msk.f32 $0xffff, v22, v0;
	v54 =	vnsel vm0, $0x0, v53  }
0x2af: {  	(xrf2) =	vadd.scan.msk.f32 $0xffff, v54;
	_ =	sdelay $0x1  }
0x2b0: {  	v55, _, _ =	vpop (xrf0)  }
0x2b1: {  	v22 =	vbroadcast v55, $0xF;
	_ =	sdelay $0x1  }
0x2b2: {  	v20 =	vsub.f32 v52, v22;
	_ =	sdelay $0x1  }
0x2b3: {  	v20 =	vmul.f32 $1.442695020e+00, v20  }
0x2b4: {  	v57, v56, _ =	vpop (xrf1)  }
0x2b5: {  	(erf) = vpow2.f32 v20;
	v59, v58, _ =	vpop (xrf1)  }
0x2b6: {  	v22 =	vperm.xlane v57, v4;
	v25 =	vperm.xlane v56, v4;
	v60, _, _ =	vpop (xrf2)  }
0x2b7: {  	v20 =	vperm.xlane v59, v4;
	v61, v29, _ =	vpop (xrf1);
	v27 =	vbroadcast v60, $0xF  }
0x2b8: {  	v26 =	vperm.xlane v58, v4;
	v22 =	vsel vm0, v61, v22;
	v25 =	vsel vm0, v29, v25  }
0x2b9: {  	v62, v63, _ =	vpop (xrf1);
	(xrf1) =	vsort.dscd.msk.f32 $0xffff, v22, v25;
	(erf) = vrcp.f32 v27  }
0x2ba: {  	v20 =	vsel vm0, v62, v20;
	v32 =	vsel vm0, v63, v26  }
0x2bb: {  	(xrf1) =	vsort.dscd.msk.f32 $0xffff, v20, v32;
	_ =	sdelay $0x5  }
0x2bc: {  	v33 =	vpop (erf)  }
0x2bd: {  	v34 =	vpop (erf)  }
0x2be: {  	v21 =	vmul.f32 v34, v53;
	_ =	sdelay $0x1  }
0x2bf: {  	[tilespmem:s13+$0xFFFFFE00] =	vst.msk $0xff, v21  }
0x2c0: {  	[tilespmem:s12+$0xFFFFFE00] =	vst.msk $0xff, v44  }
0x2c1: {  	v35, v22, _ =	vpop (xrf1);
	v23 =	vld [tilespmem:s31+$0x70]  }
0x2c2: {  	v21 =	vperm.xlane v35, v4;
	v22 =	vperm.xlane v22, v4;
	v36 =	vld [tilespmem:s31+$0x50]  }
0x2c3: {  	v38, v37, _ =	vpop (xrf1);
	v39 =	vld [tilespmem:s31+$0x60]  }
0x2c4: {  	v21 =	vsel vm0, v38, v21;
	v22 =	vsel vm0, v37, v22  }
0x2c5: {  	(xrf1) =	vsort.dscd.msk.f32 $0xffff, v21, v22  }
0x2c6: {  	(xrf1) =	vsort.dscd.msk.f32 $0xffff, v23, v3  }
0x2c7: {  	(xrf1) =	vsort.dscd.msk.f32 $0xffff, v36, v1  }
0x2c8: {  	v40 =	vld [tilespmem:s31+$0x40];
	(xrf1) =	vsort.dscd.msk.f32 $0xffff, v39, v2;
	_ =	sdelay $0x4  }
0x2c9: {  	(xrf1) =	vsort.dscd.msk.f32 $0xffff, v40, v0;
	_ =	sdelay $0x5  }
0x2ca: {  	v41, v22, _ =	vpop (xrf1)  }
0x2cb: {  	v23, v42, _ =	vpop (xrf1)  }
0x2cc: {  	v43, v44, _ =	vpop (xrf1);
	v25 =	vperm.xlane v42, v4  }
0x2cd: {  	v23 =	vperm.xlane v23, v4;
	v28, v45, _ =	vpop (xrf1)  }
0x2ce: {  	v25 =	vsel vm0, v45, v25  }
0x2cf: {  	v23 =	vsel vm0, v28, v23;
	_ =	sdelay $0x1  }
0x2d0: {  	v26 =	vperm.xlane v43, v4;
	v27 =	vperm.xlane v44, v4  }
0x2d1: {  	(xrf1) =	vsort.dscd.msk.f32 $0xffff, v23, v25;
	v23, v25, _ =	vpop (xrf1)  }
0x2d2: {  	v23 =	vsel vm0, v23, v26;
	v25 =	vsel vm0, v25, v27  }
0x2d3: {  	(xrf1) =	vsort.dscd.msk.f32 $0xffff, v23, v25;
	_ =	sdelay $0x2  }
0x2d4: {  	v46 =	vnsel vm0, $0x0, v33  }
0x2d5: {  	(xrf2) =	vadd.scan.msk.f32 $0xffff, v46  }
0x2d6: {  	(xrf0) =	vmax.scan.msk.f32 $0xffff, v41;
	_ =	sdelay $0x5  }
0x2d7: {  	v47, _, _ =	vpop (xrf0)  }
0x2d8: {  	v23 =	vbroadcast v47, $0xF;
	v49, v48, _ =	vpop (xrf1)  }
0x2d9: {  	v25 =	vperm.xlane v49, v4;
	v26 =	vperm.xlane v48, v4  }
0x2da: {  	v51, v50, _ =	vpop (xrf1)  }
0x2db: {  	v52, _, _ =	vpop (xrf2);
	v21 =	vsub.f32 v41, v23;
	v25 =	vsel vm0, v51, v25;
	v26 =	vsel vm0, v50, v26  }
0x2dc: {  	v23 =	vbroadcast v52, $0xF;
	(xrf1) =	vsort.dscd.msk.f32 $0xffff, v25, v26  }
0x2dd: {  	v21 =	vmul.f32 $1.442695020e+00, v21  }
0x2de: {  	(erf) = vrcp.f32 v23  }
0x2df: {  	(erf) = vpow2.f32 v21;
	_ =	sdelay $0x7  }
0x2e0: {  	v53 =	vpop (erf)  }
0x2e1: {  	v54 =	vpop (erf)  }
0x2e2: {  	v55 =	vnsel vm0, $0x0, v54  }
0x2e3: {  	(xrf2) =	vadd.scan.msk.f32 $0xffff, v55;
	v56, v26, _ =	vpop (xrf1)  }
0x2e4: {  	(xrf0) =	vmax.scan.msk.f32 $0xffff, v56;
	_ =	sdelay $0x5  }
0x2e5: {  	v57, _, _ =	vpop (xrf0)  }
0x2e6: {  	v27 =	vbroadcast v57, $0xF;
	_ =	sdelay $0x1  }
0x2e7: {  	v58, _, _ =	vpop (xrf2);
	v25 =	vsub.f32 v56, v27  }
0x2e8: {  	v59 =	vbroadcast v58, $0xF  }
0x2e9: {  	v25 =	vmul.f32 $1.442695020e+00, v25  }
0x2ea: {  	(erf) = vrcp.f32 v59  }
0x2eb: {  	(erf) = vpow2.f32 v25;
	_ =	sdelay $0x7  }
0x2ec: {  	v60 =	vpop (erf)  }
0x2ed: {  	v61 =	vpop (erf)  }
0x2ee: {  	v62 =	vnsel vm0, $0x0, v61  }
0x2ef: {  	(xrf2) =	vadd.scan.msk.f32 $0xffff, v62;
	_ =	sdelay $0x8  }
0x2f0: {  	v6 =	vmul.f32 v8, v6  }
0x2f1: {  	v63, _, _ =	vpop (xrf2)  }
0x2f2: {  	[tilespmem:s15+$0x0] =	vst.msk $0xff, v6;
	v6 =	vmul.f32 v11, v9;
	v8 =	vbroadcast v63, $0xF  }
0x2f3: {  	[tilespmem:s16+$0x0] =	vst.msk $0xff, v5  }
0x2f4: {  	[tilespmem:s17+$0x0] =	vst.msk $0xff, v6;
	v5 =	vmul.f32 v14, v12;
	(erf) = vrcp.f32 v8  }
0x2f5: {  	[tilespmem:s18+$0x0] =	vst.msk $0xff, v7  }
0x2f6: {  	[tilespmem:s19+$0x0] =	vst.msk $0xff, v5;
	v5 =	vmul.f32 v17, v15  }
0x2f7: {  	[tilespmem:s20+$0x0] =	vst.msk $0xff, v10  }
0x2f8: {  	[tilespmem:s21+$0x0] =	vst.msk $0xff, v5;
	v5 =	vmul.f32 v19, v18  }
0x2f9: {  	[tilespmem:s22+$0x0] =	vst.msk $0xff, v13  }
0x2fa: {  	[tilespmem:s23+$0x0] =	vst.msk $0xff, v5;
	v5 =	vmul.f32 v53, v33  }
0x2fb: {  	[tilespmem:s24+$0x0] =	vst.msk $0xff, v16  }
0x2fc: {  	[tilespmem:s1+$0x0] =	vst.msk $0xff, v5;
	v5 =	vmul.f32 v60, v54  }
0x2fd: {  	[tilespmem:s0+$0x0] =	vst.msk $0xff, v24;
	v6 =	vpop (erf)  }
0x2fe: {  	[tilespmem:s10+$0x0] =	vst.msk $0xff, v5;
	v5 =	vmul.f32 v6, v61  }
0x2ff: {  	[tilespmem:s11+$0x0] =	vst.msk $0xff, v22  }
0x300: {  	[tilespmem:s13+$0x0] =	vst.msk $0xff, v5  }
0x301: {  	s28 =	simm.s32 $0x2000;
	[tilespmem:s12+$0x0] =	vst.msk $0xff, v26  }
0x302: {  	[hbm4b:s4+s2] =	stream.linear.scatter [tilespmem:s28], [sflag:$0x1], $0x200, $0x38;
	[tilespmem:$0x2900] =	vst v63  }
0x303: {  	_ =	swait.ge [sflag:s9], $0x200  }
0x304: {  	[sflag:s9] =	ssyncset.done $0x0  }
0x305: {  	s29 =	simm.s32 $0x2480;
	[sflag:s9] =	ssyncadd.s32 $0xFFFFFE00  }
0x306: {  	[hbm4b:s5+s2] =	stream.linear.scatter [tilespmem:s29], [sflag:$0x1], $0x200, $0x38;
	[tilespmem:$0x2900] =	vst v63  }
0x307: {  	_ =	swait.ge [sflag:s9], $0x200  }
0x308: {  	[sflag:s9] =	ssyncset.done $0x0  }
0x309: {  	s30 =	simm.s32 $0x2200;
	[sflag:s9] =	ssyncadd.s32 $0xFFFFFE00  }
0x30a: {  	[hbm4b:s6+s2] =	stream.linear.scatter [tilespmem:s30], [sflag:$0x1], $0x200, $0x38;
	[tilespmem:$0x2900] =	vst v63  }
0x30b: {  	s14 =	sadd.s32 $0x1, s14;
	_ =	swait.ge [sflag:s9], $0x200  }
0x30c: {  	p0 =	sne.s32 s14, s8;
	[sflag:s9] =	ssyncset.done $0x0  }
.Ltmp1:
0x30d: {  	s31 =	simm.s32 $0x2680;
	[sflag:s9] =	ssyncadd.s32 $0xFFFFFE00;
	(pc) =	sbr.rel @p0 .LBB2_1-.Ltmp1, $4  }
0x30e: {  	[hbm4b:s7+s2] =	stream.linear.scatter [tilespmem:s31], [sflag:$0x1], $0x200, $0x38;
	[tilespmem:$0x2900] =	vst v63  }
0x30f: {  	_ =	swait.ge [sflag:s9], $0x200  }
0x310: {  	[sflag:s9] =	ssyncset.done $0x0  }
0x311: {  	[sflag:s9] =	ssyncadd.s32 $0xFFFFFE00  }
0x312: {  	_ =	sfence.sel $0x180000  }
0x313: {  	[bflag:$0x0] =	sbarrier.arrive $0xFFFF  }
0x314: {  	_ =	strace $0x9000004A  }
0x315: {  	s0 =	stileid.u32;
	[bflag:$0x2] =	sbarrier.arrive $0xFFFF  }
0x316: {  	p0 =	sne.s32 s0, $0x0;
	s0 =	rddreg [dreg:$0x3]  }
0x317: {  	s0 =	sadd.s32 @!p0 $0x100000, s0  }
0x318: {  	[sflag:s0] =	ssyncadd.tile.s32 @!p0 $0x1;
	_ =	shalt  }
.Lfunc_end2:
_tile_overlayer_lowered:
.L_overlay_start_2:
0x319: {  	(tag) =	ssettag $0x2  }
0x31a: {  	s0 =	rddreg [dreg:$0x0];
	s2 =	stileid.u32  }
0x31b: {  	s1 =	rddreg [dreg:$0x1];
	p0 =	sne.s32 s2, $0x0  }
0x31c: {  	s3 =	rddreg [dreg:$0x2];
	[bflag:$0x3] =	sbarrier.arrive $0xFFFF;
	s2 =	simm.s32 @!p0 $0x1C01  }
0x31d: {  	[timem:s3], [sflag:s2] =	dma.local @!p0 [hbm:s0], s1  }
0x31e: {  	s0 =	simm.s32 @!p0 $0x1  }
0x31f: {  	_ =	swait.ge @!p0 [sflag:s0], s1  }
0x320: {  	s1 =	ssub.s32 @!p0 $0x0, s1;
	[sflag:s0] =	ssyncset.done @!p0 $0x0  }
0x321: {  	[sflag:s0] =	ssyncadd.s32 @!p0 s1  }
0x322: {  	[bflag:$0x3] =	sbarrier.arrive $0xFFFF  }
0x323: {  	_ =	shalt  }

</sc_bundles>
